<compile_context>
chip_gen: v7x
topology: tpu7x:2x2x1
jax: 0.10.2.dev20260603
libtpu: 0.0.44.dev20260713+nightly
codegen_flags: <defaults>
</compile_context>

<pallas_src>
import functools

import jax
import jax.numpy as jnp
from jax import lax
from jax.experimental import pallas as pl
from jax.experimental.pallas import tpu as pltpu
from jax.experimental.pallas import tpu_sc as plsc

_N_SRC1 = 10000
_N_DST1 = 4000
_N_DST2 = 1000
_IN = 256
_HID = 128
_CLS = 40

_NC = 2
_NS = 16
_NW = _NC * _NS
_CH = 128

_E1P = 131072
_NCH1 = _E1P // (_NW * _CH)
_ND1P = 4096
_D1 = _HID

_E2P = 32768
_NCH2 = _E2P // (_NW * _CH)
_ND2P = 1024
_D2 = 48

_ZR = 64
_DW = 16


def _sc_degrees():
    mesh = plsc.VectorSubcoreMesh(core_axis_name="c", subcore_axis_name="s")
    rps1 = _ND1P // _NS
    rps2 = _ND2P // _NS

    def body(dst1_hbm, dst2_hbm, out1_hbm, out2_hbm, idx1, idx2, ones_v,
             zbuf, deg1_sh, deg2_sh, sem):
        cid = lax.axis_index("c")
        sid = lax.axis_index("s")
        wid = sid * _NC + cid

        @pl.loop(0, _ZR)
        def _(r):
            zbuf[r, pl.ds(0, _DW)] = jnp.zeros((_DW,), jnp.float32)

        @pl.loop(0, _CH)
        def _(r):
            ones_v[r, pl.ds(0, _DW)] = jnp.ones((_DW,), jnp.float32)

        @pl.loop(0, rps1, step=_ZR)
        def _(r):
            pltpu.sync_copy(zbuf, deg1_sh.at[pl.ds(sid * rps1 + r, _ZR)])

        pltpu.sync_copy(zbuf, deg2_sh.at[pl.ds(sid * rps2, _ZR)])
        pltpu.sync_copy(dst1_hbm.at[wid], idx1)
        pltpu.sync_copy(dst2_hbm.at[wid], idx2)
        plsc.subcore_barrier()

        @pl.loop(0, _NCH1)
        def _(c):
            pltpu.async_copy(ones_v, deg1_sh.at[idx1.at[c]], sem, add=True)

        @pl.loop(0, _NCH2)
        def _(c):
            pltpu.async_copy(ones_v, deg2_sh.at[idx2.at[c]], sem, add=True)

        @pl.loop(0, _NCH1 + _NCH2)
        def _(c):
            pltpu.make_async_copy(ones_v, deg1_sh.at[idx1.at[0]], sem).wait()

        plsc.subcore_barrier()
        pltpu.sync_copy(deg1_sh.at[pl.ds(sid * rps1, rps1)],
                        out1_hbm.at[cid, pl.ds(sid * rps1, rps1)])
        pltpu.sync_copy(deg2_sh.at[pl.ds(sid * rps2, rps2)],
                        out2_hbm.at[cid, pl.ds(sid * rps2, rps2)])

    return pl.kernel(
        body,
        out_type=(jax.ShapeDtypeStruct((_NC, _ND1P, _DW), jnp.float32),
                  jax.ShapeDtypeStruct((_NC, _ND2P, _DW), jnp.float32)),
        mesh=mesh,
        scratch_types=[
            pltpu.VMEM((_NCH1, _CH), jnp.int32),
            pltpu.VMEM((_NCH2, _CH), jnp.int32),
            pltpu.VMEM((_CH, _DW), jnp.float32),
            pltpu.VMEM((_ZR, _DW), jnp.float32),
            pltpu.VMEM_SHARED((_ND1P, _DW), jnp.float32),
            pltpu.VMEM_SHARED((_ND2P, _DW), jnp.float32),
            pltpu.SemaphoreType.DMA,
        ],
        compiler_params=pltpu.CompilerParams(use_tc_tiling_on_sc=False),
    )


def _sc_edge_agg(n_dst_pad, d, nch, tiled):
    rows_per_sub = n_dst_pad // _NS
    mesh = plsc.VectorSubcoreMesh(core_axis_name="c", subcore_axis_name="s")

    def body(m_hbm, src_hbm, dst_hbm, zeros_hbm, out_hbm, srcidx, dstidx,
             msgs0, msgs1, msgs2, msgs3, zbuf, agg_sh,
             gs0, gs1, gs2, gs3, ss0, ss1, ss2, ss3):
        msgs = [msgs0, msgs1, msgs2, msgs3]
        gs = [gs0, gs1, gs2, gs3]
        ss = [ss0, ss1, ss2, ss3]
        cid = lax.axis_index("c")
        sid = lax.axis_index("s")
        wid = sid * _NC + cid

        pltpu.sync_copy(src_hbm.at[wid], srcidx)
        pltpu.sync_copy(dst_hbm.at[wid], dstidx)
        for j in range(4):
            pltpu.async_copy(m_hbm.at[srcidx.at[j]], msgs[j], gs[j])

        pltpu.sync_copy(zeros_hbm, zbuf)

        @pl.loop(0, rows_per_sub, step=_ZR)
        def _(r):
            pltpu.async_copy(zbuf, agg_sh.at[pl.ds(sid * rows_per_sub + r, _ZR)],
                             ss[0])

        @pl.loop(0, rows_per_sub, step=_ZR)
        def _(r):
            pltpu.make_async_copy(zbuf, agg_sh.at[pl.ds(0, _ZR)], ss[0]).wait()

        plsc.subcore_barrier()

        @pl.loop(0, nch, step=4)
        def _(c):
            for j in range(4):
                jp = (j + 2) % 4
                pltpu.make_async_copy(m_hbm.at[srcidx.at[c + j]], msgs[j],
                                      gs[j]).wait()
                pltpu.async_copy(msgs[j], agg_sh.at[dstidx.at[c + j]], ss[j],
                                 add=True)

                @pl.when(c + j >= 2)
                def _():
                    pltpu.make_async_copy(
                        msgs[jp], agg_sh.at[dstidx.at[c + j - 2]],
                        ss[jp]).wait()

                @pl.when(jnp.logical_and(c + j >= 2, c + j + 2 < nch))
                def _():
                    pltpu.async_copy(m_hbm.at[srcidx.at[c + j + 2]], msgs[jp],
                                     gs[jp])

        pltpu.make_async_copy(msgs[2], agg_sh.at[dstidx.at[nch - 2]],
                              ss[2]).wait()
        pltpu.make_async_copy(msgs[3], agg_sh.at[dstidx.at[nch - 1]],
                              ss[3]).wait()
        plsc.subcore_barrier()
        pltpu.sync_copy(
            agg_sh.at[pl.ds(sid * rows_per_sub, rows_per_sub)],
            out_hbm.at[cid, pl.ds(sid * rows_per_sub, rows_per_sub)])

    return pl.kernel(
        body,
        out_type=jax.ShapeDtypeStruct((_NC, n_dst_pad, d), jnp.float32),
        mesh=mesh,
        scratch_types=[
            pltpu.VMEM((nch, _CH), jnp.int32),
            pltpu.VMEM((nch, _CH), jnp.int32),
            pltpu.VMEM((_CH, d), jnp.float32),
            pltpu.VMEM((_CH, d), jnp.float32),
            pltpu.VMEM((_CH, d), jnp.float32),
            pltpu.VMEM((_CH, d), jnp.float32),
            pltpu.VMEM((_ZR, d), jnp.float32),
            pltpu.VMEM_SHARED((n_dst_pad, d), jnp.float32),
            pltpu.SemaphoreType.DMA,
            pltpu.SemaphoreType.DMA,
            pltpu.SemaphoreType.DMA,
            pltpu.SemaphoreType.DMA,
            pltpu.SemaphoreType.DMA,
            pltpu.SemaphoreType.DMA,
            pltpu.SemaphoreType.DMA,
            pltpu.SemaphoreType.DMA,
        ],
        compiler_params=pltpu.CompilerParams(use_tc_tiling_on_sc=tiled),
    )


def _pad_edges(src, dst, e_pad, n_src, n_dst, n_dst_pad, nch):
    pad = e_pad - src.shape[0]
    i = jnp.arange(pad, dtype=jnp.int32)
    psrc = i % n_src
    pdst = n_dst + (i % (n_dst_pad - n_dst))
    src_p = jnp.concatenate([src, psrc]).reshape(_NW, nch, _CH)
    dst_p = jnp.concatenate([dst, pdst]).reshape(_NW, nch, _CH)
    return src_p, dst_p


def _tc_mm1(x, w1):
    def body(x_ref, w_ref, o_ref):
        o_ref[...] = jnp.dot(x_ref[...], w_ref[...],
                             preferred_element_type=jnp.float32,
                             precision=lax.Precision.DEFAULT)

    return pl.pallas_call(
        body,
        grid=(5,),
        in_specs=[pl.BlockSpec((2000, _IN), lambda i: (i, 0)),
                  pl.BlockSpec((_IN, _HID), lambda i: (0, 0))],
        out_specs=pl.BlockSpec((2000, _HID), lambda i: (i, 0)),
        out_shape=jax.ShapeDtypeStruct((_N_SRC1, _HID), jnp.float32),
    )(x, w1)


def _tc_mid(parts, degp, w2, b1):
    def body(p_ref, g_ref, w_ref, b_ref, o_ref):
        agg = p_ref[0, :_N_DST1] + p_ref[1, :_N_DST1]
        deg = g_ref[0, :_N_DST1, :1] + g_ref[1, :_N_DST1, :1]
        deg = jnp.maximum(deg, 1.0)
        h = agg / deg + b_ref[...]
        h = jnp.maximum(h, 0.0)
        m2 = jnp.dot(h, w_ref[...], preferred_element_type=jnp.float32,
                     precision=lax.Precision.DEFAULT)
        o_ref[:, :_CLS] = m2
        o_ref[:, _CLS:] = jnp.zeros((_N_DST1, _D2 - _CLS), jnp.float32)

    return pl.pallas_call(
        body,
        out_shape=jax.ShapeDtypeStruct((_N_DST1, _D2), jnp.float32),
    )(parts, degp, w2, b1.reshape(1, _HID))


def _tc_fin(parts, degp, b2):
    def body(p_ref, g_ref, b_ref, o_ref):
        agg = p_ref[0, :_N_DST2, :_CLS] + p_ref[1, :_N_DST2, :_CLS]
        deg = g_ref[0, :_N_DST2, :1] + g_ref[1, :_N_DST2, :1]
        deg = jnp.maximum(deg, 1.0)
        logits = agg / deg + b_ref[...]
        m = jnp.max(logits, axis=-1, keepdims=True)
        s = logits - m
        lse = jnp.log(jnp.sum(jnp.exp(s), axis=-1, keepdims=True))
        o_ref[...] = s - lse

    return pl.pallas_call(
        body,
        out_shape=jax.ShapeDtypeStruct((_N_DST2, _CLS), jnp.float32),
    )(parts, degp, b2.reshape(1, _CLS))


def kernel(x, edge_index_1, edge_index_2, W1, b1, W2, b2):
    s1, d1 = _pad_edges(edge_index_1[0], edge_index_1[1], _E1P,
                        _N_SRC1, _N_DST1, _ND1P, _NCH1)
    s2, d2 = _pad_edges(edge_index_2[0], edge_index_2[1], _E2P,
                        _N_DST1, _N_DST2, _ND2P, _NCH2)
    z1 = jnp.zeros((_ZR, _D1), jnp.float32)
    z2 = jnp.zeros((_ZR, _D2), jnp.float32)

    deg1p, deg2p = _sc_degrees()(d1, d2)
    m1 = _tc_mm1(x, W1)
    parts1 = _sc_edge_agg(_ND1P, _D1, _NCH1, True)(m1, s1, d1, z1)
    m2 = _tc_mid(parts1, deg1p, W2, b1)
    parts2 = _sc_edge_agg(_ND2P, _D2, _NCH2, False)(m2, s2, d2, z2)
    return _tc_fin(parts2, deg2p, b2)

# --- scband reference (transcript-rebuilt; emitter-appended) ---
"""Pipeline reference for scband-gcn-32066225832643 (READ-ONLY COPY).

The authoritative reference and input builder live on the scoring server;
editing this copy changes nothing except your own understanding.
"""

import jax, jax.numpy as jnp
import numpy as np

N_SRC1 = 10000
N_DST1 = 4000
N_DST2 = 1000
E1 = 128000
E2 = 32000
IN_FEATS = 256
N_HIDDEN = 128
N_CLASSES = 40


def setup_inputs(seed: int = 0):
    key = jax.random.key(seed)
    ks = jax.random.split(key, 10)
    x = jax.random.normal(ks[0], (N_SRC1, IN_FEATS), dtype=jnp.float32)
    # block 1: bipartite src (10000) -> dst (4000)
    src1 = jax.random.randint(ks[1], (E1,), 0, N_SRC1, dtype=jnp.int32)
    dst1 = jax.random.randint(ks[2], (E1,), 0, N_DST1, dtype=jnp.int32)
    edge_index_1 = jnp.stack([src1, dst1], axis=0)
    # block 2: bipartite src (4000) -> dst (1000)
    src2 = jax.random.randint(ks[3], (E2,), 0, N_DST1, dtype=jnp.int32)
    dst2 = jax.random.randint(ks[4], (E2,), 0, N_DST2, dtype=jnp.int32)
    edge_index_2 = jnp.stack([src2, dst2], axis=0)
    # GraphConv weights (Glorot) and biases
    W1 = jax.random.normal(ks[5], (IN_FEATS, N_HIDDEN), dtype=jnp.float32) * (1.0 / np.sqrt(IN_FEATS))
    b1 = jnp.zeros((N_HIDDEN,), dtype=jnp.float32)
    W2 = jax.random.normal(ks[6], (N_HIDDEN, N_CLASSES), dtype=jnp.float32) * (1.0 / np.sqrt(N_HIDDEN))
    b2 = jnp.zeros((N_CLASSES,), dtype=jnp.float32)
    return {"x": x, "edge_index_1": edge_index_1, "edge_index_2": edge_index_2,
            "W1": W1, "b1": b1, "W2": W2, "b2": b2}


def _graph_conv(h_src, src, dst, num_dst, W, b, apply_act):
    # DGL GraphConv, norm='right'. in_feats > out_feats for both layers,
    # so weight is applied BEFORE aggregation (mult_first path).
    m = h_src @ W
    msg = jnp.take(m, src, axis=0)                     # gather over edges
    agg = jax.ops.segment_sum(msg, dst, num_segments=num_dst)  # scatter-add
    deg = jax.ops.segment_sum(jnp.ones((dst.shape[0],), dtype=m.dtype), dst,
                              num_segments=num_dst)
    deg = jnp.clip(deg, 1.0)                            # norm='right': divide by in-degree
    h = agg / deg[:, None]
    h = h + b
    if apply_act:
        h = jax.nn.relu(h)
    return h


def reference(x, edge_index_1, edge_index_2, W1, b1, W2, b2):
    # layer 0 (activation=relu)
    h = _graph_conv(x, edge_index_1[0], edge_index_1[1], N_DST1, W1, b1, True)
    # layer 1 (no activation)
    h = _graph_conv(h, edge_index_2[0], edge_index_2[1], N_DST2, W2, b2, False)
    return jax.nn.log_softmax(h, axis=-1)

if __name__ == "__main__":
    import jax
    _d = setup_inputs()
    print(jax.jit(kernel)(*tuple(_d.values())))

</pallas_src>

<mosaic_0001>
#map = affine_map<(d0, d1) -> (0, 0)>
#map1 = affine_map<(d0, d1) -> (0, 0, 0)>
module attributes {stable_mosaic.version = 14 : i64} {
  func.func @body(%arg0: i32, %arg1: i32, %arg2: memref<10000x128xf32, #tpu.memory_space<hbm>>, %arg3: memref<32x32x128xi32, #tpu.memory_space<hbm>>, %arg4: memref<32x32x128xi32, #tpu.memory_space<hbm>>, %arg5: memref<64x128xf32, #tpu.memory_space<hbm>>, %arg6: memref<2x4096x128xf32, #tpu.memory_space<hbm>>, %arg7: memref<32x128xi32, #tpu.memory_space<vmem>>, %arg8: memref<32x128xi32, #tpu.memory_space<vmem>>, %arg9: memref<128x128xf32, #tpu.memory_space<vmem>>, %arg10: memref<128x128xf32, #tpu.memory_space<vmem>>, %arg11: memref<128x128xf32, #tpu.memory_space<vmem>>, %arg12: memref<128x128xf32, #tpu.memory_space<vmem>>, %arg13: memref<64x128xf32, #tpu.memory_space<vmem>>, %arg14: memref<4096x128xf32, #tpu.memory_space<vmem_shared>>, %arg15: memref<!tpu.dma_semaphore, #tpu.memory_space<semaphore_mem>>, %arg16: memref<!tpu.dma_semaphore, #tpu.memory_space<semaphore_mem>>, %arg17: memref<!tpu.dma_semaphore, #tpu.memory_space<semaphore_mem>>, %arg18: memref<!tpu.dma_semaphore, #tpu.memory_space<semaphore_mem>>, %arg19: memref<!tpu.dma_semaphore, #tpu.memory_space<semaphore_mem>>, %arg20: memref<!tpu.dma_semaphore, #tpu.memory_space<semaphore_mem>>, %arg21: memref<!tpu.dma_semaphore, #tpu.memory_space<semaphore_mem>>, %arg22: memref<!tpu.dma_semaphore, #tpu.memory_space<semaphore_mem>>) attributes {dimension_semantics = [#tpu.dimension_semantics<core_parallel>, #tpu.dimension_semantics<subcore_parallel>], iteration_bounds = array<i64: 2, 16>, scalar_prefetch = 0 : i64, scratch_operands = 16 : i64, tpu.core_type = #tpu.core_type<sc_vector_subcore>, window_params = [{transform_indices = #map}, {transform_indices = #map1}, {transform_indices = #map1}, {transform_indices = #map}, {transform_indices = #map1}]} {
    %mul3A = arith.constant 2 : i32
    %mul3A_0 = arith.muli %arg1, %mul3A : i32
    %add3A = arith.addi %mul3A_0, %arg0 : i32
    "tpu.region"() ({
      %run_scoped3A = tpu.sem_alloc : memref<!tpu.dma_semaphore, #tpu.memory_space<semaphore_mem>>
      %dma_start3A_60 = arith.constant 0 : i32
      %dma_start3A_61 = arith.constant 0 : i32
      %dma_start3A_62 = tpu.memref_slice %arg3[%add3A, %dma_start3A_60, %dma_start3A_61] : memref<32x32x128xi32, #tpu.memory_space<hbm>> -> memref<1x32x128xi32, #tpu.memory_space<hbm>>
      %dma_start3A_63 = tpu.memref_squeeze %dma_start3A_62 : memref<1x32x128xi32, #tpu.memory_space<hbm>> -> memref<32x128xi32, #tpu.memory_space<hbm>>
      %dma_start3A_64 = arith.constant 0 : i32
      %dma_start3A_65 = arith.constant 0 : i32
      %dma_start3A_66 = tpu.memref_slice %arg3[%add3A, %dma_start3A_64, %dma_start3A_65] : memref<32x32x128xi32, #tpu.memory_space<hbm>> -> memref<1x32x128xi32, #tpu.memory_space<hbm>>
      %dma_start3A_67 = tpu.memref_squeeze %dma_start3A_66 : memref<1x32x128xi32, #tpu.memory_space<hbm>> -> memref<32x128xi32, #tpu.memory_space<hbm>>
      tpu.enqueue_dma source(%dma_start3A_67 : memref<32x128xi32, #tpu.memory_space<hbm>>) target(%arg7 : memref<32x128xi32, #tpu.memory_space<vmem>>) target_semaphore(%run_scoped3A : memref<!tpu.dma_semaphore, #tpu.memory_space<semaphore_mem>>)
      %dma_wait3A_68 = arith.constant 0 : i32
      %dma_wait3A_69 = arith.constant 0 : i32
      %dma_wait3A_70 = tpu.memref_slice %arg3[%add3A, %dma_wait3A_68, %dma_wait3A_69] : memref<32x32x128xi32, #tpu.memory_space<hbm>> -> memref<1x32x128xi32, #tpu.memory_space<hbm>>
      %dma_wait3A_71 = tpu.memref_squeeze %dma_wait3A_70 : memref<1x32x128xi32, #tpu.memory_space<hbm>> -> memref<32x128xi32, #tpu.memory_space<hbm>>
      %dma_wait3A_72 = arith.constant 0 : i32
      %dma_wait3A_73 = arith.constant 0 : i32
      %dma_wait3A_74 = tpu.memref_slice %arg3[%add3A, %dma_wait3A_72, %dma_wait3A_73] : memref<32x32x128xi32, #tpu.memory_space<hbm>> -> memref<1x32x128xi32, #tpu.memory_space<hbm>>
      %dma_wait3A_75 = tpu.memref_squeeze %dma_wait3A_74 : memref<1x32x128xi32, #tpu.memory_space<hbm>> -> memref<32x128xi32, #tpu.memory_space<hbm>>
      tpu.wait_dma2 semaphore(%run_scoped3A : memref<!tpu.dma_semaphore, #tpu.memory_space<semaphore_mem>>) src(%dma_wait3A_75 : memref<32x128xi32, #tpu.memory_space<hbm>>) dst(%arg7 : memref<32x128xi32, #tpu.memory_space<vmem>>)
      tpu.yield
    }) : () -> ()
    "tpu.region"() ({
      %run_scoped3A = tpu.sem_alloc : memref<!tpu.dma_semaphore, #tpu.memory_space<semaphore_mem>>
      %dma_start3A_60 = arith.constant 0 : i32
      %dma_start3A_61 = arith.constant 0 : i32
      %dma_start3A_62 = tpu.memref_slice %arg4[%add3A, %dma_start3A_60, %dma_start3A_61] : memref<32x32x128xi32, #tpu.memory_space<hbm>> -> memref<1x32x128xi32, #tpu.memory_space<hbm>>
      %dma_start3A_63 = tpu.memref_squeeze %dma_start3A_62 : memref<1x32x128xi32, #tpu.memory_space<hbm>> -> memref<32x128xi32, #tpu.memory_space<hbm>>
      %dma_start3A_64 = arith.constant 0 : i32
      %dma_start3A_65 = arith.constant 0 : i32
      %dma_start3A_66 = tpu.memref_slice %arg4[%add3A, %dma_start3A_64, %dma_start3A_65] : memref<32x32x128xi32, #tpu.memory_space<hbm>> -> memref<1x32x128xi32, #tpu.memory_space<hbm>>
      %dma_start3A_67 = tpu.memref_squeeze %dma_start3A_66 : memref<1x32x128xi32, #tpu.memory_space<hbm>> -> memref<32x128xi32, #tpu.memory_space<hbm>>
      tpu.enqueue_dma source(%dma_start3A_67 : memref<32x128xi32, #tpu.memory_space<hbm>>) target(%arg8 : memref<32x128xi32, #tpu.memory_space<vmem>>) target_semaphore(%run_scoped3A : memref<!tpu.dma_semaphore, #tpu.memory_space<semaphore_mem>>)
      %dma_wait3A_68 = arith.constant 0 : i32
      %dma_wait3A_69 = arith.constant 0 : i32
      %dma_wait3A_70 = tpu.memref_slice %arg4[%add3A, %dma_wait3A_68, %dma_wait3A_69] : memref<32x32x128xi32, #tpu.memory_space<hbm>> -> memref<1x32x128xi32, #tpu.memory_space<hbm>>
      %dma_wait3A_71 = tpu.memref_squeeze %dma_wait3A_70 : memref<1x32x128xi32, #tpu.memory_space<hbm>> -> memref<32x128xi32, #tpu.memory_space<hbm>>
      %dma_wait3A_72 = arith.constant 0 : i32
      %dma_wait3A_73 = arith.constant 0 : i32
      %dma_wait3A_74 = tpu.memref_slice %arg4[%add3A, %dma_wait3A_72, %dma_wait3A_73] : memref<32x32x128xi32, #tpu.memory_space<hbm>> -> memref<1x32x128xi32, #tpu.memory_space<hbm>>
      %dma_wait3A_75 = tpu.memref_squeeze %dma_wait3A_74 : memref<1x32x128xi32, #tpu.memory_space<hbm>> -> memref<32x128xi32, #tpu.memory_space<hbm>>
      tpu.wait_dma2 semaphore(%run_scoped3A : memref<!tpu.dma_semaphore, #tpu.memory_space<semaphore_mem>>) src(%dma_wait3A_75 : memref<32x128xi32, #tpu.memory_space<hbm>>) dst(%arg8 : memref<32x128xi32, #tpu.memory_space<vmem>>)
      tpu.yield
    }) : () -> ()
    %dma_start3A = arith.constant 0 : i32
    %dma_start3A_1 = arith.constant 0 : i32
    %dma_start3A_2 = tpu.memref_slice %arg7[%dma_start3A, %dma_start3A_1] : memref<32x128xi32, #tpu.memory_space<vmem>> -> memref<1x128xi32, #tpu.memory_space<vmem>>
    %dma_start3A_3 = tpu.memref_squeeze %dma_start3A_2 : memref<1x128xi32, #tpu.memory_space<vmem>> -> memref<128xi32, #tpu.memory_space<vmem>>
    %dma_start3A_4 = arith.constant 0 : i32
    %dma_start3A_5 = arith.constant 0 : i32
    %dma_start3A_6 = tpu.memref_slice %arg2[%dma_start3A_4, %dma_start3A_5] : memref<10000x128xf32, #tpu.memory_space<hbm>> -> memref<10000x128xf32, #tpu.memory_space<hbm>>
    tpu.enqueue_indirect_dma source(%dma_start3A_6 : memref<10000x128xf32, #tpu.memory_space<hbm>>) target(%arg9 : memref<128x128xf32, #tpu.memory_space<vmem>>) offsets(%dma_start3A_3 : memref<128xi32, #tpu.memory_space<vmem>>) semaphore(%arg15 : memref<!tpu.dma_semaphore, #tpu.memory_space<semaphore_mem>>)
    %dma_start3A_7 = arith.constant 1 : i32
    %dma_start3A_8 = arith.constant 0 : i32
    %dma_start3A_9 = tpu.memref_slice %arg7[%dma_start3A_7, %dma_start3A_8] : memref<32x128xi32, #tpu.memory_space<vmem>> -> memref<1x128xi32, #tpu.memory_space<vmem>>
    %dma_start3A_10 = tpu.memref_squeeze %dma_start3A_9 : memref<1x128xi32, #tpu.memory_space<vmem>> -> memref<128xi32, #tpu.memory_space<vmem>>
    %dma_start3A_11 = arith.constant 0 : i32
    %dma_start3A_12 = arith.constant 0 : i32
    %dma_start3A_13 = tpu.memref_slice %arg2[%dma_start3A_11, %dma_start3A_12] : memref<10000x128xf32, #tpu.memory_space<hbm>> -> memref<10000x128xf32, #tpu.memory_space<hbm>>
    tpu.enqueue_indirect_dma source(%dma_start3A_13 : memref<10000x128xf32, #tpu.memory_space<hbm>>) target(%arg10 : memref<128x128xf32, #tpu.memory_space<vmem>>) offsets(%dma_start3A_10 : memref<128xi32, #tpu.memory_space<vmem>>) semaphore(%arg16 : memref<!tpu.dma_semaphore, #tpu.memory_space<semaphore_mem>>)
    %dma_start3A_14 = arith.constant 2 : i32
    %dma_start3A_15 = arith.constant 0 : i32
    %dma_start3A_16 = tpu.memref_slice %arg7[%dma_start3A_14, %dma_start3A_15] : memref<32x128xi32, #tpu.memory_space<vmem>> -> memref<1x128xi32, #tpu.memory_space<vmem>>
    %dma_start3A_17 = tpu.memref_squeeze %dma_start3A_16 : memref<1x128xi32, #tpu.memory_space<vmem>> -> memref<128xi32, #tpu.memory_space<vmem>>
    %dma_start3A_18 = arith.constant 0 : i32
    %dma_start3A_19 = arith.constant 0 : i32
    %dma_start3A_20 = tpu.memref_slice %arg2[%dma_start3A_18, %dma_start3A_19] : memref<10000x128xf32, #tpu.memory_space<hbm>> -> memref<10000x128xf32, #tpu.memory_space<hbm>>
    tpu.enqueue_indirect_dma source(%dma_start3A_20 : memref<10000x128xf32, #tpu.memory_space<hbm>>) target(%arg11 : memref<128x128xf32, #tpu.memory_space<vmem>>) offsets(%dma_start3A_17 : memref<128xi32, #tpu.memory_space<vmem>>) semaphore(%arg17 : memref<!tpu.dma_semaphore, #tpu.memory_space<semaphore_mem>>)
    %dma_start3A_21 = arith.constant 3 : i32
    %dma_start3A_22 = arith.constant 0 : i32
    %dma_start3A_23 = tpu.memref_slice %arg7[%dma_start3A_21, %dma_start3A_22] : memref<32x128xi32, #tpu.memory_space<vmem>> -> memref<1x128xi32, #tpu.memory_space<vmem>>
    %dma_start3A_24 = tpu.memref_squeeze %dma_start3A_23 : memref<1x128xi32, #tpu.memory_space<vmem>> -> memref<128xi32, #tpu.memory_space<vmem>>
    %dma_start3A_25 = arith.constant 0 : i32
    %dma_start3A_26 = arith.constant 0 : i32
    %dma_start3A_27 = tpu.memref_slice %arg2[%dma_start3A_25, %dma_start3A_26] : memref<10000x128xf32, #tpu.memory_space<hbm>> -> memref<10000x128xf32, #tpu.memory_space<hbm>>
    tpu.enqueue_indirect_dma source(%dma_start3A_27 : memref<10000x128xf32, #tpu.memory_space<hbm>>) target(%arg12 : memref<128x128xf32, #tpu.memory_space<vmem>>) offsets(%dma_start3A_24 : memref<128xi32, #tpu.memory_space<vmem>>) semaphore(%arg18 : memref<!tpu.dma_semaphore, #tpu.memory_space<semaphore_mem>>)
    "tpu.region"() ({
      %run_scoped3A = tpu.sem_alloc : memref<!tpu.dma_semaphore, #tpu.memory_space<semaphore_mem>>
      tpu.enqueue_dma source(%arg5 : memref<64x128xf32, #tpu.memory_space<hbm>>) target(%arg13 : memref<64x128xf32, #tpu.memory_space<vmem>>) target_semaphore(%run_scoped3A : memref<!tpu.dma_semaphore, #tpu.memory_space<semaphore_mem>>)
      tpu.wait_dma2 semaphore(%run_scoped3A : memref<!tpu.dma_semaphore, #tpu.memory_space<semaphore_mem>>) src(%arg5 : memref<64x128xf32, #tpu.memory_space<hbm>>) dst(%arg13 : memref<64x128xf32, #tpu.memory_space<vmem>>)
      tpu.yield
    }) : () -> ()
    %scan3A = arith.constant 0 : i32
    %scan3A_28 = arith.constant 4 : i32
    %scan3A_29 = arith.addi %scan3A, %scan3A_28 : i32
    %scan3A_30 = arith.constant 1 : i32
    scf.for %scan3A_60 = %scan3A to %scan3A_29 step %scan3A_30  : i32 {
      %mul3A_61 = arith.constant 64 : i32
      %mul3A_62 = arith.muli %scan3A_60, %mul3A_61 : i32
      %add3A_63 = arith.constant 0 : i32
      %add3A_64 = arith.addi %add3A_63, %mul3A_62 : i32
      %mul3A_65 = arith.constant 256 : i32
      %mul3A_66 = arith.muli %arg1, %mul3A_65 : i32
      %add3A_67 = arith.addi %mul3A_66, %add3A_64 : i32
      %dma_start3A_68 = arith.constant 0 : i32
      %dma_start3A_69 = tpu.memref_slice %arg14[%add3A_67, %dma_start3A_68] : memref<4096x128xf32, #tpu.memory_space<vmem_shared>> -> memref<64x128xf32, #tpu.memory_space<vmem_shared>>
      %dma_start3A_70 = arith.constant 0 : i32
      %dma_start3A_71 = tpu.memref_slice %arg14[%add3A_67, %dma_start3A_70] : memref<4096x128xf32, #tpu.memory_space<vmem_shared>> -> memref<64x128xf32, #tpu.memory_space<vmem_shared>>
      tpu.enqueue_dma source(%arg13 : memref<64x128xf32, #tpu.memory_space<vmem>>) target(%dma_start3A_71 : memref<64x128xf32, #tpu.memory_space<vmem_shared>>) target_semaphore(%arg19 : memref<!tpu.dma_semaphore, #tpu.memory_space<semaphore_mem>>)
    }
    %scan3A_31 = arith.constant 4 : i32
    %scan3A_32 = arith.constant 0 : i32
    %scan3A_33 = arith.constant 4 : i32
    %scan3A_34 = arith.addi %scan3A_32, %scan3A_33 : i32
    %scan3A_35 = arith.constant 1 : i32
    scf.for %scan3A_60 = %scan3A_32 to %scan3A_34 step %scan3A_35  : i32 {
      %mul3A_61 = arith.constant 64 : i32
      %mul3A_62 = arith.muli %scan3A_60, %mul3A_61 : i32
      %add3A_63 = arith.constant 0 : i32
      %add3A_64 = arith.addi %add3A_63, %mul3A_62 : i32
      %dma_wait3A_65 = arith.constant 0 : i32
      %dma_wait3A_66 = arith.constant 0 : i32
      %dma_wait3A_67 = tpu.memref_slice %arg14[%dma_wait3A_65, %dma_wait3A_66] : memref<4096x128xf32, #tpu.memory_space<vmem_shared>> -> memref<64x128xf32, #tpu.memory_space<vmem_shared>>
      %dma_wait3A_68 = arith.constant 0 : i32
      %dma_wait3A_69 = arith.constant 0 : i32
      %dma_wait3A_70 = tpu.memref_slice %arg14[%dma_wait3A_68, %dma_wait3A_69] : memref<4096x128xf32, #tpu.memory_space<vmem_shared>> -> memref<64x128xf32, #tpu.memory_space<vmem_shared>>
      tpu.wait_dma2 semaphore(%arg19 : memref<!tpu.dma_semaphore, #tpu.memory_space<semaphore_mem>>) src(%arg13 : memref<64x128xf32, #tpu.memory_space<vmem>>) dst(%dma_wait3A_70 : memref<64x128xf32, #tpu.memory_space<vmem_shared>>)
    }
    %scan3A_36 = arith.constant 4 : i32
    %barrier3A = arith.constant 0 : index
    tpu.barrier barrier_id(%barrier3A)
    %scan3A_37 = arith.constant 0 : i32
    %scan3A_38 = arith.constant 8 : i32
    %scan3A_39 = arith.addi %scan3A_37, %scan3A_38 : i32
    %scan3A_40 = arith.constant 1 : i32
    scf.for %scan3A_60 = %scan3A_37 to %scan3A_39 step %scan3A_40  : i32 {
      %mul3A_61 = arith.constant 4 : i32
      %mul3A_62 = arith.muli %scan3A_60, %mul3A_61 : i32
      %add3A_63 = arith.constant 0 : i32
      %add3A_64 = arith.addi %add3A_63, %mul3A_62 : i32
      %add3A_65 = arith.constant 0 : i32
      %add3A_66 = arith.addi %add3A_64, %add3A_65 : i32
      %dma_wait3A_67 = arith.constant 0 : i32
      %dma_wait3A_68 = tpu.memref_slice %arg7[%add3A_66, %dma_wait3A_67] : memref<32x128xi32, #tpu.memory_space<vmem>> -> memref<1x128xi32, #tpu.memory_space<vmem>>
      %dma_wait3A_69 = tpu.memref_squeeze %dma_wait3A_68 : memref<1x128xi32, #tpu.memory_space<vmem>> -> memref<128xi32, #tpu.memory_space<vmem>>
      %dma_wait3A_70 = arith.constant 0 : i32
      %dma_wait3A_71 = arith.constant 0 : i32
      %dma_wait3A_72 = tpu.memref_slice %arg2[%dma_wait3A_70, %dma_wait3A_71] : memref<10000x128xf32, #tpu.memory_space<hbm>> -> memref<10000x128xf32, #tpu.memory_space<hbm>>
      tpu.wait_indirect_dma semaphore(%arg15 : memref<!tpu.dma_semaphore, #tpu.memory_space<semaphore_mem>>) src(%dma_wait3A_72 : memref<10000x128xf32, #tpu.memory_space<hbm>>) dst(%arg9 : memref<128x128xf32, #tpu.memory_space<vmem>>)
      %add3A_73 = arith.constant 0 : i32
      %add3A_74 = arith.addi %add3A_64, %add3A_73 : i32
      %dma_start3A_75 = arith.constant 0 : i32
      %dma_start3A_76 = tpu.memref_slice %arg8[%add3A_74, %dma_start3A_75] : memref<32x128xi32, #tpu.memory_space<vmem>> -> memref<1x128xi32, #tpu.memory_space<vmem>>
      %dma_start3A_77 = tpu.memref_squeeze %dma_start3A_76 : memref<1x128xi32, #tpu.memory_space<vmem>> -> memref<128xi32, #tpu.memory_space<vmem>>
      %dma_start3A_78 = arith.constant 0 : i32
      %dma_start3A_79 = arith.constant 0 : i32
      %dma_start3A_80 = tpu.memref_slice %arg14[%dma_start3A_78, %dma_start3A_79] : memref<4096x128xf32, #tpu.memory_space<vmem_shared>> -> memref<4096x128xf32, #tpu.memory_space<vmem_shared>>
      tpu.enqueue_indirect_dma source(%arg9 : memref<128x128xf32, #tpu.memory_space<vmem>>) target(%dma_start3A_80 : memref<4096x128xf32, #tpu.memory_space<vmem_shared>>) offsets(%dma_start3A_77 : memref<128xi32, #tpu.memory_space<vmem>>) semaphore(%arg19 : memref<!tpu.dma_semaphore, #tpu.memory_space<semaphore_mem>>) {add = true}
      %add3A_81 = arith.constant 0 : i32
      %add3A_82 = arith.addi %add3A_64, %add3A_81 : i32
      %ge3A = arith.constant 2 : i32
      %ge3A_83 = arith.cmpi sge, %add3A_82, %ge3A : i32
      %convert_element_type3A = arith.extui %ge3A_83 : i1 to i32
      %cond3A = arith.constant 0 : i32
      %cond3A_84 = arith.cmpi ne, %convert_element_type3A, %cond3A : i32
      scf.if %cond3A_84 {
        %add3A_208 = arith.constant 0 : i32
        %add3A_209 = arith.addi %add3A_64, %add3A_208 : i32
        %sub3A = arith.constant 2 : i32
        %sub3A_210 = arith.subi %add3A_209, %sub3A : i32
        %dma_wait3A_211 = arith.constant 0 : i32
        %dma_wait3A_212 = tpu.memref_slice %arg8[%sub3A_210, %dma_wait3A_211] : memref<32x128xi32, #tpu.memory_space<vmem>> -> memref<1x128xi32, #tpu.memory_space<vmem>>
        %dma_wait3A_213 = tpu.memref_squeeze %dma_wait3A_212 : memref<1x128xi32, #tpu.memory_space<vmem>> -> memref<128xi32, #tpu.memory_space<vmem>>
        %dma_wait3A_214 = arith.constant 0 : i32
        %dma_wait3A_215 = arith.constant 0 : i32
        %dma_wait3A_216 = tpu.memref_slice %arg14[%dma_wait3A_214, %dma_wait3A_215] : memref<4096x128xf32, #tpu.memory_space<vmem_shared>> -> memref<4096x128xf32, #tpu.memory_space<vmem_shared>>
        tpu.wait_indirect_dma semaphore(%arg21 : memref<!tpu.dma_semaphore, #tpu.memory_space<semaphore_mem>>) src(%arg11 : memref<128x128xf32, #tpu.memory_space<vmem>>) dst(%dma_wait3A_216 : memref<4096x128xf32, #tpu.memory_space<vmem_shared>>)
      } else {
      }
      %add3A_85 = arith.constant 0 : i32
      %add3A_86 = arith.addi %add3A_64, %add3A_85 : i32
      %ge3A_87 = arith.constant 2 : i32
      %ge3A_88 = arith.cmpi sge, %add3A_86, %ge3A_87 : i32
      %add3A_89 = arith.constant 0 : i32
      %add3A_90 = arith.addi %add3A_64, %add3A_89 : i32
      %add3A_91 = arith.constant 2 : i32
      %add3A_92 = arith.addi %add3A_90, %add3A_91 : i32
      %lt3A = arith.constant 32 : i32
      %lt3A_93 = arith.cmpi slt, %add3A_92, %lt3A : i32
      %and3A = arith.andi %ge3A_88, %lt3A_93 : i1
      %convert_element_type3A_94 = arith.extui %and3A : i1 to i32
      %cond3A_95 = arith.constant 0 : i32
      %cond3A_96 = arith.cmpi ne, %convert_element_type3A_94, %cond3A_95 : i32
      scf.if %cond3A_96 {
        %add3A_208 = arith.constant 0 : i32
        %add3A_209 = arith.addi %add3A_64, %add3A_208 : i32
        %add3A_210 = arith.constant 2 : i32
        %add3A_211 = arith.addi %add3A_209, %add3A_210 : i32
        %dma_start3A_212 = arith.constant 0 : i32
        %dma_start3A_213 = tpu.memref_slice %arg7[%add3A_211, %dma_start3A_212] : memref<32x128xi32, #tpu.memory_space<vmem>> -> memref<1x128xi32, #tpu.memory_space<vmem>>
        %dma_start3A_214 = tpu.memref_squeeze %dma_start3A_213 : memref<1x128xi32, #tpu.memory_space<vmem>> -> memref<128xi32, #tpu.memory_space<vmem>>
        %dma_start3A_215 = arith.constant 0 : i32
        %dma_start3A_216 = arith.constant 0 : i32
        %dma_start3A_217 = tpu.memref_slice %arg2[%dma_start3A_215, %dma_start3A_216] : memref<10000x128xf32, #tpu.memory_space<hbm>> -> memref<10000x128xf32, #tpu.memory_space<hbm>>
        tpu.enqueue_indirect_dma source(%dma_start3A_217 : memref<10000x128xf32, #tpu.memory_space<hbm>>) target(%arg11 : memref<128x128xf32, #tpu.memory_space<vmem>>) offsets(%dma_start3A_214 : memref<128xi32, #tpu.memory_space<vmem>>) semaphore(%arg17 : memref<!tpu.dma_semaphore, #tpu.memory_space<semaphore_mem>>)
      } else {
      }
      %add3A_97 = arith.constant 1 : i32
      %add3A_98 = arith.addi %add3A_64, %add3A_97 : i32
      %dma_wait3A_99 = arith.constant 0 : i32
      %dma_wait3A_100 = tpu.memref_slice %arg7[%add3A_98, %dma_wait3A_99] : memref<32x128xi32, #tpu.memory_space<vmem>> -> memref<1x128xi32, #tpu.memory_space<vmem>>
      %dma_wait3A_101 = tpu.memref_squeeze %dma_wait3A_100 : memref<1x128xi32, #tpu.memory_space<vmem>> -> memref<128xi32, #tpu.memory_space<vmem>>
      %dma_wait3A_102 = arith.constant 0 : i32
      %dma_wait3A_103 = arith.constant 0 : i32
      %dma_wait3A_104 = tpu.memref_slice %arg2[%dma_wait3A_102, %dma_wait3A_103] : memref<10000x128xf32, #tpu.memory_space<hbm>> -> memref<10000x128xf32, #tpu.memory_space<hbm>>
      tpu.wait_indirect_dma semaphore(%arg16 : memref<!tpu.dma_semaphore, #tpu.memory_space<semaphore_mem>>) src(%dma_wait3A_104 : memref<10000x128xf32, #tpu.memory_space<hbm>>) dst(%arg10 : memref<128x128xf32, #tpu.memory_space<vmem>>)
      %add3A_105 = arith.constant 1 : i32
      %add3A_106 = arith.addi %add3A_64, %add3A_105 : i32
      %dma_start3A_107 = arith.constant 0 : i32
      %dma_start3A_108 = tpu.memref_slice %arg8[%add3A_106, %dma_start3A_107] : memref<32x128xi32, #tpu.memory_space<vmem>> -> memref<1x128xi32, #tpu.memory_space<vmem>>
      %dma_start3A_109 = tpu.memref_squeeze %dma_start3A_108 : memref<1x128xi32, #tpu.memory_space<vmem>> -> memref<128xi32, #tpu.memory_space<vmem>>
      %dma_start3A_110 = arith.constant 0 : i32
      %dma_start3A_111 = arith.constant 0 : i32
      %dma_start3A_112 = tpu.memref_slice %arg14[%dma_start3A_110, %dma_start3A_111] : memref<4096x128xf32, #tpu.memory_space<vmem_shared>> -> memref<4096x128xf32, #tpu.memory_space<vmem_shared>>
      tpu.enqueue_indirect_dma source(%arg10 : memref<128x128xf32, #tpu.memory_space<vmem>>) target(%dma_start3A_112 : memref<4096x128xf32, #tpu.memory_space<vmem_shared>>) offsets(%dma_start3A_109 : memref<128xi32, #tpu.memory_space<vmem>>) semaphore(%arg20 : memref<!tpu.dma_semaphore, #tpu.memory_space<semaphore_mem>>) {add = true}
      %add3A_113 = arith.constant 1 : i32
      %add3A_114 = arith.addi %add3A_64, %add3A_113 : i32
      %ge3A_115 = arith.constant 2 : i32
      %ge3A_116 = arith.cmpi sge, %add3A_114, %ge3A_115 : i32
      %convert_element_type3A_117 = arith.extui %ge3A_116 : i1 to i32
      %cond3A_118 = arith.constant 0 : i32
      %cond3A_119 = arith.cmpi ne, %convert_element_type3A_117, %cond3A_118 : i32
      scf.if %cond3A_119 {
        %add3A_208 = arith.constant 1 : i32
        %add3A_209 = arith.addi %add3A_64, %add3A_208 : i32
        %sub3A = arith.constant 2 : i32
        %sub3A_210 = arith.subi %add3A_209, %sub3A : i32
        %dma_wait3A_211 = arith.constant 0 : i32
        %dma_wait3A_212 = tpu.memref_slice %arg8[%sub3A_210, %dma_wait3A_211] : memref<32x128xi32, #tpu.memory_space<vmem>> -> memref<1x128xi32, #tpu.memory_space<vmem>>
        %dma_wait3A_213 = tpu.memref_squeeze %dma_wait3A_212 : memref<1x128xi32, #tpu.memory_space<vmem>> -> memref<128xi32, #tpu.memory_space<vmem>>
        %dma_wait3A_214 = arith.constant 0 : i32
        %dma_wait3A_215 = arith.constant 0 : i32
        %dma_wait3A_216 = tpu.memref_slice %arg14[%dma_wait3A_214, %dma_wait3A_215] : memref<4096x128xf32, #tpu.memory_space<vmem_shared>> -> memref<4096x128xf32, #tpu.memory_space<vmem_shared>>
        tpu.wait_indirect_dma semaphore(%arg22 : memref<!tpu.dma_semaphore, #tpu.memory_space<semaphore_mem>>) src(%arg12 : memref<128x128xf32, #tpu.memory_space<vmem>>) dst(%dma_wait3A_216 : memref<4096x128xf32, #tpu.memory_space<vmem_shared>>)
      } else {
      }
      %add3A_120 = arith.constant 1 : i32
      %add3A_121 = arith.addi %add3A_64, %add3A_120 : i32
      %ge3A_122 = arith.constant 2 : i32
      %ge3A_123 = arith.cmpi sge, %add3A_121, %ge3A_122 : i32
      %add3A_124 = arith.constant 1 : i32
      %add3A_125 = arith.addi %add3A_64, %add3A_124 : i32
      %add3A_126 = arith.constant 2 : i32
      %add3A_127 = arith.addi %add3A_125, %add3A_126 : i32
      %lt3A_128 = arith.constant 32 : i32
      %lt3A_129 = arith.cmpi slt, %add3A_127, %lt3A_128 : i32
      %and3A_130 = arith.andi %ge3A_123, %lt3A_129 : i1
      %convert_element_type3A_131 = arith.extui %and3A_130 : i1 to i32
      %cond3A_132 = arith.constant 0 : i32
      %cond3A_133 = arith.cmpi ne, %convert_element_type3A_131, %cond3A_132 : i32
      scf.if %cond3A_133 {
        %add3A_208 = arith.constant 1 : i32
        %add3A_209 = arith.addi %add3A_64, %add3A_208 : i32
        %add3A_210 = arith.constant 2 : i32
        %add3A_211 = arith.addi %add3A_209, %add3A_210 : i32
        %dma_start3A_212 = arith.constant 0 : i32
        %dma_start3A_213 = tpu.memref_slice %arg7[%add3A_211, %dma_start3A_212] : memref<32x128xi32, #tpu.memory_space<vmem>> -> memref<1x128xi32, #tpu.memory_space<vmem>>
        %dma_start3A_214 = tpu.memref_squeeze %dma_start3A_213 : memref<1x128xi32, #tpu.memory_space<vmem>> -> memref<128xi32, #tpu.memory_space<vmem>>
        %dma_start3A_215 = arith.constant 0 : i32
        %dma_start3A_216 = arith.constant 0 : i32
        %dma_start3A_217 = tpu.memref_slice %arg2[%dma_start3A_215, %dma_start3A_216] : memref<10000x128xf32, #tpu.memory_space<hbm>> -> memref<10000x128xf32, #tpu.memory_space<hbm>>
        tpu.enqueue_indirect_dma source(%dma_start3A_217 : memref<10000x128xf32, #tpu.memory_space<hbm>>) target(%arg12 : memref<128x128xf32, #tpu.memory_space<vmem>>) offsets(%dma_start3A_214 : memref<128xi32, #tpu.memory_space<vmem>>) semaphore(%arg18 : memref<!tpu.dma_semaphore, #tpu.memory_space<semaphore_mem>>)
      } else {
      }
      %add3A_134 = arith.constant 2 : i32
      %add3A_135 = arith.addi %add3A_64, %add3A_134 : i32
      %dma_wait3A_136 = arith.constant 0 : i32
      %dma_wait3A_137 = tpu.memref_slice %arg7[%add3A_135, %dma_wait3A_136] : memref<32x128xi32, #tpu.memory_space<vmem>> -> memref<1x128xi32, #tpu.memory_space<vmem>>
      %dma_wait3A_138 = tpu.memref_squeeze %dma_wait3A_137 : memref<1x128xi32, #tpu.memory_space<vmem>> -> memref<128xi32, #tpu.memory_space<vmem>>
      %dma_wait3A_139 = arith.constant 0 : i32
      %dma_wait3A_140 = arith.constant 0 : i32
      %dma_wait3A_141 = tpu.memref_slice %arg2[%dma_wait3A_139, %dma_wait3A_140] : memref<10000x128xf32, #tpu.memory_space<hbm>> -> memref<10000x128xf32, #tpu.memory_space<hbm>>
      tpu.wait_indirect_dma semaphore(%arg17 : memref<!tpu.dma_semaphore, #tpu.memory_space<semaphore_mem>>) src(%dma_wait3A_141 : memref<10000x128xf32, #tpu.memory_space<hbm>>) dst(%arg11 : memref<128x128xf32, #tpu.memory_space<vmem>>)
      %add3A_142 = arith.constant 2 : i32
      %add3A_143 = arith.addi %add3A_64, %add3A_142 : i32
      %dma_start3A_144 = arith.constant 0 : i32
      %dma_start3A_145 = tpu.memref_slice %arg8[%add3A_143, %dma_start3A_144] : memref<32x128xi32, #tpu.memory_space<vmem>> -> memref<1x128xi32, #tpu.memory_space<vmem>>
      %dma_start3A_146 = tpu.memref_squeeze %dma_start3A_145 : memref<1x128xi32, #tpu.memory_space<vmem>> -> memref<128xi32, #tpu.memory_space<vmem>>
      %dma_start3A_147 = arith.constant 0 : i32
      %dma_start3A_148 = arith.constant 0 : i32
      %dma_start3A_149 = tpu.memref_slice %arg14[%dma_start3A_147, %dma_start3A_148] : memref<4096x128xf32, #tpu.memory_space<vmem_shared>> -> memref<4096x128xf32, #tpu.memory_space<vmem_shared>>
      tpu.enqueue_indirect_dma source(%arg11 : memref<128x128xf32, #tpu.memory_space<vmem>>) target(%dma_start3A_149 : memref<4096x128xf32, #tpu.memory_space<vmem_shared>>) offsets(%dma_start3A_146 : memref<128xi32, #tpu.memory_space<vmem>>) semaphore(%arg21 : memref<!tpu.dma_semaphore, #tpu.memory_space<semaphore_mem>>) {add = true}
      %add3A_150 = arith.constant 2 : i32
      %add3A_151 = arith.addi %add3A_64, %add3A_150 : i32
      %ge3A_152 = arith.constant 2 : i32
      %ge3A_153 = arith.cmpi sge, %add3A_151, %ge3A_152 : i32
      %convert_element_type3A_154 = arith.extui %ge3A_153 : i1 to i32
      %cond3A_155 = arith.constant 0 : i32
      %cond3A_156 = arith.cmpi ne, %convert_element_type3A_154, %cond3A_155 : i32
      scf.if %cond3A_156 {
        %add3A_208 = arith.constant 2 : i32
        %add3A_209 = arith.addi %add3A_64, %add3A_208 : i32
        %sub3A = arith.constant 2 : i32
        %sub3A_210 = arith.subi %add3A_209, %sub3A : i32
        %dma_wait3A_211 = arith.constant 0 : i32
        %dma_wait3A_212 = tpu.memref_slice %arg8[%sub3A_210, %dma_wait3A_211] : memref<32x128xi32, #tpu.memory_space<vmem>> -> memref<1x128xi32, #tpu.memory_space<vmem>>
        %dma_wait3A_213 = tpu.memref_squeeze %dma_wait3A_212 : memref<1x128xi32, #tpu.memory_space<vmem>> -> memref<128xi32, #tpu.memory_space<vmem>>
        %dma_wait3A_214 = arith.constant 0 : i32
        %dma_wait3A_215 = arith.constant 0 : i32
        %dma_wait3A_216 = tpu.memref_slice %arg14[%dma_wait3A_214, %dma_wait3A_215] : memref<4096x128xf32, #tpu.memory_space<vmem_shared>> -> memref<4096x128xf32, #tpu.memory_space<vmem_shared>>
        tpu.wait_indirect_dma semaphore(%arg19 : memref<!tpu.dma_semaphore, #tpu.memory_space<semaphore_mem>>) src(%arg9 : memref<128x128xf32, #tpu.memory_space<vmem>>) dst(%dma_wait3A_216 : memref<4096x128xf32, #tpu.memory_space<vmem_shared>>)
      } else {
      }
      %add3A_157 = arith.constant 2 : i32
      %add3A_158 = arith.addi %add3A_64, %add3A_157 : i32
      %ge3A_159 = arith.constant 2 : i32
      %ge3A_160 = arith.cmpi sge, %add3A_158, %ge3A_159 : i32
      %add3A_161 = arith.constant 2 : i32
      %add3A_162 = arith.addi %add3A_64, %add3A_161 : i32
      %add3A_163 = arith.constant 2 : i32
      %add3A_164 = arith.addi %add3A_162, %add3A_163 : i32
      %lt3A_165 = arith.constant 32 : i32
      %lt3A_166 = arith.cmpi slt, %add3A_164, %lt3A_165 : i32
      %and3A_167 = arith.andi %ge3A_160, %lt3A_166 : i1
      %convert_element_type3A_168 = arith.extui %and3A_167 : i1 to i32
      %cond3A_169 = arith.constant 0 : i32
      %cond3A_170 = arith.cmpi ne, %convert_element_type3A_168, %cond3A_169 : i32
      scf.if %cond3A_170 {
        %add3A_208 = arith.constant 2 : i32
        %add3A_209 = arith.addi %add3A_64, %add3A_208 : i32
        %add3A_210 = arith.constant 2 : i32
        %add3A_211 = arith.addi %add3A_209, %add3A_210 : i32
        %dma_start3A_212 = arith.constant 0 : i32
        %dma_start3A_213 = tpu.memref_slice %arg7[%add3A_211, %dma_start3A_212] : memref<32x128xi32, #tpu.memory_space<vmem>> -> memref<1x128xi32, #tpu.memory_space<vmem>>
        %dma_start3A_214 = tpu.memref_squeeze %dma_start3A_213 : memref<1x128xi32, #tpu.memory_space<vmem>> -> memref<128xi32, #tpu.memory_space<vmem>>
        %dma_start3A_215 = arith.constant 0 : i32
        %dma_start3A_216 = arith.constant 0 : i32
        %dma_start3A_217 = tpu.memref_slice %arg2[%dma_start3A_215, %dma_start3A_216] : memref<10000x128xf32, #tpu.memory_space<hbm>> -> memref<10000x128xf32, #tpu.memory_space<hbm>>
        tpu.enqueue_indirect_dma source(%dma_start3A_217 : memref<10000x128xf32, #tpu.memory_space<hbm>>) target(%arg9 : memref<128x128xf32, #tpu.memory_space<vmem>>) offsets(%dma_start3A_214 : memref<128xi32, #tpu.memory_space<vmem>>) semaphore(%arg15 : memref<!tpu.dma_semaphore, #tpu.memory_space<semaphore_mem>>)
      } else {
      }
      %add3A_171 = arith.constant 3 : i32
      %add3A_172 = arith.addi %add3A_64, %add3A_171 : i32
      %dma_wait3A_173 = arith.constant 0 : i32
      %dma_wait3A_174 = tpu.memref_slice %arg7[%add3A_172, %dma_wait3A_173] : memref<32x128xi32, #tpu.memory_space<vmem>> -> memref<1x128xi32, #tpu.memory_space<vmem>>
      %dma_wait3A_175 = tpu.memref_squeeze %dma_wait3A_174 : memref<1x128xi32, #tpu.memory_space<vmem>> -> memref<128xi32, #tpu.memory_space<vmem>>
      %dma_wait3A_176 = arith.constant 0 : i32
      %dma_wait3A_177 = arith.constant 0 : i32
      %dma_wait3A_178 = tpu.memref_slice %arg2[%dma_wait3A_176, %dma_wait3A_177] : memref<10000x128xf32, #tpu.memory_space<hbm>> -> memref<10000x128xf32, #tpu.memory_space<hbm>>
      tpu.wait_indirect_dma semaphore(%arg18 : memref<!tpu.dma_semaphore, #tpu.memory_space<semaphore_mem>>) src(%dma_wait3A_178 : memref<10000x128xf32, #tpu.memory_space<hbm>>) dst(%arg12 : memref<128x128xf32, #tpu.memory_space<vmem>>)
      %add3A_179 = arith.constant 3 : i32
      %add3A_180 = arith.addi %add3A_64, %add3A_179 : i32
      %dma_start3A_181 = arith.constant 0 : i32
      %dma_start3A_182 = tpu.memref_slice %arg8[%add3A_180, %dma_start3A_181] : memref<32x128xi32, #tpu.memory_space<vmem>> -> memref<1x128xi32, #tpu.memory_space<vmem>>
      %dma_start3A_183 = tpu.memref_squeeze %dma_start3A_182 : memref<1x128xi32, #tpu.memory_space<vmem>> -> memref<128xi32, #tpu.memory_space<vmem>>
      %dma_start3A_184 = arith.constant 0 : i32
      %dma_start3A_185 = arith.constant 0 : i32
      %dma_start3A_186 = tpu.memref_slice %arg14[%dma_start3A_184, %dma_start3A_185] : memref<4096x128xf32, #tpu.memory_space<vmem_shared>> -> memref<4096x128xf32, #tpu.memory_space<vmem_shared>>
      tpu.enqueue_indirect_dma source(%arg12 : memref<128x128xf32, #tpu.memory_space<vmem>>) target(%dma_start3A_186 : memref<4096x128xf32, #tpu.memory_space<vmem_shared>>) offsets(%dma_start3A_183 : memref<128xi32, #tpu.memory_space<vmem>>) semaphore(%arg22 : memref<!tpu.dma_semaphore, #tpu.memory_space<semaphore_mem>>) {add = true}
      %add3A_187 = arith.constant 3 : i32
      %add3A_188 = arith.addi %add3A_64, %add3A_187 : i32
      %ge3A_189 = arith.constant 2 : i32
      %ge3A_190 = arith.cmpi sge, %add3A_188, %ge3A_189 : i32
      %convert_element_type3A_191 = arith.extui %ge3A_190 : i1 to i32
      %cond3A_192 = arith.constant 0 : i32
      %cond3A_193 = arith.cmpi ne, %convert_element_type3A_191, %cond3A_192 : i32
      scf.if %cond3A_193 {
        %add3A_208 = arith.constant 3 : i32
        %add3A_209 = arith.addi %add3A_64, %add3A_208 : i32
        %sub3A = arith.constant 2 : i32
        %sub3A_210 = arith.subi %add3A_209, %sub3A : i32
        %dma_wait3A_211 = arith.constant 0 : i32
        %dma_wait3A_212 = tpu.memref_slice %arg8[%sub3A_210, %dma_wait3A_211] : memref<32x128xi32, #tpu.memory_space<vmem>> -> memref<1x128xi32, #tpu.memory_space<vmem>>
        %dma_wait3A_213 = tpu.memref_squeeze %dma_wait3A_212 : memref<1x128xi32, #tpu.memory_space<vmem>> -> memref<128xi32, #tpu.memory_space<vmem>>
        %dma_wait3A_214 = arith.constant 0 : i32
        %dma_wait3A_215 = arith.constant 0 : i32
        %dma_wait3A_216 = tpu.memref_slice %arg14[%dma_wait3A_214, %dma_wait3A_215] : memref<4096x128xf32, #tpu.memory_space<vmem_shared>> -> memref<4096x128xf32, #tpu.memory_space<vmem_shared>>
        tpu.wait_indirect_dma semaphore(%arg20 : memref<!tpu.dma_semaphore, #tpu.memory_space<semaphore_mem>>) src(%arg10 : memref<128x128xf32, #tpu.memory_space<vmem>>) dst(%dma_wait3A_216 : memref<4096x128xf32, #tpu.memory_space<vmem_shared>>)
      } else {
      }
      %add3A_194 = arith.constant 3 : i32
      %add3A_195 = arith.addi %add3A_64, %add3A_194 : i32
      %ge3A_196 = arith.constant 2 : i32
      %ge3A_197 = arith.cmpi sge, %add3A_195, %ge3A_196 : i32
      %add3A_198 = arith.constant 3 : i32
      %add3A_199 = arith.addi %add3A_64, %add3A_198 : i32
      %add3A_200 = arith.constant 2 : i32
      %add3A_201 = arith.addi %add3A_199, %add3A_200 : i32
      %lt3A_202 = arith.constant 32 : i32
      %lt3A_203 = arith.cmpi slt, %add3A_201, %lt3A_202 : i32
      %and3A_204 = arith.andi %ge3A_197, %lt3A_203 : i1
      %convert_element_type3A_205 = arith.extui %and3A_204 : i1 to i32
      %cond3A_206 = arith.constant 0 : i32
      %cond3A_207 = arith.cmpi ne, %convert_element_type3A_205, %cond3A_206 : i32
      scf.if %cond3A_207 {
        %add3A_208 = arith.constant 3 : i32
        %add3A_209 = arith.addi %add3A_64, %add3A_208 : i32
        %add3A_210 = arith.constant 2 : i32
        %add3A_211 = arith.addi %add3A_209, %add3A_210 : i32
        %dma_start3A_212 = arith.constant 0 : i32
        %dma_start3A_213 = tpu.memref_slice %arg7[%add3A_211, %dma_start3A_212] : memref<32x128xi32, #tpu.memory_space<vmem>> -> memref<1x128xi32, #tpu.memory_space<vmem>>
        %dma_start3A_214 = tpu.memref_squeeze %dma_start3A_213 : memref<1x128xi32, #tpu.memory_space<vmem>> -> memref<128xi32, #tpu.memory_space<vmem>>
        %dma_start3A_215 = arith.constant 0 : i32
        %dma_start3A_216 = arith.constant 0 : i32
        %dma_start3A_217 = tpu.memref_slice %arg2[%dma_start3A_215, %dma_start3A_216] : memref<10000x128xf32, #tpu.memory_space<hbm>> -> memref<10000x128xf32, #tpu.memory_space<hbm>>
        tpu.enqueue_indirect_dma source(%dma_start3A_217 : memref<10000x128xf32, #tpu.memory_space<hbm>>) target(%arg10 : memref<128x128xf32, #tpu.memory_space<vmem>>) offsets(%dma_start3A_214 : memref<128xi32, #tpu.memory_space<vmem>>) semaphore(%arg16 : memref<!tpu.dma_semaphore, #tpu.memory_space<semaphore_mem>>)
      } else {
      }
    }
    %scan3A_41 = arith.constant 8 : i32
    %dma_wait3A = arith.constant 30 : i32
    %dma_wait3A_42 = arith.constant 0 : i32
    %dma_wait3A_43 = tpu.memref_slice %arg8[%dma_wait3A, %dma_wait3A_42] : memref<32x128xi32, #tpu.memory_space<vmem>> -> memref<1x128xi32, #tpu.memory_space<vmem>>
    %dma_wait3A_44 = tpu.memref_squeeze %dma_wait3A_43 : memref<1x128xi32, #tpu.memory_space<vmem>> -> memref<128xi32, #tpu.memory_space<vmem>>
    %dma_wait3A_45 = arith.constant 0 : i32
    %dma_wait3A_46 = arith.constant 0 : i32
    %dma_wait3A_47 = tpu.memref_slice %arg14[%dma_wait3A_45, %dma_wait3A_46] : memref<4096x128xf32, #tpu.memory_space<vmem_shared>> -> memref<4096x128xf32, #tpu.memory_space<vmem_shared>>
    tpu.wait_indirect_dma semaphore(%arg21 : memref<!tpu.dma_semaphore, #tpu.memory_space<semaphore_mem>>) src(%arg11 : memref<128x128xf32, #tpu.memory_space<vmem>>) dst(%dma_wait3A_47 : memref<4096x128xf32, #tpu.memory_space<vmem_shared>>)
    %dma_wait3A_48 = arith.constant 31 : i32
    %dma_wait3A_49 = arith.constant 0 : i32
    %dma_wait3A_50 = tpu.memref_slice %arg8[%dma_wait3A_48, %dma_wait3A_49] : memref<32x128xi32, #tpu.memory_space<vmem>> -> memref<1x128xi32, #tpu.memory_space<vmem>>
    %dma_wait3A_51 = tpu.memref_squeeze %dma_wait3A_50 : memref<1x128xi32, #tpu.memory_space<vmem>> -> memref<128xi32, #tpu.memory_space<vmem>>
    %dma_wait3A_52 = arith.constant 0 : i32
    %dma_wait3A_53 = arith.constant 0 : i32
    %dma_wait3A_54 = tpu.memref_slice %arg14[%dma_wait3A_52, %dma_wait3A_53] : memref<4096x128xf32, #tpu.memory_space<vmem_shared>> -> memref<4096x128xf32, #tpu.memory_space<vmem_shared>>
    tpu.wait_indirect_dma semaphore(%arg22 : memref<!tpu.dma_semaphore, #tpu.memory_space<semaphore_mem>>) src(%arg12 : memref<128x128xf32, #tpu.memory_space<vmem>>) dst(%dma_wait3A_54 : memref<4096x128xf32, #tpu.memory_space<vmem_shared>>)
    %barrier3A_55 = arith.constant 0 : index
    tpu.barrier barrier_id(%barrier3A_55)
    %mul3A_56 = arith.constant 256 : i32
    %mul3A_57 = arith.muli %arg1, %mul3A_56 : i32
    %mul3A_58 = arith.constant 256 : i32
    %mul3A_59 = arith.muli %arg1, %mul3A_58 : i32
    "tpu.region"() ({
      %run_scoped3A = tpu.sem_alloc : memref<!tpu.dma_semaphore, #tpu.memory_space<semaphore_mem>>
      %dma_start3A_60 = arith.constant 0 : i32
      %dma_start3A_61 = tpu.memref_slice %arg6[%arg0, %mul3A_59, %dma_start3A_60] : memref<2x4096x128xf32, #tpu.memory_space<hbm>> -> memref<1x256x128xf32, #tpu.memory_space<hbm>>
      %dma_start3A_62 = tpu.memref_squeeze %dma_start3A_61 : memref<1x256x128xf32, #tpu.memory_space<hbm>> -> memref<256x128xf32, #tpu.memory_space<hbm>>
      %dma_start3A_63 = arith.constant 0 : i32
      %dma_start3A_64 = tpu.memref_slice %arg14[%mul3A_57, %dma_start3A_63] : memref<4096x128xf32, #tpu.memory_space<vmem_shared>> -> memref<256x128xf32, #tpu.memory_space<vmem_shared>>
      tpu.enqueue_dma source(%dma_start3A_64 : memref<256x128xf32, #tpu.memory_space<vmem_shared>>) target(%dma_start3A_62 : memref<256x128xf32, #tpu.memory_space<hbm>>) target_semaphore(%run_scoped3A : memref<!tpu.dma_semaphore, #tpu.memory_space<semaphore_mem>>)
      %dma_wait3A_65 = arith.constant 0 : i32
      %dma_wait3A_66 = tpu.memref_slice %arg6[%arg0, %mul3A_59, %dma_wait3A_65] : memref<2x4096x128xf32, #tpu.memory_space<hbm>> -> memref<1x256x128xf32, #tpu.memory_space<hbm>>
      %dma_wait3A_67 = tpu.memref_squeeze %dma_wait3A_66 : memref<1x256x128xf32, #tpu.memory_space<hbm>> -> memref<256x128xf32, #tpu.memory_space<hbm>>
      %dma_wait3A_68 = arith.constant 0 : i32
      %dma_wait3A_69 = tpu.memref_slice %arg14[%mul3A_57, %dma_wait3A_68] : memref<4096x128xf32, #tpu.memory_space<vmem_shared>> -> memref<256x128xf32, #tpu.memory_space<vmem_shared>>
      tpu.wait_dma2 semaphore(%run_scoped3A : memref<!tpu.dma_semaphore, #tpu.memory_space<semaphore_mem>>) src(%dma_wait3A_69 : memref<256x128xf32, #tpu.memory_space<vmem_shared>>) dst(%dma_wait3A_67 : memref<256x128xf32, #tpu.memory_space<hbm>>)
      tpu.yield
    }) : () -> ()
    return
  }
}

#map = affine_map<(d0, d1) -> (0, 0, 0)>
module attributes {stable_mosaic.version = 14 : i64} {
  func.func @body(%arg0: i32, %arg1: i32, %arg2: memref<32x32x128xi32, #tpu.memory_space<hbm>>, %arg3: memref<32x8x128xi32, #tpu.memory_space<hbm>>, %arg4: memref<2x4096x16xf32, #tpu.memory_space<hbm>>, %arg5: memref<2x1024x16xf32, #tpu.memory_space<hbm>>, %arg6: memref<32x128xi32, #tpu.memory_space<vmem>>, %arg7: memref<8x128xi32, #tpu.memory_space<vmem>>, %arg8: memref<128x16xf32, #tpu.memory_space<vmem>>, %arg9: memref<64x16xf32, #tpu.memory_space<vmem>>, %arg10: memref<4096x16xf32, #tpu.memory_space<vmem_shared>>, %arg11: memref<1024x16xf32, #tpu.memory_space<vmem_shared>>, %arg12: memref<!tpu.dma_semaphore, #tpu.memory_space<semaphore_mem>>) attributes {dimension_semantics = [#tpu.dimension_semantics<core_parallel>, #tpu.dimension_semantics<subcore_parallel>], iteration_bounds = array<i64: 2, 16>, scalar_prefetch = 0 : i64, scratch_operands = 7 : i64, tpu.core_type = #tpu.core_type<sc_vector_subcore>, window_params = [{transform_indices = #map}, {transform_indices = #map}, {transform_indices = #map}, {transform_indices = #map}]} {
    %mul3A = arith.constant 2 : i32
    %mul3A_0 = arith.muli %arg1, %mul3A : i32
    %add3A = arith.addi %mul3A_0, %arg0 : i32
    %scan3A = arith.constant 0 : i32
    %scan3A_1 = arith.constant 64 : i32
    %scan3A_2 = arith.addi %scan3A, %scan3A_1 : i32
    %scan3A_3 = arith.constant 1 : i32
    scf.for %scan3A_41 = %scan3A to %scan3A_2 step %scan3A_3  : i32 {
      %mul3A_42 = arith.constant 1 : i32
      %mul3A_43 = arith.muli %scan3A_41, %mul3A_42 : i32
      %add3A_44 = arith.constant 0 : i32
      %add3A_45 = arith.addi %add3A_44, %mul3A_43 : i32
      %broadcast_in_dim3A = arith.constant 0.000000e+00 : f32
      %broadcast_in_dim3A_46 = vector.broadcast %broadcast_in_dim3A : f32 to vector<16xf32>
      %swap3A = arith.index_cast %add3A_45 : i32 to index
      %swap3A_47 = arith.constant 0 : index
      %swap3A_48 = tpu.vector_load %arg9[%swap3A, %swap3A_47] {strides = array<i32>} : memref<64x16xf32, #tpu.memory_space<vmem>>, vector<1x16xf32>,
      %swap3A_49 = vector.shape_cast %swap3A_48 : vector<1x16xf32> to vector<16xf32>
      %swap3A_50 = vector.shape_cast %broadcast_in_dim3A_46 : vector<16xf32> to vector<1x16xf32>
      tpu.vector_store %arg9[%swap3A, %swap3A_47], %swap3A_50 {strides = array<i32>} : memref<64x16xf32, #tpu.memory_space<vmem>>, vector<1x16xf32>,
    }
    %scan3A_4 = arith.constant 64 : i32
    %scan3A_5 = arith.constant 0 : i32
    %scan3A_6 = arith.constant 128 : i32
    %scan3A_7 = arith.addi %scan3A_5, %scan3A_6 : i32
    %scan3A_8 = arith.constant 1 : i32
    scf.for %scan3A_41 = %scan3A_5 to %scan3A_7 step %scan3A_8  : i32 {
      %mul3A_42 = arith.constant 1 : i32
      %mul3A_43 = arith.muli %scan3A_41, %mul3A_42 : i32
      %add3A_44 = arith.constant 0 : i32
      %add3A_45 = arith.addi %add3A_44, %mul3A_43 : i32
      %broadcast_in_dim3A = arith.constant 1.000000e+00 : f32
      %broadcast_in_dim3A_46 = vector.broadcast %broadcast_in_dim3A : f32 to vector<16xf32>
      %swap3A = arith.index_cast %add3A_45 : i32 to index
      %swap3A_47 = arith.constant 0 : index
      %swap3A_48 = tpu.vector_load %arg8[%swap3A, %swap3A_47] {strides = array<i32>} : memref<128x16xf32, #tpu.memory_space<vmem>>, vector<1x16xf32>,
      %swap3A_49 = vector.shape_cast %swap3A_48 : vector<1x16xf32> to vector<16xf32>
      %swap3A_50 = vector.shape_cast %broadcast_in_dim3A_46 : vector<16xf32> to vector<1x16xf32>
      tpu.vector_store %arg8[%swap3A, %swap3A_47], %swap3A_50 {strides = array<i32>} : memref<128x16xf32, #tpu.memory_space<vmem>>, vector<1x16xf32>,
    }
    %scan3A_9 = arith.constant 128 : i32
    %scan3A_10 = arith.constant 0 : i32
    %scan3A_11 = arith.constant 4 : i32
    %scan3A_12 = arith.addi %scan3A_10, %scan3A_11 : i32
    %scan3A_13 = arith.constant 1 : i32
    scf.for %scan3A_41 = %scan3A_10 to %scan3A_12 step %scan3A_13  : i32 {
      %mul3A_42 = arith.constant 64 : i32
      %mul3A_43 = arith.muli %scan3A_41, %mul3A_42 : i32
      %add3A_44 = arith.constant 0 : i32
      %add3A_45 = arith.addi %add3A_44, %mul3A_43 : i32
      %mul3A_46 = arith.constant 256 : i32
      %mul3A_47 = arith.muli %arg1, %mul3A_46 : i32
      %add3A_48 = arith.addi %mul3A_47, %add3A_45 : i32
      "tpu.region"() ({
        %run_scoped3A = tpu.sem_alloc : memref<!tpu.dma_semaphore, #tpu.memory_space<semaphore_mem>>
        %dma_start3A = arith.constant 0 : i32
        %dma_start3A_49 = tpu.memref_slice %arg10[%add3A_48, %dma_start3A] : memref<4096x16xf32, #tpu.memory_space<vmem_shared>> -> memref<64x16xf32, #tpu.memory_space<vmem_shared>>
        %dma_start3A_50 = arith.constant 0 : i32
        %dma_start3A_51 = tpu.memref_slice %arg10[%add3A_48, %dma_start3A_50] : memref<4096x16xf32, #tpu.memory_space<vmem_shared>> -> memref<64x16xf32, #tpu.memory_space<vmem_shared>>
        tpu.enqueue_dma source(%arg9 : memref<64x16xf32, #tpu.memory_space<vmem>>) target(%dma_start3A_51 : memref<64x16xf32, #tpu.memory_space<vmem_shared>>) target_semaphore(%run_scoped3A : memref<!tpu.dma_semaphore, #tpu.memory_space<semaphore_mem>>)
        %dma_wait3A = arith.constant 0 : i32
        %dma_wait3A_52 = tpu.memref_slice %arg10[%add3A_48, %dma_wait3A] : memref<4096x16xf32, #tpu.memory_space<vmem_shared>> -> memref<64x16xf32, #tpu.memory_space<vmem_shared>>
        %dma_wait3A_53 = arith.constant 0 : i32
        %dma_wait3A_54 = tpu.memref_slice %arg10[%add3A_48, %dma_wait3A_53] : memref<4096x16xf32, #tpu.memory_space<vmem_shared>> -> memref<64x16xf32, #tpu.memory_space<vmem_shared>>
        tpu.wait_dma2 semaphore(%run_scoped3A : memref<!tpu.dma_semaphore, #tpu.memory_space<semaphore_mem>>) src(%arg9 : memref<64x16xf32, #tpu.memory_space<vmem>>) dst(%dma_wait3A_54 : memref<64x16xf32, #tpu.memory_space<vmem_shared>>)
        tpu.yield
      }) : () -> ()
    }
    %scan3A_14 = arith.constant 4 : i32
    %mul3A_15 = arith.constant 64 : i32
    %mul3A_16 = arith.muli %arg1, %mul3A_15 : i32
    "tpu.region"() ({
      %run_scoped3A = tpu.sem_alloc : memref<!tpu.dma_semaphore, #tpu.memory_space<semaphore_mem>>
      %dma_start3A = arith.constant 0 : i32
      %dma_start3A_41 = tpu.memref_slice %arg11[%mul3A_16, %dma_start3A] : memref<1024x16xf32, #tpu.memory_space<vmem_shared>> -> memref<64x16xf32, #tpu.memory_space<vmem_shared>>
      %dma_start3A_42 = arith.constant 0 : i32
      %dma_start3A_43 = tpu.memref_slice %arg11[%mul3A_16, %dma_start3A_42] : memref<1024x16xf32, #tpu.memory_space<vmem_shared>> -> memref<64x16xf32, #tpu.memory_space<vmem_shared>>
      tpu.enqueue_dma source(%arg9 : memref<64x16xf32, #tpu.memory_space<vmem>>) target(%dma_start3A_43 : memref<64x16xf32, #tpu.memory_space<vmem_shared>>) target_semaphore(%run_scoped3A : memref<!tpu.dma_semaphore, #tpu.memory_space<semaphore_mem>>)
      %dma_wait3A = arith.constant 0 : i32
      %dma_wait3A_44 = tpu.memref_slice %arg11[%mul3A_16, %dma_wait3A] : memref<1024x16xf32, #tpu.memory_space<vmem_shared>> -> memref<64x16xf32, #tpu.memory_space<vmem_shared>>
      %dma_wait3A_45 = arith.constant 0 : i32
      %dma_wait3A_46 = tpu.memref_slice %arg11[%mul3A_16, %dma_wait3A_45] : memref<1024x16xf32, #tpu.memory_space<vmem_shared>> -> memref<64x16xf32, #tpu.memory_space<vmem_shared>>
      tpu.wait_dma2 semaphore(%run_scoped3A : memref<!tpu.dma_semaphore, #tpu.memory_space<semaphore_mem>>) src(%arg9 : memref<64x16xf32, #tpu.memory_space<vmem>>) dst(%dma_wait3A_46 : memref<64x16xf32, #tpu.memory_space<vmem_shared>>)
      tpu.yield
    }) : () -> ()
    "tpu.region"() ({
      %run_scoped3A = tpu.sem_alloc : memref<!tpu.dma_semaphore, #tpu.memory_space<semaphore_mem>>
      %dma_start3A = arith.constant 0 : i32
      %dma_start3A_41 = arith.constant 0 : i32
      %dma_start3A_42 = tpu.memref_slice %arg2[%add3A, %dma_start3A, %dma_start3A_41] : memref<32x32x128xi32, #tpu.memory_space<hbm>> -> memref<1x32x128xi32, #tpu.memory_space<hbm>>
      %dma_start3A_43 = tpu.memref_squeeze %dma_start3A_42 : memref<1x32x128xi32, #tpu.memory_space<hbm>> -> memref<32x128xi32, #tpu.memory_space<hbm>>
      %dma_start3A_44 = arith.constant 0 : i32
      %dma_start3A_45 = arith.constant 0 : i32
      %dma_start3A_46 = tpu.memref_slice %arg2[%add3A, %dma_start3A_44, %dma_start3A_45] : memref<32x32x128xi32, #tpu.memory_space<hbm>> -> memref<1x32x128xi32, #tpu.memory_space<hbm>>
      %dma_start3A_47 = tpu.memref_squeeze %dma_start3A_46 : memref<1x32x128xi32, #tpu.memory_space<hbm>> -> memref<32x128xi32, #tpu.memory_space<hbm>>
      tpu.enqueue_dma source(%dma_start3A_47 : memref<32x128xi32, #tpu.memory_space<hbm>>) target(%arg6 : memref<32x128xi32, #tpu.memory_space<vmem>>) target_semaphore(%run_scoped3A : memref<!tpu.dma_semaphore, #tpu.memory_space<semaphore_mem>>)
      %dma_wait3A = arith.constant 0 : i32
      %dma_wait3A_48 = arith.constant 0 : i32
      %dma_wait3A_49 = tpu.memref_slice %arg2[%add3A, %dma_wait3A, %dma_wait3A_48] : memref<32x32x128xi32, #tpu.memory_space<hbm>> -> memref<1x32x128xi32, #tpu.memory_space<hbm>>
      %dma_wait3A_50 = tpu.memref_squeeze %dma_wait3A_49 : memref<1x32x128xi32, #tpu.memory_space<hbm>> -> memref<32x128xi32, #tpu.memory_space<hbm>>
      %dma_wait3A_51 = arith.constant 0 : i32
      %dma_wait3A_52 = arith.constant 0 : i32
      %dma_wait3A_53 = tpu.memref_slice %arg2[%add3A, %dma_wait3A_51, %dma_wait3A_52] : memref<32x32x128xi32, #tpu.memory_space<hbm>> -> memref<1x32x128xi32, #tpu.memory_space<hbm>>
      %dma_wait3A_54 = tpu.memref_squeeze %dma_wait3A_53 : memref<1x32x128xi32, #tpu.memory_space<hbm>> -> memref<32x128xi32, #tpu.memory_space<hbm>>
      tpu.wait_dma2 semaphore(%run_scoped3A : memref<!tpu.dma_semaphore, #tpu.memory_space<semaphore_mem>>) src(%dma_wait3A_54 : memref<32x128xi32, #tpu.memory_space<hbm>>) dst(%arg6 : memref<32x128xi32, #tpu.memory_space<vmem>>)
      tpu.yield
    }) : () -> ()
    "tpu.region"() ({
      %run_scoped3A = tpu.sem_alloc : memref<!tpu.dma_semaphore, #tpu.memory_space<semaphore_mem>>
      %dma_start3A = arith.constant 0 : i32
      %dma_start3A_41 = arith.constant 0 : i32
      %dma_start3A_42 = tpu.memref_slice %arg3[%add3A, %dma_start3A, %dma_start3A_41] : memref<32x8x128xi32, #tpu.memory_space<hbm>> -> memref<1x8x128xi32, #tpu.memory_space<hbm>>
      %dma_start3A_43 = tpu.memref_squeeze %dma_start3A_42 : memref<1x8x128xi32, #tpu.memory_space<hbm>> -> memref<8x128xi32, #tpu.memory_space<hbm>>
      %dma_start3A_44 = arith.constant 0 : i32
      %dma_start3A_45 = arith.constant 0 : i32
      %dma_start3A_46 = tpu.memref_slice %arg3[%add3A, %dma_start3A_44, %dma_start3A_45] : memref<32x8x128xi32, #tpu.memory_space<hbm>> -> memref<1x8x128xi32, #tpu.memory_space<hbm>>
      %dma_start3A_47 = tpu.memref_squeeze %dma_start3A_46 : memref<1x8x128xi32, #tpu.memory_space<hbm>> -> memref<8x128xi32, #tpu.memory_space<hbm>>
      tpu.enqueue_dma source(%dma_start3A_47 : memref<8x128xi32, #tpu.memory_space<hbm>>) target(%arg7 : memref<8x128xi32, #tpu.memory_space<vmem>>) target_semaphore(%run_scoped3A : memref<!tpu.dma_semaphore, #tpu.memory_space<semaphore_mem>>)
      %dma_wait3A = arith.constant 0 : i32
      %dma_wait3A_48 = arith.constant 0 : i32
      %dma_wait3A_49 = tpu.memref_slice %arg3[%add3A, %dma_wait3A, %dma_wait3A_48] : memref<32x8x128xi32, #tpu.memory_space<hbm>> -> memref<1x8x128xi32, #tpu.memory_space<hbm>>
      %dma_wait3A_50 = tpu.memref_squeeze %dma_wait3A_49 : memref<1x8x128xi32, #tpu.memory_space<hbm>> -> memref<8x128xi32, #tpu.memory_space<hbm>>
      %dma_wait3A_51 = arith.constant 0 : i32
      %dma_wait3A_52 = arith.constant 0 : i32
      %dma_wait3A_53 = tpu.memref_slice %arg3[%add3A, %dma_wait3A_51, %dma_wait3A_52] : memref<32x8x128xi32, #tpu.memory_space<hbm>> -> memref<1x8x128xi32, #tpu.memory_space<hbm>>
      %dma_wait3A_54 = tpu.memref_squeeze %dma_wait3A_53 : memref<1x8x128xi32, #tpu.memory_space<hbm>> -> memref<8x128xi32, #tpu.memory_space<hbm>>
      tpu.wait_dma2 semaphore(%run_scoped3A : memref<!tpu.dma_semaphore, #tpu.memory_space<semaphore_mem>>) src(%dma_wait3A_54 : memref<8x128xi32, #tpu.memory_space<hbm>>) dst(%arg7 : memref<8x128xi32, #tpu.memory_space<vmem>>)
      tpu.yield
    }) : () -> ()
    %barrier3A = arith.constant 0 : index
    tpu.barrier barrier_id(%barrier3A)
    %scan3A_17 = arith.constant 0 : i32
    %scan3A_18 = arith.constant 32 : i32
    %scan3A_19 = arith.addi %scan3A_17, %scan3A_18 : i32
    %scan3A_20 = arith.constant 1 : i32
    scf.for %scan3A_41 = %scan3A_17 to %scan3A_19 step %scan3A_20  : i32 {
      %mul3A_42 = arith.constant 1 : i32
      %mul3A_43 = arith.muli %scan3A_41, %mul3A_42 : i32
      %add3A_44 = arith.constant 0 : i32
      %add3A_45 = arith.addi %add3A_44, %mul3A_43 : i32
      %dma_start3A = arith.constant 0 : i32
      %dma_start3A_46 = tpu.memref_slice %arg6[%add3A_45, %dma_start3A] : memref<32x128xi32, #tpu.memory_space<vmem>> -> memref<1x128xi32, #tpu.memory_space<vmem>>
      %dma_start3A_47 = tpu.memref_squeeze %dma_start3A_46 : memref<1x128xi32, #tpu.memory_space<vmem>> -> memref<128xi32, #tpu.memory_space<vmem>>
      %dma_start3A_48 = arith.constant 0 : i32
      %dma_start3A_49 = arith.constant 0 : i32
      %dma_start3A_50 = tpu.memref_slice %arg10[%dma_start3A_48, %dma_start3A_49] : memref<4096x16xf32, #tpu.memory_space<vmem_shared>> -> memref<4096x16xf32, #tpu.memory_space<vmem_shared>>
      tpu.enqueue_indirect_dma source(%arg8 : memref<128x16xf32, #tpu.memory_space<vmem>>) target(%dma_start3A_50 : memref<4096x16xf32, #tpu.memory_space<vmem_shared>>) offsets(%dma_start3A_47 : memref<128xi32, #tpu.memory_space<vmem>>) semaphore(%arg12 : memref<!tpu.dma_semaphore, #tpu.memory_space<semaphore_mem>>) {add = true}
    }
    %scan3A_21 = arith.constant 32 : i32
    %scan3A_22 = arith.constant 0 : i32
    %scan3A_23 = arith.constant 8 : i32
    %scan3A_24 = arith.addi %scan3A_22, %scan3A_23 : i32
    %scan3A_25 = arith.constant 1 : i32
    scf.for %scan3A_41 = %scan3A_22 to %scan3A_24 step %scan3A_25  : i32 {
      %mul3A_42 = arith.constant 1 : i32
      %mul3A_43 = arith.muli %scan3A_41, %mul3A_42 : i32
      %add3A_44 = arith.constant 0 : i32
      %add3A_45 = arith.addi %add3A_44, %mul3A_43 : i32
      %dma_start3A = arith.constant 0 : i32
      %dma_start3A_46 = tpu.memref_slice %arg7[%add3A_45, %dma_start3A] : memref<8x128xi32, #tpu.memory_space<vmem>> -> memref<1x128xi32, #tpu.memory_space<vmem>>
      %dma_start3A_47 = tpu.memref_squeeze %dma_start3A_46 : memref<1x128xi32, #tpu.memory_space<vmem>> -> memref<128xi32, #tpu.memory_space<vmem>>
      %dma_start3A_48 = arith.constant 0 : i32
      %dma_start3A_49 = arith.constant 0 : i32
      %dma_start3A_50 = tpu.memref_slice %arg11[%dma_start3A_48, %dma_start3A_49] : memref<1024x16xf32, #tpu.memory_space<vmem_shared>> -> memref<1024x16xf32, #tpu.memory_space<vmem_shared>>
      tpu.enqueue_indirect_dma source(%arg8 : memref<128x16xf32, #tpu.memory_space<vmem>>) target(%dma_start3A_50 : memref<1024x16xf32, #tpu.memory_space<vmem_shared>>) offsets(%dma_start3A_47 : memref<128xi32, #tpu.memory_space<vmem>>) semaphore(%arg12 : memref<!tpu.dma_semaphore, #tpu.memory_space<semaphore_mem>>) {add = true}
    }
    %scan3A_26 = arith.constant 8 : i32
    %scan3A_27 = arith.constant 0 : i32
    %scan3A_28 = arith.constant 40 : i32
    %scan3A_29 = arith.addi %scan3A_27, %scan3A_28 : i32
    %scan3A_30 = arith.constant 1 : i32
    scf.for %scan3A_41 = %scan3A_27 to %scan3A_29 step %scan3A_30  : i32 {
      %mul3A_42 = arith.constant 1 : i32
      %mul3A_43 = arith.muli %scan3A_41, %mul3A_42 : i32
      %add3A_44 = arith.constant 0 : i32
      %add3A_45 = arith.addi %add3A_44, %mul3A_43 : i32
      %dma_wait3A = arith.constant 0 : i32
      %dma_wait3A_46 = arith.constant 0 : i32
      %dma_wait3A_47 = tpu.memref_slice %arg6[%dma_wait3A, %dma_wait3A_46] : memref<32x128xi32, #tpu.memory_space<vmem>> -> memref<1x128xi32, #tpu.memory_space<vmem>>
      %dma_wait3A_48 = tpu.memref_squeeze %dma_wait3A_47 : memref<1x128xi32, #tpu.memory_space<vmem>> -> memref<128xi32, #tpu.memory_space<vmem>>
      %dma_wait3A_49 = arith.constant 0 : i32
      %dma_wait3A_50 = arith.constant 0 : i32
      %dma_wait3A_51 = tpu.memref_slice %arg10[%dma_wait3A_49, %dma_wait3A_50] : memref<4096x16xf32, #tpu.memory_space<vmem_shared>> -> memref<4096x16xf32, #tpu.memory_space<vmem_shared>>
      tpu.wait_indirect_dma semaphore(%arg12 : memref<!tpu.dma_semaphore, #tpu.memory_space<semaphore_mem>>) src(%arg8 : memref<128x16xf32, #tpu.memory_space<vmem>>) dst(%dma_wait3A_51 : memref<4096x16xf32, #tpu.memory_space<vmem_shared>>)
    }
    %scan3A_31 = arith.constant 40 : i32
    %barrier3A_32 = arith.constant 0 : index
    tpu.barrier barrier_id(%barrier3A_32)
    %mul3A_33 = arith.constant 256 : i32
    %mul3A_34 = arith.muli %arg1, %mul3A_33 : i32
    %mul3A_35 = arith.constant 256 : i32
    %mul3A_36 = arith.muli %arg1, %mul3A_35 : i32
    "tpu.region"() ({
      %run_scoped3A = tpu.sem_alloc : memref<!tpu.dma_semaphore, #tpu.memory_space<semaphore_mem>>
      %dma_start3A = arith.constant 0 : i32
      %dma_start3A_41 = tpu.memref_slice %arg4[%arg0, %mul3A_36, %dma_start3A] : memref<2x4096x16xf32, #tpu.memory_space<hbm>> -> memref<1x256x16xf32, #tpu.memory_space<hbm>>
      %dma_start3A_42 = tpu.memref_squeeze %dma_start3A_41 : memref<1x256x16xf32, #tpu.memory_space<hbm>> -> memref<256x16xf32, #tpu.memory_space<hbm>>
      %dma_start3A_43 = arith.constant 0 : i32
      %dma_start3A_44 = tpu.memref_slice %arg10[%mul3A_34, %dma_start3A_43] : memref<4096x16xf32, #tpu.memory_space<vmem_shared>> -> memref<256x16xf32, #tpu.memory_space<vmem_shared>>
      tpu.enqueue_dma source(%dma_start3A_44 : memref<256x16xf32, #tpu.memory_space<vmem_shared>>) target(%dma_start3A_42 : memref<256x16xf32, #tpu.memory_space<hbm>>) target_semaphore(%run_scoped3A : memref<!tpu.dma_semaphore, #tpu.memory_space<semaphore_mem>>)
      %dma_wait3A = arith.constant 0 : i32
      %dma_wait3A_45 = tpu.memref_slice %arg4[%arg0, %mul3A_36, %dma_wait3A] : memref<2x4096x16xf32, #tpu.memory_space<hbm>> -> memref<1x256x16xf32, #tpu.memory_space<hbm>>
      %dma_wait3A_46 = tpu.memref_squeeze %dma_wait3A_45 : memref<1x256x16xf32, #tpu.memory_space<hbm>> -> memref<256x16xf32, #tpu.memory_space<hbm>>
      %dma_wait3A_47 = arith.constant 0 : i32
      %dma_wait3A_48 = tpu.memref_slice %arg10[%mul3A_34, %dma_wait3A_47] : memref<4096x16xf32, #tpu.memory_space<vmem_shared>> -> memref<256x16xf32, #tpu.memory_space<vmem_shared>>
      tpu.wait_dma2 semaphore(%run_scoped3A : memref<!tpu.dma_semaphore, #tpu.memory_space<semaphore_mem>>) src(%dma_wait3A_48 : memref<256x16xf32, #tpu.memory_space<vmem_shared>>) dst(%dma_wait3A_46 : memref<256x16xf32, #tpu.memory_space<hbm>>)
      tpu.yield
    }) : () -> ()
    %mul3A_37 = arith.constant 64 : i32
    %mul3A_38 = arith.muli %arg1, %mul3A_37 : i32
    %mul3A_39 = arith.constant 64 : i32
    %mul3A_40 = arith.muli %arg1, %mul3A_39 : i32
    "tpu.region"() ({
      %run_scoped3A = tpu.sem_alloc : memref<!tpu.dma_semaphore, #tpu.memory_space<semaphore_mem>>
      %dma_start3A = arith.constant 0 : i32
      %dma_start3A_41 = tpu.memref_slice %arg5[%arg0, %mul3A_40, %dma_start3A] : memref<2x1024x16xf32, #tpu.memory_space<hbm>> -> memref<1x64x16xf32, #tpu.memory_space<hbm>>
      %dma_start3A_42 = tpu.memref_squeeze %dma_start3A_41 : memref<1x64x16xf32, #tpu.memory_space<hbm>> -> memref<64x16xf32, #tpu.memory_space<hbm>>
      %dma_start3A_43 = arith.constant 0 : i32
      %dma_start3A_44 = tpu.memref_slice %arg11[%mul3A_38, %dma_start3A_43] : memref<1024x16xf32, #tpu.memory_space<vmem_shared>> -> memref<64x16xf32, #tpu.memory_space<vmem_shared>>
      tpu.enqueue_dma source(%dma_start3A_44 : memref<64x16xf32, #tpu.memory_space<vmem_shared>>) target(%dma_start3A_42 : memref<64x16xf32, #tpu.memory_space<hbm>>) target_semaphore(%run_scoped3A : memref<!tpu.dma_semaphore, #tpu.memory_space<semaphore_mem>>)
      %dma_wait3A = arith.constant 0 : i32
      %dma_wait3A_45 = tpu.memref_slice %arg5[%arg0, %mul3A_40, %dma_wait3A] : memref<2x1024x16xf32, #tpu.memory_space<hbm>> -> memref<1x64x16xf32, #tpu.memory_space<hbm>>
      %dma_wait3A_46 = tpu.memref_squeeze %dma_wait3A_45 : memref<1x64x16xf32, #tpu.memory_space<hbm>> -> memref<64x16xf32, #tpu.memory_space<hbm>>
      %dma_wait3A_47 = arith.constant 0 : i32
      %dma_wait3A_48 = tpu.memref_slice %arg11[%mul3A_38, %dma_wait3A_47] : memref<1024x16xf32, #tpu.memory_space<vmem_shared>> -> memref<64x16xf32, #tpu.memory_space<vmem_shared>>
      tpu.wait_dma2 semaphore(%run_scoped3A : memref<!tpu.dma_semaphore, #tpu.memory_space<semaphore_mem>>) src(%dma_wait3A_48 : memref<64x16xf32, #tpu.memory_space<vmem_shared>>) dst(%dma_wait3A_46 : memref<64x16xf32, #tpu.memory_space<hbm>>)
      tpu.yield
    }) : () -> ()
    return
  }
}

#map = affine_map<(d0, d1) -> (0, 0)>
#map1 = affine_map<(d0, d1) -> (0, 0, 0)>
module attributes {stable_mosaic.version = 14 : i64} {
  func.func @body(%arg0: i32, %arg1: i32, %arg2: memref<4000x48xf32, #tpu.memory_space<hbm>>, %arg3: memref<32x8x128xi32, #tpu.memory_space<hbm>>, %arg4: memref<32x8x128xi32, #tpu.memory_space<hbm>>, %arg5: memref<64x48xf32, #tpu.memory_space<hbm>>, %arg6: memref<2x1024x48xf32, #tpu.memory_space<hbm>>, %arg7: memref<8x128xi32, #tpu.memory_space<vmem>>, %arg8: memref<8x128xi32, #tpu.memory_space<vmem>>, %arg9: memref<128x48xf32, #tpu.memory_space<vmem>>, %arg10: memref<128x48xf32, #tpu.memory_space<vmem>>, %arg11: memref<128x48xf32, #tpu.memory_space<vmem>>, %arg12: memref<128x48xf32, #tpu.memory_space<vmem>>, %arg13: memref<64x48xf32, #tpu.memory_space<vmem>>, %arg14: memref<1024x48xf32, #tpu.memory_space<vmem_shared>>, %arg15: memref<!tpu.dma_semaphore, #tpu.memory_space<semaphore_mem>>, %arg16: memref<!tpu.dma_semaphore, #tpu.memory_space<semaphore_mem>>, %arg17: memref<!tpu.dma_semaphore, #tpu.memory_space<semaphore_mem>>, %arg18: memref<!tpu.dma_semaphore, #tpu.memory_space<semaphore_mem>>, %arg19: memref<!tpu.dma_semaphore, #tpu.memory_space<semaphore_mem>>, %arg20: memref<!tpu.dma_semaphore, #tpu.memory_space<semaphore_mem>>, %arg21: memref<!tpu.dma_semaphore, #tpu.memory_space<semaphore_mem>>, %arg22: memref<!tpu.dma_semaphore, #tpu.memory_space<semaphore_mem>>) attributes {dimension_semantics = [#tpu.dimension_semantics<core_parallel>, #tpu.dimension_semantics<subcore_parallel>], iteration_bounds = array<i64: 2, 16>, scalar_prefetch = 0 : i64, scratch_operands = 16 : i64, tpu.core_type = #tpu.core_type<sc_vector_subcore>, window_params = [{transform_indices = #map}, {transform_indices = #map1}, {transform_indices = #map1}, {transform_indices = #map}, {transform_indices = #map1}]} {
    %mul3A = arith.constant 2 : i32
    %mul3A_0 = arith.muli %arg1, %mul3A : i32
    %add3A = arith.addi %mul3A_0, %arg0 : i32
    "tpu.region"() ({
      %run_scoped3A = tpu.sem_alloc : memref<!tpu.dma_semaphore, #tpu.memory_space<semaphore_mem>>
      %dma_start3A_75 = arith.constant 0 : i32
      %dma_start3A_76 = arith.constant 0 : i32
      %dma_start3A_77 = tpu.memref_slice %arg3[%add3A, %dma_start3A_75, %dma_start3A_76] : memref<32x8x128xi32, #tpu.memory_space<hbm>> -> memref<1x8x128xi32, #tpu.memory_space<hbm>>
      %dma_start3A_78 = tpu.memref_squeeze %dma_start3A_77 : memref<1x8x128xi32, #tpu.memory_space<hbm>> -> memref<8x128xi32, #tpu.memory_space<hbm>>
      %dma_start3A_79 = arith.constant 0 : i32
      %dma_start3A_80 = arith.constant 0 : i32
      %dma_start3A_81 = tpu.memref_slice %arg3[%add3A, %dma_start3A_79, %dma_start3A_80] : memref<32x8x128xi32, #tpu.memory_space<hbm>> -> memref<1x8x128xi32, #tpu.memory_space<hbm>>
      %dma_start3A_82 = tpu.memref_squeeze %dma_start3A_81 : memref<1x8x128xi32, #tpu.memory_space<hbm>> -> memref<8x128xi32, #tpu.memory_space<hbm>>
      tpu.enqueue_dma source(%dma_start3A_82 : memref<8x128xi32, #tpu.memory_space<hbm>>) target(%arg7 : memref<8x128xi32, #tpu.memory_space<vmem>>) target_semaphore(%run_scoped3A : memref<!tpu.dma_semaphore, #tpu.memory_space<semaphore_mem>>)
      %dma_wait3A_83 = arith.constant 0 : i32
      %dma_wait3A_84 = arith.constant 0 : i32
      %dma_wait3A_85 = tpu.memref_slice %arg3[%add3A, %dma_wait3A_83, %dma_wait3A_84] : memref<32x8x128xi32, #tpu.memory_space<hbm>> -> memref<1x8x128xi32, #tpu.memory_space<hbm>>
      %dma_wait3A_86 = tpu.memref_squeeze %dma_wait3A_85 : memref<1x8x128xi32, #tpu.memory_space<hbm>> -> memref<8x128xi32, #tpu.memory_space<hbm>>
      %dma_wait3A_87 = arith.constant 0 : i32
      %dma_wait3A_88 = arith.constant 0 : i32
      %dma_wait3A_89 = tpu.memref_slice %arg3[%add3A, %dma_wait3A_87, %dma_wait3A_88] : memref<32x8x128xi32, #tpu.memory_space<hbm>> -> memref<1x8x128xi32, #tpu.memory_space<hbm>>
      %dma_wait3A_90 = tpu.memref_squeeze %dma_wait3A_89 : memref<1x8x128xi32, #tpu.memory_space<hbm>> -> memref<8x128xi32, #tpu.memory_space<hbm>>
      tpu.wait_dma2 semaphore(%run_scoped3A : memref<!tpu.dma_semaphore, #tpu.memory_space<semaphore_mem>>) src(%dma_wait3A_90 : memref<8x128xi32, #tpu.memory_space<hbm>>) dst(%arg7 : memref<8x128xi32, #tpu.memory_space<vmem>>)
      tpu.yield
    }) : () -> ()
    "tpu.region"() ({
      %run_scoped3A = tpu.sem_alloc : memref<!tpu.dma_semaphore, #tpu.memory_space<semaphore_mem>>
      %dma_start3A_75 = arith.constant 0 : i32
      %dma_start3A_76 = arith.constant 0 : i32
      %dma_start3A_77 = tpu.memref_slice %arg4[%add3A, %dma_start3A_75, %dma_start3A_76] : memref<32x8x128xi32, #tpu.memory_space<hbm>> -> memref<1x8x128xi32, #tpu.memory_space<hbm>>
      %dma_start3A_78 = tpu.memref_squeeze %dma_start3A_77 : memref<1x8x128xi32, #tpu.memory_space<hbm>> -> memref<8x128xi32, #tpu.memory_space<hbm>>
      %dma_start3A_79 = arith.constant 0 : i32
      %dma_start3A_80 = arith.constant 0 : i32
      %dma_start3A_81 = tpu.memref_slice %arg4[%add3A, %dma_start3A_79, %dma_start3A_80] : memref<32x8x128xi32, #tpu.memory_space<hbm>> -> memref<1x8x128xi32, #tpu.memory_space<hbm>>
      %dma_start3A_82 = tpu.memref_squeeze %dma_start3A_81 : memref<1x8x128xi32, #tpu.memory_space<hbm>> -> memref<8x128xi32, #tpu.memory_space<hbm>>
      tpu.enqueue_dma source(%dma_start3A_82 : memref<8x128xi32, #tpu.memory_space<hbm>>) target(%arg8 : memref<8x128xi32, #tpu.memory_space<vmem>>) target_semaphore(%run_scoped3A : memref<!tpu.dma_semaphore, #tpu.memory_space<semaphore_mem>>)
      %dma_wait3A_83 = arith.constant 0 : i32
      %dma_wait3A_84 = arith.constant 0 : i32
      %dma_wait3A_85 = tpu.memref_slice %arg4[%add3A, %dma_wait3A_83, %dma_wait3A_84] : memref<32x8x128xi32, #tpu.memory_space<hbm>> -> memref<1x8x128xi32, #tpu.memory_space<hbm>>
      %dma_wait3A_86 = tpu.memref_squeeze %dma_wait3A_85 : memref<1x8x128xi32, #tpu.memory_space<hbm>> -> memref<8x128xi32, #tpu.memory_space<hbm>>
      %dma_wait3A_87 = arith.constant 0 : i32
      %dma_wait3A_88 = arith.constant 0 : i32
      %dma_wait3A_89 = tpu.memref_slice %arg4[%add3A, %dma_wait3A_87, %dma_wait3A_88] : memref<32x8x128xi32, #tpu.memory_space<hbm>> -> memref<1x8x128xi32, #tpu.memory_space<hbm>>
      %dma_wait3A_90 = tpu.memref_squeeze %dma_wait3A_89 : memref<1x8x128xi32, #tpu.memory_space<hbm>> -> memref<8x128xi32, #tpu.memory_space<hbm>>
      tpu.wait_dma2 semaphore(%run_scoped3A : memref<!tpu.dma_semaphore, #tpu.memory_space<semaphore_mem>>) src(%dma_wait3A_90 : memref<8x128xi32, #tpu.memory_space<hbm>>) dst(%arg8 : memref<8x128xi32, #tpu.memory_space<vmem>>)
      tpu.yield
    }) : () -> ()
    %dma_start3A = arith.constant 0 : i32
    %dma_start3A_1 = arith.constant 0 : i32
    %dma_start3A_2 = tpu.memref_slice %arg7[%dma_start3A, %dma_start3A_1] : memref<8x128xi32, #tpu.memory_space<vmem>> -> memref<1x128xi32, #tpu.memory_space<vmem>>
    %dma_start3A_3 = tpu.memref_squeeze %dma_start3A_2 : memref<1x128xi32, #tpu.memory_space<vmem>> -> memref<128xi32, #tpu.memory_space<vmem>>
    %dma_start3A_4 = arith.constant 0 : i32
    %dma_start3A_5 = arith.constant 0 : i32
    %dma_start3A_6 = tpu.memref_slice %arg2[%dma_start3A_4, %dma_start3A_5] : memref<4000x48xf32, #tpu.memory_space<hbm>> -> memref<4000x48xf32, #tpu.memory_space<hbm>>
    tpu.enqueue_indirect_dma source(%dma_start3A_6 : memref<4000x48xf32, #tpu.memory_space<hbm>>) target(%arg9 : memref<128x48xf32, #tpu.memory_space<vmem>>) offsets(%dma_start3A_3 : memref<128xi32, #tpu.memory_space<vmem>>) semaphore(%arg15 : memref<!tpu.dma_semaphore, #tpu.memory_space<semaphore_mem>>)
    %dma_start3A_7 = arith.constant 1 : i32
    %dma_start3A_8 = arith.constant 0 : i32
    %dma_start3A_9 = tpu.memref_slice %arg7[%dma_start3A_7, %dma_start3A_8] : memref<8x128xi32, #tpu.memory_space<vmem>> -> memref<1x128xi32, #tpu.memory_space<vmem>>
    %dma_start3A_10 = tpu.memref_squeeze %dma_start3A_9 : memref<1x128xi32, #tpu.memory_space<vmem>> -> memref<128xi32, #tpu.memory_space<vmem>>
    %dma_start3A_11 = arith.constant 0 : i32
    %dma_start3A_12 = arith.constant 0 : i32
    %dma_start3A_13 = tpu.memref_slice %arg2[%dma_start3A_11, %dma_start3A_12] : memref<4000x48xf32, #tpu.memory_space<hbm>> -> memref<4000x48xf32, #tpu.memory_space<hbm>>
    tpu.enqueue_indirect_dma source(%dma_start3A_13 : memref<4000x48xf32, #tpu.memory_space<hbm>>) target(%arg10 : memref<128x48xf32, #tpu.memory_space<vmem>>) offsets(%dma_start3A_10 : memref<128xi32, #tpu.memory_space<vmem>>) semaphore(%arg16 : memref<!tpu.dma_semaphore, #tpu.memory_space<semaphore_mem>>)
    %dma_start3A_14 = arith.constant 2 : i32
    %dma_start3A_15 = arith.constant 0 : i32
    %dma_start3A_16 = tpu.memref_slice %arg7[%dma_start3A_14, %dma_start3A_15] : memref<8x128xi32, #tpu.memory_space<vmem>> -> memref<1x128xi32, #tpu.memory_space<vmem>>
    %dma_start3A_17 = tpu.memref_squeeze %dma_start3A_16 : memref<1x128xi32, #tpu.memory_space<vmem>> -> memref<128xi32, #tpu.memory_space<vmem>>
    %dma_start3A_18 = arith.constant 0 : i32
    %dma_start3A_19 = arith.constant 0 : i32
    %dma_start3A_20 = tpu.memref_slice %arg2[%dma_start3A_18, %dma_start3A_19] : memref<4000x48xf32, #tpu.memory_space<hbm>> -> memref<4000x48xf32, #tpu.memory_space<hbm>>
    tpu.enqueue_indirect_dma source(%dma_start3A_20 : memref<4000x48xf32, #tpu.memory_space<hbm>>) target(%arg11 : memref<128x48xf32, #tpu.memory_space<vmem>>) offsets(%dma_start3A_17 : memref<128xi32, #tpu.memory_space<vmem>>) semaphore(%arg17 : memref<!tpu.dma_semaphore, #tpu.memory_space<semaphore_mem>>)
    %dma_start3A_21 = arith.constant 3 : i32
    %dma_start3A_22 = arith.constant 0 : i32
    %dma_start3A_23 = tpu.memref_slice %arg7[%dma_start3A_21, %dma_start3A_22] : memref<8x128xi32, #tpu.memory_space<vmem>> -> memref<1x128xi32, #tpu.memory_space<vmem>>
    %dma_start3A_24 = tpu.memref_squeeze %dma_start3A_23 : memref<1x128xi32, #tpu.memory_space<vmem>> -> memref<128xi32, #tpu.memory_space<vmem>>
    %dma_start3A_25 = arith.constant 0 : i32
    %dma_start3A_26 = arith.constant 0 : i32
    %dma_start3A_27 = tpu.memref_slice %arg2[%dma_start3A_25, %dma_start3A_26] : memref<4000x48xf32, #tpu.memory_space<hbm>> -> memref<4000x48xf32, #tpu.memory_space<hbm>>
    tpu.enqueue_indirect_dma source(%dma_start3A_27 : memref<4000x48xf32, #tpu.memory_space<hbm>>) target(%arg12 : memref<128x48xf32, #tpu.memory_space<vmem>>) offsets(%dma_start3A_24 : memref<128xi32, #tpu.memory_space<vmem>>) semaphore(%arg18 : memref<!tpu.dma_semaphore, #tpu.memory_space<semaphore_mem>>)
    "tpu.region"() ({
      %run_scoped3A = tpu.sem_alloc : memref<!tpu.dma_semaphore, #tpu.memory_space<semaphore_mem>>
      tpu.enqueue_dma source(%arg5 : memref<64x48xf32, #tpu.memory_space<hbm>>) target(%arg13 : memref<64x48xf32, #tpu.memory_space<vmem>>) target_semaphore(%run_scoped3A : memref<!tpu.dma_semaphore, #tpu.memory_space<semaphore_mem>>)
      tpu.wait_dma2 semaphore(%run_scoped3A : memref<!tpu.dma_semaphore, #tpu.memory_space<semaphore_mem>>) src(%arg5 : memref<64x48xf32, #tpu.memory_space<hbm>>) dst(%arg13 : memref<64x48xf32, #tpu.memory_space<vmem>>)
      tpu.yield
    }) : () -> ()
    %scan3A = arith.constant 0 : i32
    %mul3A_28 = arith.constant 64 : i32
    %mul3A_29 = arith.muli %scan3A, %mul3A_28 : i32
    %add3A_30 = arith.constant 0 : i32
    %add3A_31 = arith.addi %add3A_30, %mul3A_29 : i32
    %mul3A_32 = arith.constant 64 : i32
    %mul3A_33 = arith.muli %arg1, %mul3A_32 : i32
    %add3A_34 = arith.addi %mul3A_33, %add3A_31 : i32
    %dma_start3A_35 = arith.constant 0 : i32
    %dma_start3A_36 = tpu.memref_slice %arg14[%add3A_34, %dma_start3A_35] : memref<1024x48xf32, #tpu.memory_space<vmem_shared>> -> memref<64x48xf32, #tpu.memory_space<vmem_shared>>
    %dma_start3A_37 = arith.constant 0 : i32
    %dma_start3A_38 = tpu.memref_slice %arg14[%add3A_34, %dma_start3A_37] : memref<1024x48xf32, #tpu.memory_space<vmem_shared>> -> memref<64x48xf32, #tpu.memory_space<vmem_shared>>
    tpu.enqueue_dma source(%arg13 : memref<64x48xf32, #tpu.memory_space<vmem>>) target(%dma_start3A_38 : memref<64x48xf32, #tpu.memory_space<vmem_shared>>) target_semaphore(%arg19 : memref<!tpu.dma_semaphore, #tpu.memory_space<semaphore_mem>>)
    %scan3A_39 = arith.constant 1 : i32
    %scan3A_40 = arith.constant 0 : i32
    %mul3A_41 = arith.constant 64 : i32
    %mul3A_42 = arith.muli %scan3A_40, %mul3A_41 : i32
    %add3A_43 = arith.constant 0 : i32
    %add3A_44 = arith.addi %add3A_43, %mul3A_42 : i32
    %dma_wait3A = arith.constant 0 : i32
    %dma_wait3A_45 = arith.constant 0 : i32
    %dma_wait3A_46 = tpu.memref_slice %arg14[%dma_wait3A, %dma_wait3A_45] : memref<1024x48xf32, #tpu.memory_space<vmem_shared>> -> memref<64x48xf32, #tpu.memory_space<vmem_shared>>
    %dma_wait3A_47 = arith.constant 0 : i32
    %dma_wait3A_48 = arith.constant 0 : i32
    %dma_wait3A_49 = tpu.memref_slice %arg14[%dma_wait3A_47, %dma_wait3A_48] : memref<1024x48xf32, #tpu.memory_space<vmem_shared>> -> memref<64x48xf32, #tpu.memory_space<vmem_shared>>
    tpu.wait_dma2 semaphore(%arg19 : memref<!tpu.dma_semaphore, #tpu.memory_space<semaphore_mem>>) src(%arg13 : memref<64x48xf32, #tpu.memory_space<vmem>>) dst(%dma_wait3A_49 : memref<64x48xf32, #tpu.memory_space<vmem_shared>>)
    %scan3A_50 = arith.constant 1 : i32
    %barrier3A = arith.constant 0 : index
    tpu.barrier barrier_id(%barrier3A)
    %scan3A_51 = arith.constant 0 : i32
    %scan3A_52 = arith.constant 2 : i32
    %scan3A_53 = arith.addi %scan3A_51, %scan3A_52 : i32
    %scan3A_54 = arith.constant 1 : i32
    scf.for %scan3A_75 = %scan3A_51 to %scan3A_53 step %scan3A_54  : i32 {
      %mul3A_76 = arith.constant 4 : i32
      %mul3A_77 = arith.muli %scan3A_75, %mul3A_76 : i32
      %add3A_78 = arith.constant 0 : i32
      %add3A_79 = arith.addi %add3A_78, %mul3A_77 : i32
      %add3A_80 = arith.constant 0 : i32
      %add3A_81 = arith.addi %add3A_79, %add3A_80 : i32
      %dma_wait3A_82 = arith.constant 0 : i32
      %dma_wait3A_83 = tpu.memref_slice %arg7[%add3A_81, %dma_wait3A_82] : memref<8x128xi32, #tpu.memory_space<vmem>> -> memref<1x128xi32, #tpu.memory_space<vmem>>
      %dma_wait3A_84 = tpu.memref_squeeze %dma_wait3A_83 : memref<1x128xi32, #tpu.memory_space<vmem>> -> memref<128xi32, #tpu.memory_space<vmem>>
      %dma_wait3A_85 = arith.constant 0 : i32
      %dma_wait3A_86 = arith.constant 0 : i32
      %dma_wait3A_87 = tpu.memref_slice %arg2[%dma_wait3A_85, %dma_wait3A_86] : memref<4000x48xf32, #tpu.memory_space<hbm>> -> memref<4000x48xf32, #tpu.memory_space<hbm>>
      tpu.wait_indirect_dma semaphore(%arg15 : memref<!tpu.dma_semaphore, #tpu.memory_space<semaphore_mem>>) src(%dma_wait3A_87 : memref<4000x48xf32, #tpu.memory_space<hbm>>) dst(%arg9 : memref<128x48xf32, #tpu.memory_space<vmem>>)
      %add3A_88 = arith.constant 0 : i32
      %add3A_89 = arith.addi %add3A_79, %add3A_88 : i32
      %dma_start3A_90 = arith.constant 0 : i32
      %dma_start3A_91 = tpu.memref_slice %arg8[%add3A_89, %dma_start3A_90] : memref<8x128xi32, #tpu.memory_space<vmem>> -> memref<1x128xi32, #tpu.memory_space<vmem>>
      %dma_start3A_92 = tpu.memref_squeeze %dma_start3A_91 : memref<1x128xi32, #tpu.memory_space<vmem>> -> memref<128xi32, #tpu.memory_space<vmem>>
      %dma_start3A_93 = arith.constant 0 : i32
      %dma_start3A_94 = arith.constant 0 : i32
      %dma_start3A_95 = tpu.memref_slice %arg14[%dma_start3A_93, %dma_start3A_94] : memref<1024x48xf32, #tpu.memory_space<vmem_shared>> -> memref<1024x48xf32, #tpu.memory_space<vmem_shared>>
      tpu.enqueue_indirect_dma source(%arg9 : memref<128x48xf32, #tpu.memory_space<vmem>>) target(%dma_start3A_95 : memref<1024x48xf32, #tpu.memory_space<vmem_shared>>) offsets(%dma_start3A_92 : memref<128xi32, #tpu.memory_space<vmem>>) semaphore(%arg19 : memref<!tpu.dma_semaphore, #tpu.memory_space<semaphore_mem>>) {add = true}
      %add3A_96 = arith.constant 0 : i32
      %add3A_97 = arith.addi %add3A_79, %add3A_96 : i32
      %ge3A = arith.constant 2 : i32
      %ge3A_98 = arith.cmpi sge, %add3A_97, %ge3A : i32
      %convert_element_type3A = arith.extui %ge3A_98 : i1 to i32
      %cond3A = arith.constant 0 : i32
      %cond3A_99 = arith.cmpi ne, %convert_element_type3A, %cond3A : i32
      scf.if %cond3A_99 {
        %add3A_223 = arith.constant 0 : i32
        %add3A_224 = arith.addi %add3A_79, %add3A_223 : i32
        %sub3A = arith.constant 2 : i32
        %sub3A_225 = arith.subi %add3A_224, %sub3A : i32
        %dma_wait3A_226 = arith.constant 0 : i32
        %dma_wait3A_227 = tpu.memref_slice %arg8[%sub3A_225, %dma_wait3A_226] : memref<8x128xi32, #tpu.memory_space<vmem>> -> memref<1x128xi32, #tpu.memory_space<vmem>>
        %dma_wait3A_228 = tpu.memref_squeeze %dma_wait3A_227 : memref<1x128xi32, #tpu.memory_space<vmem>> -> memref<128xi32, #tpu.memory_space<vmem>>
        %dma_wait3A_229 = arith.constant 0 : i32
        %dma_wait3A_230 = arith.constant 0 : i32
        %dma_wait3A_231 = tpu.memref_slice %arg14[%dma_wait3A_229, %dma_wait3A_230] : memref<1024x48xf32, #tpu.memory_space<vmem_shared>> -> memref<1024x48xf32, #tpu.memory_space<vmem_shared>>
        tpu.wait_indirect_dma semaphore(%arg21 : memref<!tpu.dma_semaphore, #tpu.memory_space<semaphore_mem>>) src(%arg11 : memref<128x48xf32, #tpu.memory_space<vmem>>) dst(%dma_wait3A_231 : memref<1024x48xf32, #tpu.memory_space<vmem_shared>>)
      } else {
      }
      %add3A_100 = arith.constant 0 : i32
      %add3A_101 = arith.addi %add3A_79, %add3A_100 : i32
      %ge3A_102 = arith.constant 2 : i32
      %ge3A_103 = arith.cmpi sge, %add3A_101, %ge3A_102 : i32
      %add3A_104 = arith.constant 0 : i32
      %add3A_105 = arith.addi %add3A_79, %add3A_104 : i32
      %add3A_106 = arith.constant 2 : i32
      %add3A_107 = arith.addi %add3A_105, %add3A_106 : i32
      %lt3A = arith.constant 8 : i32
      %lt3A_108 = arith.cmpi slt, %add3A_107, %lt3A : i32
      %and3A = arith.andi %ge3A_103, %lt3A_108 : i1
      %convert_element_type3A_109 = arith.extui %and3A : i1 to i32
      %cond3A_110 = arith.constant 0 : i32
      %cond3A_111 = arith.cmpi ne, %convert_element_type3A_109, %cond3A_110 : i32
      scf.if %cond3A_111 {
        %add3A_223 = arith.constant 0 : i32
        %add3A_224 = arith.addi %add3A_79, %add3A_223 : i32
        %add3A_225 = arith.constant 2 : i32
        %add3A_226 = arith.addi %add3A_224, %add3A_225 : i32
        %dma_start3A_227 = arith.constant 0 : i32
        %dma_start3A_228 = tpu.memref_slice %arg7[%add3A_226, %dma_start3A_227] : memref<8x128xi32, #tpu.memory_space<vmem>> -> memref<1x128xi32, #tpu.memory_space<vmem>>
        %dma_start3A_229 = tpu.memref_squeeze %dma_start3A_228 : memref<1x128xi32, #tpu.memory_space<vmem>> -> memref<128xi32, #tpu.memory_space<vmem>>
        %dma_start3A_230 = arith.constant 0 : i32
        %dma_start3A_231 = arith.constant 0 : i32
        %dma_start3A_232 = tpu.memref_slice %arg2[%dma_start3A_230, %dma_start3A_231] : memref<4000x48xf32, #tpu.memory_space<hbm>> -> memref<4000x48xf32, #tpu.memory_space<hbm>>
        tpu.enqueue_indirect_dma source(%dma_start3A_232 : memref<4000x48xf32, #tpu.memory_space<hbm>>) target(%arg11 : memref<128x48xf32, #tpu.memory_space<vmem>>) offsets(%dma_start3A_229 : memref<128xi32, #tpu.memory_space<vmem>>) semaphore(%arg17 : memref<!tpu.dma_semaphore, #tpu.memory_space<semaphore_mem>>)
      } else {
      }
      %add3A_112 = arith.constant 1 : i32
      %add3A_113 = arith.addi %add3A_79, %add3A_112 : i32
      %dma_wait3A_114 = arith.constant 0 : i32
      %dma_wait3A_115 = tpu.memref_slice %arg7[%add3A_113, %dma_wait3A_114] : memref<8x128xi32, #tpu.memory_space<vmem>> -> memref<1x128xi32, #tpu.memory_space<vmem>>
      %dma_wait3A_116 = tpu.memref_squeeze %dma_wait3A_115 : memref<1x128xi32, #tpu.memory_space<vmem>> -> memref<128xi32, #tpu.memory_space<vmem>>
      %dma_wait3A_117 = arith.constant 0 : i32
      %dma_wait3A_118 = arith.constant 0 : i32
      %dma_wait3A_119 = tpu.memref_slice %arg2[%dma_wait3A_117, %dma_wait3A_118] : memref<4000x48xf32, #tpu.memory_space<hbm>> -> memref<4000x48xf32, #tpu.memory_space<hbm>>
      tpu.wait_indirect_dma semaphore(%arg16 : memref<!tpu.dma_semaphore, #tpu.memory_space<semaphore_mem>>) src(%dma_wait3A_119 : memref<4000x48xf32, #tpu.memory_space<hbm>>) dst(%arg10 : memref<128x48xf32, #tpu.memory_space<vmem>>)
      %add3A_120 = arith.constant 1 : i32
      %add3A_121 = arith.addi %add3A_79, %add3A_120 : i32
      %dma_start3A_122 = arith.constant 0 : i32
      %dma_start3A_123 = tpu.memref_slice %arg8[%add3A_121, %dma_start3A_122] : memref<8x128xi32, #tpu.memory_space<vmem>> -> memref<1x128xi32, #tpu.memory_space<vmem>>
      %dma_start3A_124 = tpu.memref_squeeze %dma_start3A_123 : memref<1x128xi32, #tpu.memory_space<vmem>> -> memref<128xi32, #tpu.memory_space<vmem>>
      %dma_start3A_125 = arith.constant 0 : i32
      %dma_start3A_126 = arith.constant 0 : i32
      %dma_start3A_127 = tpu.memref_slice %arg14[%dma_start3A_125, %dma_start3A_126] : memref<1024x48xf32, #tpu.memory_space<vmem_shared>> -> memref<1024x48xf32, #tpu.memory_space<vmem_shared>>
      tpu.enqueue_indirect_dma source(%arg10 : memref<128x48xf32, #tpu.memory_space<vmem>>) target(%dma_start3A_127 : memref<1024x48xf32, #tpu.memory_space<vmem_shared>>) offsets(%dma_start3A_124 : memref<128xi32, #tpu.memory_space<vmem>>) semaphore(%arg20 : memref<!tpu.dma_semaphore, #tpu.memory_space<semaphore_mem>>) {add = true}
      %add3A_128 = arith.constant 1 : i32
      %add3A_129 = arith.addi %add3A_79, %add3A_128 : i32
      %ge3A_130 = arith.constant 2 : i32
      %ge3A_131 = arith.cmpi sge, %add3A_129, %ge3A_130 : i32
      %convert_element_type3A_132 = arith.extui %ge3A_131 : i1 to i32
      %cond3A_133 = arith.constant 0 : i32
      %cond3A_134 = arith.cmpi ne, %convert_element_type3A_132, %cond3A_133 : i32
      scf.if %cond3A_134 {
        %add3A_223 = arith.constant 1 : i32
        %add3A_224 = arith.addi %add3A_79, %add3A_223 : i32
        %sub3A = arith.constant 2 : i32
        %sub3A_225 = arith.subi %add3A_224, %sub3A : i32
        %dma_wait3A_226 = arith.constant 0 : i32
        %dma_wait3A_227 = tpu.memref_slice %arg8[%sub3A_225, %dma_wait3A_226] : memref<8x128xi32, #tpu.memory_space<vmem>> -> memref<1x128xi32, #tpu.memory_space<vmem>>
        %dma_wait3A_228 = tpu.memref_squeeze %dma_wait3A_227 : memref<1x128xi32, #tpu.memory_space<vmem>> -> memref<128xi32, #tpu.memory_space<vmem>>
        %dma_wait3A_229 = arith.constant 0 : i32
        %dma_wait3A_230 = arith.constant 0 : i32
        %dma_wait3A_231 = tpu.memref_slice %arg14[%dma_wait3A_229, %dma_wait3A_230] : memref<1024x48xf32, #tpu.memory_space<vmem_shared>> -> memref<1024x48xf32, #tpu.memory_space<vmem_shared>>
        tpu.wait_indirect_dma semaphore(%arg22 : memref<!tpu.dma_semaphore, #tpu.memory_space<semaphore_mem>>) src(%arg12 : memref<128x48xf32, #tpu.memory_space<vmem>>) dst(%dma_wait3A_231 : memref<1024x48xf32, #tpu.memory_space<vmem_shared>>)
      } else {
      }
      %add3A_135 = arith.constant 1 : i32
      %add3A_136 = arith.addi %add3A_79, %add3A_135 : i32
      %ge3A_137 = arith.constant 2 : i32
      %ge3A_138 = arith.cmpi sge, %add3A_136, %ge3A_137 : i32
      %add3A_139 = arith.constant 1 : i32
      %add3A_140 = arith.addi %add3A_79, %add3A_139 : i32
      %add3A_141 = arith.constant 2 : i32
      %add3A_142 = arith.addi %add3A_140, %add3A_141 : i32
      %lt3A_143 = arith.constant 8 : i32
      %lt3A_144 = arith.cmpi slt, %add3A_142, %lt3A_143 : i32
      %and3A_145 = arith.andi %ge3A_138, %lt3A_144 : i1
      %convert_element_type3A_146 = arith.extui %and3A_145 : i1 to i32
      %cond3A_147 = arith.constant 0 : i32
      %cond3A_148 = arith.cmpi ne, %convert_element_type3A_146, %cond3A_147 : i32
      scf.if %cond3A_148 {
        %add3A_223 = arith.constant 1 : i32
        %add3A_224 = arith.addi %add3A_79, %add3A_223 : i32
        %add3A_225 = arith.constant 2 : i32
        %add3A_226 = arith.addi %add3A_224, %add3A_225 : i32
        %dma_start3A_227 = arith.constant 0 : i32
        %dma_start3A_228 = tpu.memref_slice %arg7[%add3A_226, %dma_start3A_227] : memref<8x128xi32, #tpu.memory_space<vmem>> -> memref<1x128xi32, #tpu.memory_space<vmem>>
        %dma_start3A_229 = tpu.memref_squeeze %dma_start3A_228 : memref<1x128xi32, #tpu.memory_space<vmem>> -> memref<128xi32, #tpu.memory_space<vmem>>
        %dma_start3A_230 = arith.constant 0 : i32
        %dma_start3A_231 = arith.constant 0 : i32
        %dma_start3A_232 = tpu.memref_slice %arg2[%dma_start3A_230, %dma_start3A_231] : memref<4000x48xf32, #tpu.memory_space<hbm>> -> memref<4000x48xf32, #tpu.memory_space<hbm>>
        tpu.enqueue_indirect_dma source(%dma_start3A_232 : memref<4000x48xf32, #tpu.memory_space<hbm>>) target(%arg12 : memref<128x48xf32, #tpu.memory_space<vmem>>) offsets(%dma_start3A_229 : memref<128xi32, #tpu.memory_space<vmem>>) semaphore(%arg18 : memref<!tpu.dma_semaphore, #tpu.memory_space<semaphore_mem>>)
      } else {
      }
      %add3A_149 = arith.constant 2 : i32
      %add3A_150 = arith.addi %add3A_79, %add3A_149 : i32
      %dma_wait3A_151 = arith.constant 0 : i32
      %dma_wait3A_152 = tpu.memref_slice %arg7[%add3A_150, %dma_wait3A_151] : memref<8x128xi32, #tpu.memory_space<vmem>> -> memref<1x128xi32, #tpu.memory_space<vmem>>
      %dma_wait3A_153 = tpu.memref_squeeze %dma_wait3A_152 : memref<1x128xi32, #tpu.memory_space<vmem>> -> memref<128xi32, #tpu.memory_space<vmem>>
      %dma_wait3A_154 = arith.constant 0 : i32
      %dma_wait3A_155 = arith.constant 0 : i32
      %dma_wait3A_156 = tpu.memref_slice %arg2[%dma_wait3A_154, %dma_wait3A_155] : memref<4000x48xf32, #tpu.memory_space<hbm>> -> memref<4000x48xf32, #tpu.memory_space<hbm>>
      tpu.wait_indirect_dma semaphore(%arg17 : memref<!tpu.dma_semaphore, #tpu.memory_space<semaphore_mem>>) src(%dma_wait3A_156 : memref<4000x48xf32, #tpu.memory_space<hbm>>) dst(%arg11 : memref<128x48xf32, #tpu.memory_space<vmem>>)
      %add3A_157 = arith.constant 2 : i32
      %add3A_158 = arith.addi %add3A_79, %add3A_157 : i32
      %dma_start3A_159 = arith.constant 0 : i32
      %dma_start3A_160 = tpu.memref_slice %arg8[%add3A_158, %dma_start3A_159] : memref<8x128xi32, #tpu.memory_space<vmem>> -> memref<1x128xi32, #tpu.memory_space<vmem>>
      %dma_start3A_161 = tpu.memref_squeeze %dma_start3A_160 : memref<1x128xi32, #tpu.memory_space<vmem>> -> memref<128xi32, #tpu.memory_space<vmem>>
      %dma_start3A_162 = arith.constant 0 : i32
      %dma_start3A_163 = arith.constant 0 : i32
      %dma_start3A_164 = tpu.memref_slice %arg14[%dma_start3A_162, %dma_start3A_163] : memref<1024x48xf32, #tpu.memory_space<vmem_shared>> -> memref<1024x48xf32, #tpu.memory_space<vmem_shared>>
      tpu.enqueue_indirect_dma source(%arg11 : memref<128x48xf32, #tpu.memory_space<vmem>>) target(%dma_start3A_164 : memref<1024x48xf32, #tpu.memory_space<vmem_shared>>) offsets(%dma_start3A_161 : memref<128xi32, #tpu.memory_space<vmem>>) semaphore(%arg21 : memref<!tpu.dma_semaphore, #tpu.memory_space<semaphore_mem>>) {add = true}
      %add3A_165 = arith.constant 2 : i32
      %add3A_166 = arith.addi %add3A_79, %add3A_165 : i32
      %ge3A_167 = arith.constant 2 : i32
      %ge3A_168 = arith.cmpi sge, %add3A_166, %ge3A_167 : i32
      %convert_element_type3A_169 = arith.extui %ge3A_168 : i1 to i32
      %cond3A_170 = arith.constant 0 : i32
      %cond3A_171 = arith.cmpi ne, %convert_element_type3A_169, %cond3A_170 : i32
      scf.if %cond3A_171 {
        %add3A_223 = arith.constant 2 : i32
        %add3A_224 = arith.addi %add3A_79, %add3A_223 : i32
        %sub3A = arith.constant 2 : i32
        %sub3A_225 = arith.subi %add3A_224, %sub3A : i32
        %dma_wait3A_226 = arith.constant 0 : i32
        %dma_wait3A_227 = tpu.memref_slice %arg8[%sub3A_225, %dma_wait3A_226] : memref<8x128xi32, #tpu.memory_space<vmem>> -> memref<1x128xi32, #tpu.memory_space<vmem>>
        %dma_wait3A_228 = tpu.memref_squeeze %dma_wait3A_227 : memref<1x128xi32, #tpu.memory_space<vmem>> -> memref<128xi32, #tpu.memory_space<vmem>>
        %dma_wait3A_229 = arith.constant 0 : i32
        %dma_wait3A_230 = arith.constant 0 : i32
        %dma_wait3A_231 = tpu.memref_slice %arg14[%dma_wait3A_229, %dma_wait3A_230] : memref<1024x48xf32, #tpu.memory_space<vmem_shared>> -> memref<1024x48xf32, #tpu.memory_space<vmem_shared>>
        tpu.wait_indirect_dma semaphore(%arg19 : memref<!tpu.dma_semaphore, #tpu.memory_space<semaphore_mem>>) src(%arg9 : memref<128x48xf32, #tpu.memory_space<vmem>>) dst(%dma_wait3A_231 : memref<1024x48xf32, #tpu.memory_space<vmem_shared>>)
      } else {
      }
      %add3A_172 = arith.constant 2 : i32
      %add3A_173 = arith.addi %add3A_79, %add3A_172 : i32
      %ge3A_174 = arith.constant 2 : i32
      %ge3A_175 = arith.cmpi sge, %add3A_173, %ge3A_174 : i32
      %add3A_176 = arith.constant 2 : i32
      %add3A_177 = arith.addi %add3A_79, %add3A_176 : i32
      %add3A_178 = arith.constant 2 : i32
      %add3A_179 = arith.addi %add3A_177, %add3A_178 : i32
      %lt3A_180 = arith.constant 8 : i32
      %lt3A_181 = arith.cmpi slt, %add3A_179, %lt3A_180 : i32
      %and3A_182 = arith.andi %ge3A_175, %lt3A_181 : i1
      %convert_element_type3A_183 = arith.extui %and3A_182 : i1 to i32
      %cond3A_184 = arith.constant 0 : i32
      %cond3A_185 = arith.cmpi ne, %convert_element_type3A_183, %cond3A_184 : i32
      scf.if %cond3A_185 {
        %add3A_223 = arith.constant 2 : i32
        %add3A_224 = arith.addi %add3A_79, %add3A_223 : i32
        %add3A_225 = arith.constant 2 : i32
        %add3A_226 = arith.addi %add3A_224, %add3A_225 : i32
        %dma_start3A_227 = arith.constant 0 : i32
        %dma_start3A_228 = tpu.memref_slice %arg7[%add3A_226, %dma_start3A_227] : memref<8x128xi32, #tpu.memory_space<vmem>> -> memref<1x128xi32, #tpu.memory_space<vmem>>
        %dma_start3A_229 = tpu.memref_squeeze %dma_start3A_228 : memref<1x128xi32, #tpu.memory_space<vmem>> -> memref<128xi32, #tpu.memory_space<vmem>>
        %dma_start3A_230 = arith.constant 0 : i32
        %dma_start3A_231 = arith.constant 0 : i32
        %dma_start3A_232 = tpu.memref_slice %arg2[%dma_start3A_230, %dma_start3A_231] : memref<4000x48xf32, #tpu.memory_space<hbm>> -> memref<4000x48xf32, #tpu.memory_space<hbm>>
        tpu.enqueue_indirect_dma source(%dma_start3A_232 : memref<4000x48xf32, #tpu.memory_space<hbm>>) target(%arg9 : memref<128x48xf32, #tpu.memory_space<vmem>>) offsets(%dma_start3A_229 : memref<128xi32, #tpu.memory_space<vmem>>) semaphore(%arg15 : memref<!tpu.dma_semaphore, #tpu.memory_space<semaphore_mem>>)
      } else {
      }
      %add3A_186 = arith.constant 3 : i32
      %add3A_187 = arith.addi %add3A_79, %add3A_186 : i32
      %dma_wait3A_188 = arith.constant 0 : i32
      %dma_wait3A_189 = tpu.memref_slice %arg7[%add3A_187, %dma_wait3A_188] : memref<8x128xi32, #tpu.memory_space<vmem>> -> memref<1x128xi32, #tpu.memory_space<vmem>>
      %dma_wait3A_190 = tpu.memref_squeeze %dma_wait3A_189 : memref<1x128xi32, #tpu.memory_space<vmem>> -> memref<128xi32, #tpu.memory_space<vmem>>
      %dma_wait3A_191 = arith.constant 0 : i32
      %dma_wait3A_192 = arith.constant 0 : i32
      %dma_wait3A_193 = tpu.memref_slice %arg2[%dma_wait3A_191, %dma_wait3A_192] : memref<4000x48xf32, #tpu.memory_space<hbm>> -> memref<4000x48xf32, #tpu.memory_space<hbm>>
      tpu.wait_indirect_dma semaphore(%arg18 : memref<!tpu.dma_semaphore, #tpu.memory_space<semaphore_mem>>) src(%dma_wait3A_193 : memref<4000x48xf32, #tpu.memory_space<hbm>>) dst(%arg12 : memref<128x48xf32, #tpu.memory_space<vmem>>)
      %add3A_194 = arith.constant 3 : i32
      %add3A_195 = arith.addi %add3A_79, %add3A_194 : i32
      %dma_start3A_196 = arith.constant 0 : i32
      %dma_start3A_197 = tpu.memref_slice %arg8[%add3A_195, %dma_start3A_196] : memref<8x128xi32, #tpu.memory_space<vmem>> -> memref<1x128xi32, #tpu.memory_space<vmem>>
      %dma_start3A_198 = tpu.memref_squeeze %dma_start3A_197 : memref<1x128xi32, #tpu.memory_space<vmem>> -> memref<128xi32, #tpu.memory_space<vmem>>
      %dma_start3A_199 = arith.constant 0 : i32
      %dma_start3A_200 = arith.constant 0 : i32
      %dma_start3A_201 = tpu.memref_slice %arg14[%dma_start3A_199, %dma_start3A_200] : memref<1024x48xf32, #tpu.memory_space<vmem_shared>> -> memref<1024x48xf32, #tpu.memory_space<vmem_shared>>
      tpu.enqueue_indirect_dma source(%arg12 : memref<128x48xf32, #tpu.memory_space<vmem>>) target(%dma_start3A_201 : memref<1024x48xf32, #tpu.memory_space<vmem_shared>>) offsets(%dma_start3A_198 : memref<128xi32, #tpu.memory_space<vmem>>) semaphore(%arg22 : memref<!tpu.dma_semaphore, #tpu.memory_space<semaphore_mem>>) {add = true}
      %add3A_202 = arith.constant 3 : i32
      %add3A_203 = arith.addi %add3A_79, %add3A_202 : i32
      %ge3A_204 = arith.constant 2 : i32
      %ge3A_205 = arith.cmpi sge, %add3A_203, %ge3A_204 : i32
      %convert_element_type3A_206 = arith.extui %ge3A_205 : i1 to i32
      %cond3A_207 = arith.constant 0 : i32
      %cond3A_208 = arith.cmpi ne, %convert_element_type3A_206, %cond3A_207 : i32
      scf.if %cond3A_208 {
        %add3A_223 = arith.constant 3 : i32
        %add3A_224 = arith.addi %add3A_79, %add3A_223 : i32
        %sub3A = arith.constant 2 : i32
        %sub3A_225 = arith.subi %add3A_224, %sub3A : i32
        %dma_wait3A_226 = arith.constant 0 : i32
        %dma_wait3A_227 = tpu.memref_slice %arg8[%sub3A_225, %dma_wait3A_226] : memref<8x128xi32, #tpu.memory_space<vmem>> -> memref<1x128xi32, #tpu.memory_space<vmem>>
        %dma_wait3A_228 = tpu.memref_squeeze %dma_wait3A_227 : memref<1x128xi32, #tpu.memory_space<vmem>> -> memref<128xi32, #tpu.memory_space<vmem>>
        %dma_wait3A_229 = arith.constant 0 : i32
        %dma_wait3A_230 = arith.constant 0 : i32
        %dma_wait3A_231 = tpu.memref_slice %arg14[%dma_wait3A_229, %dma_wait3A_230] : memref<1024x48xf32, #tpu.memory_space<vmem_shared>> -> memref<1024x48xf32, #tpu.memory_space<vmem_shared>>
        tpu.wait_indirect_dma semaphore(%arg20 : memref<!tpu.dma_semaphore, #tpu.memory_space<semaphore_mem>>) src(%arg10 : memref<128x48xf32, #tpu.memory_space<vmem>>) dst(%dma_wait3A_231 : memref<1024x48xf32, #tpu.memory_space<vmem_shared>>)
      } else {
      }
      %add3A_209 = arith.constant 3 : i32
      %add3A_210 = arith.addi %add3A_79, %add3A_209 : i32
      %ge3A_211 = arith.constant 2 : i32
      %ge3A_212 = arith.cmpi sge, %add3A_210, %ge3A_211 : i32
      %add3A_213 = arith.constant 3 : i32
      %add3A_214 = arith.addi %add3A_79, %add3A_213 : i32
      %add3A_215 = arith.constant 2 : i32
      %add3A_216 = arith.addi %add3A_214, %add3A_215 : i32
      %lt3A_217 = arith.constant 8 : i32
      %lt3A_218 = arith.cmpi slt, %add3A_216, %lt3A_217 : i32
      %and3A_219 = arith.andi %ge3A_212, %lt3A_218 : i1
      %convert_element_type3A_220 = arith.extui %and3A_219 : i1 to i32
      %cond3A_221 = arith.constant 0 : i32
      %cond3A_222 = arith.cmpi ne, %convert_element_type3A_220, %cond3A_221 : i32
      scf.if %cond3A_222 {
        %add3A_223 = arith.constant 3 : i32
        %add3A_224 = arith.addi %add3A_79, %add3A_223 : i32
        %add3A_225 = arith.constant 2 : i32
        %add3A_226 = arith.addi %add3A_224, %add3A_225 : i32
        %dma_start3A_227 = arith.constant 0 : i32
        %dma_start3A_228 = tpu.memref_slice %arg7[%add3A_226, %dma_start3A_227] : memref<8x128xi32, #tpu.memory_space<vmem>> -> memref<1x128xi32, #tpu.memory_space<vmem>>
        %dma_start3A_229 = tpu.memref_squeeze %dma_start3A_228 : memref<1x128xi32, #tpu.memory_space<vmem>> -> memref<128xi32, #tpu.memory_space<vmem>>
        %dma_start3A_230 = arith.constant 0 : i32
        %dma_start3A_231 = arith.constant 0 : i32
        %dma_start3A_232 = tpu.memref_slice %arg2[%dma_start3A_230, %dma_start3A_231] : memref<4000x48xf32, #tpu.memory_space<hbm>> -> memref<4000x48xf32, #tpu.memory_space<hbm>>
        tpu.enqueue_indirect_dma source(%dma_start3A_232 : memref<4000x48xf32, #tpu.memory_space<hbm>>) target(%arg10 : memref<128x48xf32, #tpu.memory_space<vmem>>) offsets(%dma_start3A_229 : memref<128xi32, #tpu.memory_space<vmem>>) semaphore(%arg16 : memref<!tpu.dma_semaphore, #tpu.memory_space<semaphore_mem>>)
      } else {
      }
    }
    %scan3A_55 = arith.constant 2 : i32
    %dma_wait3A_56 = arith.constant 6 : i32
    %dma_wait3A_57 = arith.constant 0 : i32
    %dma_wait3A_58 = tpu.memref_slice %arg8[%dma_wait3A_56, %dma_wait3A_57] : memref<8x128xi32, #tpu.memory_space<vmem>> -> memref<1x128xi32, #tpu.memory_space<vmem>>
    %dma_wait3A_59 = tpu.memref_squeeze %dma_wait3A_58 : memref<1x128xi32, #tpu.memory_space<vmem>> -> memref<128xi32, #tpu.memory_space<vmem>>
    %dma_wait3A_60 = arith.constant 0 : i32
    %dma_wait3A_61 = arith.constant 0 : i32
    %dma_wait3A_62 = tpu.memref_slice %arg14[%dma_wait3A_60, %dma_wait3A_61] : memref<1024x48xf32, #tpu.memory_space<vmem_shared>> -> memref<1024x48xf32, #tpu.memory_space<vmem_shared>>
    tpu.wait_indirect_dma semaphore(%arg21 : memref<!tpu.dma_semaphore, #tpu.memory_space<semaphore_mem>>) src(%arg11 : memref<128x48xf32, #tpu.memory_space<vmem>>) dst(%dma_wait3A_62 : memref<1024x48xf32, #tpu.memory_space<vmem_shared>>)
    %dma_wait3A_63 = arith.constant 7 : i32
    %dma_wait3A_64 = arith.constant 0 : i32
    %dma_wait3A_65 = tpu.memref_slice %arg8[%dma_wait3A_63, %dma_wait3A_64] : memref<8x128xi32, #tpu.memory_space<vmem>> -> memref<1x128xi32, #tpu.memory_space<vmem>>
    %dma_wait3A_66 = tpu.memref_squeeze %dma_wait3A_65 : memref<1x128xi32, #tpu.memory_space<vmem>> -> memref<128xi32, #tpu.memory_space<vmem>>
    %dma_wait3A_67 = arith.constant 0 : i32
    %dma_wait3A_68 = arith.constant 0 : i32
    %dma_wait3A_69 = tpu.memref_slice %arg14[%dma_wait3A_67, %dma_wait3A_68] : memref<1024x48xf32, #tpu.memory_space<vmem_shared>> -> memref<1024x48xf32, #tpu.memory_space<vmem_shared>>
    tpu.wait_indirect_dma semaphore(%arg22 : memref<!tpu.dma_semaphore, #tpu.memory_space<semaphore_mem>>) src(%arg12 : memref<128x48xf32, #tpu.memory_space<vmem>>) dst(%dma_wait3A_69 : memref<1024x48xf32, #tpu.memory_space<vmem_shared>>)
    %barrier3A_70 = arith.constant 0 : index
    tpu.barrier barrier_id(%barrier3A_70)
    %mul3A_71 = arith.constant 64 : i32
    %mul3A_72 = arith.muli %arg1, %mul3A_71 : i32
    %mul3A_73 = arith.constant 64 : i32
    %mul3A_74 = arith.muli %arg1, %mul3A_73 : i32
    "tpu.region"() ({
      %run_scoped3A = tpu.sem_alloc : memref<!tpu.dma_semaphore, #tpu.memory_space<semaphore_mem>>
      %dma_start3A_75 = arith.constant 0 : i32
      %dma_start3A_76 = tpu.memref_slice %arg6[%arg0, %mul3A_74, %dma_start3A_75] : memref<2x1024x48xf32, #tpu.memory_space<hbm>> -> memref<1x64x48xf32, #tpu.memory_space<hbm>>
      %dma_start3A_77 = tpu.memref_squeeze %dma_start3A_76 : memref<1x64x48xf32, #tpu.memory_space<hbm>> -> memref<64x48xf32, #tpu.memory_space<hbm>>
      %dma_start3A_78 = arith.constant 0 : i32
      %dma_start3A_79 = tpu.memref_slice %arg14[%mul3A_72, %dma_start3A_78] : memref<1024x48xf32, #tpu.memory_space<vmem_shared>> -> memref<64x48xf32, #tpu.memory_space<vmem_shared>>
      tpu.enqueue_dma source(%dma_start3A_79 : memref<64x48xf32, #tpu.memory_space<vmem_shared>>) target(%dma_start3A_77 : memref<64x48xf32, #tpu.memory_space<hbm>>) target_semaphore(%run_scoped3A : memref<!tpu.dma_semaphore, #tpu.memory_space<semaphore_mem>>)
      %dma_wait3A_80 = arith.constant 0 : i32
      %dma_wait3A_81 = tpu.memref_slice %arg6[%arg0, %mul3A_74, %dma_wait3A_80] : memref<2x1024x48xf32, #tpu.memory_space<hbm>> -> memref<1x64x48xf32, #tpu.memory_space<hbm>>
      %dma_wait3A_82 = tpu.memref_squeeze %dma_wait3A_81 : memref<1x64x48xf32, #tpu.memory_space<hbm>> -> memref<64x48xf32, #tpu.memory_space<hbm>>
      %dma_wait3A_83 = arith.constant 0 : i32
      %dma_wait3A_84 = tpu.memref_slice %arg14[%mul3A_72, %dma_wait3A_83] : memref<1024x48xf32, #tpu.memory_space<vmem_shared>> -> memref<64x48xf32, #tpu.memory_space<vmem_shared>>
      tpu.wait_dma2 semaphore(%run_scoped3A : memref<!tpu.dma_semaphore, #tpu.memory_space<semaphore_mem>>) src(%dma_wait3A_84 : memref<64x48xf32, #tpu.memory_space<vmem_shared>>) dst(%dma_wait3A_82 : memref<64x48xf32, #tpu.memory_space<hbm>>)
      tpu.yield
    }) : () -> ()
    return
  }
}

module attributes {stable_mosaic.version = 14 : i64} {
  func.func @body(%arg0: i32, %arg1: memref<2000x256xf32, #tpu.memory_space<vmem>>, %arg2: memref<256x128xf32, #tpu.memory_space<vmem>>, %arg3: memref<2000x128xf32, #tpu.memory_space<vmem>>) attributes {dimension_semantics = [#tpu.dimension_semantics<arbitrary>], iteration_bounds = array<i64: 5>, scalar_prefetch = 0 : i64, scratch_operands = 0 : i64, tpu.core_type = #tpu.core_type<tc>, window_params = [{transform_indices = @transform_0, window_bounds = array<i64: 2000, 256>}, {pipeline_mode = #tpu.pipeline_mode<synchronous>, transform_indices = @transform_1, window_bounds = array<i64: 256, 128>}, {transform_indices = @transform_2, window_bounds = array<i64: 2000, 128>}]} {
    %get3A = arith.constant 0 : index
    %get3A_0 = arith.constant 0 : index
    %get3A_1 = vector.load %arg1[%get3A, %get3A_0] : memref<2000x256xf32, #tpu.memory_space<vmem>>, vector<2000x256xf32>
    %get3A_2 = arith.constant 0 : index
    %get3A_3 = arith.constant 0 : index
    %get3A_4 = vector.load %arg2[%get3A_2, %get3A_3] : memref<256x128xf32, #tpu.memory_space<vmem>>, vector<256x128xf32>
    %dot_general3A = arith.constant dense<0.000000e+00> : vector<2000x128xf32>
    %dot_general3A_5 = tpu.matmul %get3A_1, %get3A_4, %dot_general3A {dimension_numbers = #tpu.dot_dimension_numbers<[1], [0], [0], [1], [0, 0, 1, 1], [], []>, transpose_lhs_hint = false} : vector<2000x256xf32>, vector<256x128xf32>, vector<2000x128xf32> -> vector<2000x128xf32>
    %swap3A = arith.constant 0 : index
    %swap3A_6 = arith.constant 0 : index
    %swap3A_7 = vector.load %arg3[%swap3A, %swap3A_6] : memref<2000x128xf32, #tpu.memory_space<vmem>>, vector<2000x128xf32>
    tpu.vector_store %arg3[%swap3A, %swap3A_6], %dot_general3A_5 {strides = array<i32>} : memref<2000x128xf32, #tpu.memory_space<vmem>>, vector<2000x128xf32>,
    return
  }
  func.func @transform_0(%arg0: i32) -> (i32, i32) {
    %c0_i32 = arith.constant 0 : i32
    %c0_i32_0 = arith.constant 0 : i32
    return %arg0, %c0_i32 : i32, i32
  }
  func.func @transform_1(%arg0: i32) -> (i32, i32) {
    %c0_i32 = arith.constant 0 : i32
    %c0_i32_0 = arith.constant 0 : i32
    %c0_i32_1 = arith.constant 0 : i32
    return %c0_i32, %c0_i32_0 : i32, i32
  }
  func.func @transform_2(%arg0: i32) -> (i32, i32) {
    %c0_i32 = arith.constant 0 : i32
    %c0_i32_0 = arith.constant 0 : i32
    return %arg0, %c0_i32 : i32, i32
  }
}

module attributes {stable_mosaic.version = 14 : i64} {
  func.func @body(%arg0: memref<2x4096x128xf32, #tpu.memory_space<vmem>>, %arg1: memref<2x4096x16xf32, #tpu.memory_space<vmem>>, %arg2: memref<128x40xf32, #tpu.memory_space<vmem>>, %arg3: memref<1x128xf32, #tpu.memory_space<vmem>>, %arg4: memref<4000x48xf32, #tpu.memory_space<vmem>>) attributes {dimension_semantics = [], scalar_prefetch = 0 : i64, scratch_operands = 0 : i64, tpu.core_type = #tpu.core_type<tc>} {
    %get3A = arith.constant 0 : index
    %get3A_0 = arith.constant 0 : index
    %get3A_1 = arith.constant 0 : index
    %get3A_2 = vector.load %arg0[%get3A, %get3A_0, %get3A_1] : memref<2x4096x128xf32, #tpu.memory_space<vmem>>, vector<1x4000x128xf32>
    %get3A_3 = vector.shape_cast %get3A_2 : vector<1x4000x128xf32> to vector<4000x128xf32>
    %get3A_4 = arith.constant 1 : index
    %get3A_5 = arith.constant 0 : index
    %get3A_6 = arith.constant 0 : index
    %get3A_7 = vector.load %arg0[%get3A_4, %get3A_5, %get3A_6] : memref<2x4096x128xf32, #tpu.memory_space<vmem>>, vector<1x4000x128xf32>
    %get3A_8 = vector.shape_cast %get3A_7 : vector<1x4000x128xf32> to vector<4000x128xf32>
    %add3A = arith.addf %get3A_3, %get3A_8 : vector<4000x128xf32>
    %get3A_9 = arith.constant 0 : index
    %get3A_10 = arith.constant 0 : index
    %get3A_11 = arith.constant 0 : index
    %get3A_12 = vector.load %arg1[%get3A_9, %get3A_10, %get3A_11] : memref<2x4096x16xf32, #tpu.memory_space<vmem>>, vector<1x4000x1xf32>
    %get3A_13 = vector.shape_cast %get3A_12 : vector<1x4000x1xf32> to vector<4000x1xf32>
    %get3A_14 = arith.constant 1 : index
    %get3A_15 = arith.constant 0 : index
    %get3A_16 = arith.constant 0 : index
    %get3A_17 = vector.load %arg1[%get3A_14, %get3A_15, %get3A_16] : memref<2x4096x16xf32, #tpu.memory_space<vmem>>, vector<1x4000x1xf32>
    %get3A_18 = vector.shape_cast %get3A_17 : vector<1x4000x1xf32> to vector<4000x1xf32>
    %add3A_19 = arith.addf %get3A_13, %get3A_18 : vector<4000x1xf32>
    %max3A = arith.constant 1.000000e+00 : f32
    %max3A_20 = vector.broadcast %max3A : f32 to vector<4000x1xf32>
    %max3A_21 = arith.maximumf %add3A_19, %max3A_20 : vector<4000x1xf32>
    %div3A = vector.broadcast %max3A_21 : vector<4000x1xf32> to vector<4000x128xf32>
    %div3A_22 = arith.divf %add3A, %div3A : vector<4000x128xf32>
    %get3A_23 = arith.constant 0 : index
    %get3A_24 = arith.constant 0 : index
    %get3A_25 = vector.load %arg3[%get3A_23, %get3A_24] : memref<1x128xf32, #tpu.memory_space<vmem>>, vector<1x128xf32>
    %add3A_26 = vector.broadcast %get3A_25 : vector<1x128xf32> to vector<4000x128xf32>
    %add3A_27 = arith.addf %div3A_22, %add3A_26 : vector<4000x128xf32>
    %max3A_28 = arith.constant 0.000000e+00 : f32
    %max3A_29 = vector.broadcast %max3A_28 : f32 to vector<4000x128xf32>
    %max3A_30 = arith.maximumf %add3A_27, %max3A_29 : vector<4000x128xf32>
    %get3A_31 = arith.constant 0 : index
    %get3A_32 = arith.constant 0 : index
    %get3A_33 = vector.load %arg2[%get3A_31, %get3A_32] : memref<128x40xf32, #tpu.memory_space<vmem>>, vector<128x40xf32>
    %dot_general3A = arith.constant dense<0.000000e+00> : vector<4000x40xf32>
    %dot_general3A_34 = tpu.matmul %max3A_30, %get3A_33, %dot_general3A {dimension_numbers = #tpu.dot_dimension_numbers<[1], [0], [0], [1], [0, 0, 1, 1], [], []>, transpose_lhs_hint = false} : vector<4000x128xf32>, vector<128x40xf32>, vector<4000x40xf32> -> vector<4000x40xf32>
    %swap3A = arith.constant 0 : index
    %swap3A_35 = arith.constant 0 : index
    %swap3A_36 = vector.load %arg4[%swap3A, %swap3A_35] : memref<4000x48xf32, #tpu.memory_space<vmem>>, vector<4000x40xf32>
    tpu.vector_store %arg4[%swap3A, %swap3A_35], %dot_general3A_34 {strides = array<i32>} : memref<4000x48xf32, #tpu.memory_space<vmem>>, vector<4000x40xf32>,
    %broadcast_in_dim3A = arith.constant 0.000000e+00 : f32
    %broadcast_in_dim3A_37 = vector.broadcast %broadcast_in_dim3A : f32 to vector<4000x8xf32>
    %swap3A_38 = arith.constant 0 : index
    %swap3A_39 = arith.constant 40 : index
    %swap3A_40 = vector.load %arg4[%swap3A_38, %swap3A_39] : memref<4000x48xf32, #tpu.memory_space<vmem>>, vector<4000x8xf32>
    tpu.vector_store %arg4[%swap3A_38, %swap3A_39], %broadcast_in_dim3A_37 {strides = array<i32>} : memref<4000x48xf32, #tpu.memory_space<vmem>>, vector<4000x8xf32>,
    return
  }
}

module attributes {stable_mosaic.version = 14 : i64} {
  func.func @body(%arg0: memref<2x1024x48xf32, #tpu.memory_space<vmem>>, %arg1: memref<2x1024x16xf32, #tpu.memory_space<vmem>>, %arg2: memref<1x40xf32, #tpu.memory_space<vmem>>, %arg3: memref<1000x40xf32, #tpu.memory_space<vmem>>) attributes {dimension_semantics = [], scalar_prefetch = 0 : i64, scratch_operands = 0 : i64, tpu.core_type = #tpu.core_type<tc>} {
    %get3A = arith.constant 0 : index
    %get3A_0 = arith.constant 0 : index
    %get3A_1 = arith.constant 0 : index
    %get3A_2 = vector.load %arg0[%get3A, %get3A_0, %get3A_1] : memref<2x1024x48xf32, #tpu.memory_space<vmem>>, vector<1x1000x40xf32>
    %get3A_3 = vector.shape_cast %get3A_2 : vector<1x1000x40xf32> to vector<1000x40xf32>
    %get3A_4 = arith.constant 1 : index
    %get3A_5 = arith.constant 0 : index
    %get3A_6 = arith.constant 0 : index
    %get3A_7 = vector.load %arg0[%get3A_4, %get3A_5, %get3A_6] : memref<2x1024x48xf32, #tpu.memory_space<vmem>>, vector<1x1000x40xf32>
    %get3A_8 = vector.shape_cast %get3A_7 : vector<1x1000x40xf32> to vector<1000x40xf32>
    %add3A = arith.addf %get3A_3, %get3A_8 : vector<1000x40xf32>
    %get3A_9 = arith.constant 0 : index
    %get3A_10 = arith.constant 0 : index
    %get3A_11 = arith.constant 0 : index
    %get3A_12 = vector.load %arg1[%get3A_9, %get3A_10, %get3A_11] : memref<2x1024x16xf32, #tpu.memory_space<vmem>>, vector<1x1000x1xf32>
    %get3A_13 = vector.shape_cast %get3A_12 : vector<1x1000x1xf32> to vector<1000x1xf32>
    %get3A_14 = arith.constant 1 : index
    %get3A_15 = arith.constant 0 : index
    %get3A_16 = arith.constant 0 : index
    %get3A_17 = vector.load %arg1[%get3A_14, %get3A_15, %get3A_16] : memref<2x1024x16xf32, #tpu.memory_space<vmem>>, vector<1x1000x1xf32>
    %get3A_18 = vector.shape_cast %get3A_17 : vector<1x1000x1xf32> to vector<1000x1xf32>
    %add3A_19 = arith.addf %get3A_13, %get3A_18 : vector<1000x1xf32>
    %max3A = arith.constant 1.000000e+00 : f32
    %max3A_20 = vector.broadcast %max3A : f32 to vector<1000x1xf32>
    %max3A_21 = arith.maximumf %add3A_19, %max3A_20 : vector<1000x1xf32>
    %div3A = vector.broadcast %max3A_21 : vector<1000x1xf32> to vector<1000x40xf32>
    %div3A_22 = arith.divf %add3A, %div3A : vector<1000x40xf32>
    %get3A_23 = arith.constant 0 : index
    %get3A_24 = arith.constant 0 : index
    %get3A_25 = vector.load %arg2[%get3A_23, %get3A_24] : memref<1x40xf32, #tpu.memory_space<vmem>>, vector<1x40xf32>
    %add3A_26 = vector.broadcast %get3A_25 : vector<1x40xf32> to vector<1000x40xf32>
    %add3A_27 = arith.addf %div3A_22, %add3A_26 : vector<1000x40xf32>
    %reduce_max3A = arith.constant dense<0xFF800000> : vector<1000xf32>
    %reduce_max3A_28 = vector.multi_reduction <maximumf>, %add3A_27, %reduce_max3A [1] : vector<1000x40xf32> to vector<1000xf32>
    %broadcast_in_dim3A = vector.shape_cast %reduce_max3A_28 : vector<1000xf32> to vector<1000x1xf32>
    %sub3A = vector.broadcast %broadcast_in_dim3A : vector<1000x1xf32> to vector<1000x40xf32>
    %sub3A_29 = arith.subf %add3A_27, %sub3A : vector<1000x40xf32>
    %exp3A = math.exp %sub3A_29 : vector<1000x40xf32>
    %reduce_sum3A = arith.constant dense<0.000000e+00> : vector<1000xf32>
    %reduce_sum3A_30 = vector.multi_reduction <add>, %exp3A, %reduce_sum3A [1] : vector<1000x40xf32> to vector<1000xf32>
    %broadcast_in_dim3A_31 = vector.shape_cast %reduce_sum3A_30 : vector<1000xf32> to vector<1000x1xf32>
    %log3A = math.log %broadcast_in_dim3A_31 : vector<1000x1xf32>
    %sub3A_32 = vector.broadcast %log3A : vector<1000x1xf32> to vector<1000x40xf32>
    %sub3A_33 = arith.subf %sub3A_29, %sub3A_32 : vector<1000x40xf32>
    %swap3A = arith.constant 0 : index
    %swap3A_34 = arith.constant 0 : index
    %swap3A_35 = vector.load %arg3[%swap3A, %swap3A_34] : memref<1000x40xf32, #tpu.memory_space<vmem>>, vector<1000x40xf32>
    tpu.vector_store %arg3[%swap3A, %swap3A_34], %sub3A_33 {strides = array<i32>} : memref<1000x40xf32, #tpu.memory_space<vmem>>, vector<1000x40xf32>,
    return
  }
}

</mosaic_0001>

<sc_bundles>
// kernel: kernel.11.cloned.1.call-start
scs
__scs_entry_jumppad:
0x0: {  	(pc) =	sbr.rel $0x88, $3  }
0x1: {  	(tag) =	ssettag $0x0;
	lr =	simm.s32 $0x1  }
0x2: {  	[smem:$0x3F9A] =	sst lr;
	_ =	strace $0xD0000000  }
0x3: {  	_ = 	snop  }
0x4: {  	_ = 	snop  }
0x5: {  	_ = 	snop  }
0x6: {  	_ = 	snop  }
0x7: {  	_ = 	snop  }
__scs_overlays_trampoline_lowered:
0x8: {  	[smem:$0x3FA9] =	sst s0  }
0x9: {  	[smem:$0x3FAA] =	sst s1  }
0xa: {  	[smem:$0x3FAB] =	sst s2  }
0xb: {  	[smem:$0x3FAC] =	sst s3  }
0xc: {  	[smem:$0x3FAD] =	sst s4  }
0xd: {  	[smem:$0x3FAE] =	sst s5  }
0xe: {  	[smem:$0x3FAF] =	sst s6  }
0xf: {  	[smem:$0x3FB0] =	sst s7  }
0x10: {  	[smem:$0x3FB1] =	sst s8  }
0x11: {  	[smem:$0x3FB2] =	sst s9;
	s0 =	simm.s32 @!p0 $0x0  }
0x12: {  	s1 =	sld [smem:$0x3F98];
	s0 =	simm.s32 @p0 $0x1  }
0x13: {  	[smem:$0x3FB3] =	sst s0;
	s0 =	simm.s32 @!p1 $0x0  }
0x14: {  	s2 =	sld [smem:$0x3F97];
	s0 =	simm.s32 @p1 $0x1  }
0x15: {  	[smem:$0x3FB4] =	sst s0;
	s0 =	simm.s32 @!p2 $0x0  }
0x16: {  	s3 =	sld [smem:$0x3FDB];
	s0 =	simm.s32 @p2 $0x1  }
0x17: {  	s4 =	simm.s32 $0x1BF5;
	[smem:$0x3FB6] =	sst s0  }
0x18: {  	s0 =	sld [smem:$0x3F99];
	_ =	swait.ge [sflag:s4], $0x0  }
0x19: {  	s7 =	sld [smem:$0x3F9A]  }
0x1a: {  	s8 =	sadd.s32 $0xFFFFE003, lr  }
0x1b: {  	s9 =	sadd.s32 $0xFFFFFEF7, lr;
	s5 =	simm.s32 $0xFFFFFFFF;
	p2 =	slt.u32 s8, $0xFFFFF086  }
0x1c: {  	p1 =	slt.u32 s9, $0xF7A;
	s5 =	simm.s32 @!p2 $0x0  }
0x1d: {  	s5 =	simm.s32 @p1 $0x1;
	p0 =	seq.s32 s7, s2  }
0x1e: {  	s7 =	smul.u32 @!p0 $0xF7A, s2;
	p2 =	seq.s32 @!p0 s5, $0x0  }
0x1f: {  	s9 =	smul.u32 $0xF7A, s1;
	s8 =	simm.s32 @!p0 $0x1BF5;
	p2 =	por !p2, p0  }
0x20: {  	[sflag:s8] =	ssyncset.s32 @!p0 $0xFFFFF086;
	s6 =	sadd.s32 @!p0 s3, s7;
	s7 =	simm.s32 @!p0 $0x108  }
0x21: {  	s3 =	sadd.s32 s3, s9;
	s6 =	sadd.s32 @!p0 $0x88, s6;
	s7 =	simm.s32 @p2 $0x1082  }
0x22: {  	[simem:s7], [sflag:s8] =	dma.local @!p0 [hbm:s6], $0xF7A  }
0x23: {  	s9 =	sor.u32 $0xD0000000, s2;
	s6 =	simm.s32 $0x108;
	_ =	swait.ge @!p0 [sflag:s8], $0x0  }
0x24: {  	s3 =	sadd.s32 $0x88, s3;
	s6 =	simm.s32 @!p1 $0x1082;
	[sflag:s4] =	ssyncset.s32 $0xFFFFF086  }
0x25: {  	[simem:s6], [sflag:s4] =	dma.local [hbm:s3], $0xF7A  }
0x26: {  	[smem:$0x3F9A] =	sst s1;
	(tag) =	ssettag s2;
	_ =	strace s9  }
0x27: {  	s1 =	sld [smem:$0x3FAA]  }
0x28: {  	s2 =	sld [smem:$0x3FAB]  }
0x29: {  	s4 =	sld [smem:$0x3FAD]  }
0x2a: {  	p0 =	seq.s32 s5, $0x0;
	s5 =	sld [smem:$0x3FAE]  }
0x2b: {  	s6 =	sld [smem:$0x3FAF]  }
0x2c: {  	s7 =	sld [smem:$0x3FB0]  }
0x2d: {  	s3 =	simm.s32 $0x108;
	s8 =	sld [smem:$0x3FB1]  }
0x2e: {  	s3 =	simm.s32 @!p0 $0x1082;
	s9 =	sld [smem:$0x3FB2]  }
0x2f: {  	lr =	sadd.s32 s0, s3;
	s0 =	sld [smem:$0x3FA9]  }
0x30: {  	s3 =	sld [smem:$0x3FAC]  }
0x31: {  	[smem:$0x3FB5] =	sst s10  }
0x32: {  	s10 =	sld [smem:$0x3FB3];
	_ =	sdelay $0x3  }
0x33: {  	p0 =	seq.s32 s10, $0x1;
	s10 =	sld [smem:$0x3FB5];
	_ =	sdelay $0x3  }
0x34: {  	[smem:$0x3FB5] =	sst s10  }
0x35: {  	s10 =	sld [smem:$0x3FB4];
	_ =	sdelay $0x3  }
0x36: {  	p1 =	seq.s32 s10, $0x1;
	s10 =	sld [smem:$0x3FB5];
	_ =	sdelay $0x3  }
0x37: {  	[smem:$0x3FB5] =	sst s10  }
0x38: {  	s10 =	sld [smem:$0x3FB6]  }
0x39: {  	_ = 	snop;
	(pc) =	sbr.ind lr, $3  }
0x3a: {  	_ = 	snop  }
0x3b: {  	_ = 	snop  }
0x3c: {  	p2 =	seq.s32 s10, $0x1;
	s10 =	sld [smem:$0x3FB5]  }
0x3d: {  	_ =	shalt  }
0x3e: {  	_ =	shalt  }
0x3f: {  	_ =	shalt  }
0x40: {  	_ =	shalt  }
0x41: {  	_ =	shalt  }
0x42: {  	_ =	shalt  }
0x43: {  	_ =	shalt  }
0x44: {  	_ =	shalt  }
0x45: {  	_ =	shalt  }
0x46: {  	_ =	shalt  }
0x47: {  	_ =	shalt  }
0x48: {  	_ =	shalt  }
0x49: {  	_ =	shalt  }
0x4a: {  	_ =	shalt  }
0x4b: {  	_ =	shalt  }
0x4c: {  	_ =	shalt  }
0x4d: {  	_ =	shalt  }
0x4e: {  	_ =	shalt  }
0x4f: {  	_ =	shalt  }
0x50: {  	_ =	shalt  }
0x51: {  	_ =	shalt  }
0x52: {  	_ =	shalt  }
0x53: {  	_ =	shalt  }
0x54: {  	_ =	shalt  }
0x55: {  	_ =	shalt  }
0x56: {  	_ =	shalt  }
0x57: {  	_ =	shalt  }
0x58: {  	_ =	shalt  }
0x59: {  	_ =	shalt  }
0x5a: {  	_ =	shalt  }
0x5b: {  	_ =	shalt  }
0x5c: {  	_ =	shalt  }
0x5d: {  	_ =	shalt  }
0x5e: {  	_ =	shalt  }
0x5f: {  	_ =	shalt  }
0x60: {  	_ =	shalt  }
0x61: {  	_ =	shalt  }
0x62: {  	_ =	shalt  }
0x63: {  	_ =	shalt  }
0x64: {  	_ =	shalt  }
0x65: {  	_ =	shalt  }
0x66: {  	_ =	shalt  }
0x67: {  	_ =	shalt  }
0x68: {  	_ =	shalt  }
0x69: {  	_ =	shalt  }
0x6a: {  	_ =	shalt  }
0x6b: {  	_ =	shalt  }
0x6c: {  	_ =	shalt  }
0x6d: {  	_ =	shalt  }
0x6e: {  	_ =	shalt  }
0x6f: {  	_ =	shalt  }
0x70: {  	_ =	shalt  }
0x71: {  	_ =	shalt  }
0x72: {  	_ =	shalt  }
0x73: {  	_ =	shalt  }
0x74: {  	_ =	shalt  }
0x75: {  	_ =	shalt  }
0x76: {  	_ =	shalt  }
0x77: {  	_ =	shalt  }
0x78: {  	_ =	shalt  }
0x79: {  	_ =	shalt  }
0x7a: {  	_ =	shalt  }
0x7b: {  	_ =	shalt  }
0x7c: {  	_ =	shalt  }
0x7d: {  	_ =	shalt  }
0x7e: {  	_ =	shalt  }
0x7f: {  	_ =	shalt  }
0x80: {  	_ =	shalt  }
0x81: {  	_ =	shalt  }
0x82: {  	_ =	shalt  }
0x83: {  	_ =	shalt  }
0x84: {  	_ =	shalt  }
0x85: {  	_ =	shalt  }
0x86: {  	_ =	shalt  }
0x87: {  	_ =	shalt  }
.Lfunc_end0:
.L_simem_size_0:
called_computation.1_lowered:
.L_overlay_start_0:
0x88: {  	s2 =	sld [smem:$0x3FD9]  }
0x89: {  	s3 =	sld [smem:$0x3FFE];
	_ =	sdelay $0x1  }
0x8a: {  	s1 =	srdreg.scid  }
0x8b: {  	s0 =	sand.u32 $0x1, s1  }
0x8c: {  	s17 =	sshll.u32 s0, $0xA;
	s2 =	sadd.s32 s3, s2  }
0x8d: {  	s2 =	sadd.s32 s2, s17  }
0x8e: {  	[smem:$0x3FC1] =	sst s2  }
0x8f: {  	_ = 	snop  }
0x90: {  	(tm) =	ssettm $0x1  }
0x91: {  	s18 =	sld [smem:$0x3FFB];
	_ =	sdelay $0x3  }
0x92: {  	_ =	strace s18  }
0x93: {  	s2 =	sld [smem:$0x3FFC];
	_ =	sdelay $0x3  }
0x94: {  	_ =	strace s2  }
0x95: {  	s2 =	sld [smem:$0x3FFD];
	_ =	sdelay $0x3  }
0x96: {  	_ =	strace s2  }
0x97: {  	_ =	strace $0x8FFFFFFF  }
0x98: {  	s19 =	sld [smem:$0x3FDB];
	_ =	sdelay $0x1  }
0x99: {  	s20 =	simm.s32 $_scs_section_size  }
0x9a: {  	s4 =	simm.s32 $_size__tile_overlayer_lowered;
	s5 =	simm.s32 $_tile_overlayer_lowered  }
0x9b: {  	s6 =	simm.s32 $0x1BFF;
	s21 =	sshll.u32 s5, $0x1;
	s3 =	sadd.s32 s20, s19  }
0x9c: {  	s22 =	simm.s32 $0x0;
	s4 =	sshll.u32 s4, $0x1;
	s5 =	sadd.s32 s21, s3  }
0x9d: {  	[timem:s22], [sflag:s6] =	dma.local [hbm:s5], s4  }
0x9e: {  	_ =	swait.ge [sflag:s6], s4  }
0x9f: {  	s4 =	ssub.s32 $0x0, s4;
	[sflag:s6] =	ssyncset.done $0x0  }
0xa0: {  	[sflag:s6] =	ssyncadd.s32 s4;
	_ =	sdelay $0x1  }
0xa1: {  	s23 =	simm.s32 $0x1B8B  }
0xa2: {  	_ =	swait.ge [sflag:s23], $0x1  }
0xa3: {  	[sflag:s23] =	ssyncset.done $0x0  }
0xa4: {  	[sflag:s23] =	ssyncadd.s32 $0xFFFFFFFF  }
0xa5: {  	s4 =	sld [smem:$0x0]  }
0xa6: {  	s5 =	sand.u32 $0xFFFFFFFE, s1  }
0xa7: {  	p0 =	sne.s32 s1, s5  }
0xa8: {  	s5 =	sshll.u32 @p0 s5, $0xE  }
0xa9: {  	s5 =	sadd.s32 @p0 $0x11B8D, s5;
	s6 =	sshll.u32 @p0 s4, $0x11  }
0xaa: {  	s5 =	sor.u32 @p0 s6, s5  }
0xab: {  	[sflag:s5] =	ssyncadd.remote.s32 @p0 $0x1;
	_ =	sdelay $0x1  }
0xac: {  	s5 =	simm.s32 @p0 $0x1B8D  }
0xad: {  	_ =	swait.eq @p0 [sflag:s5], $0x1  }
0xae: {  	[sflag:s5] =	ssyncadd.s32 @p0 $0xFFFFFFFF  }
0xaf: {  	s6 =	sshll.u32 @!p0 s1, $0xE  }
0xb0: {  	s6 =	sor.u32 @!p0 $0x4000, s6;
	s5 =	simm.s32 @!p0 $0x1B8D  }
0xb1: {  	s4 =	sshll.u32 @!p0 s4, $0x11;
	s6 =	sadd.s32 @!p0 $0x11B8D, s6;
	_ =	swait.eq @!p0 [sflag:s5], $0x1  }
0xb2: {  	s4 =	sor.u32 @!p0 s4, s6;
	[sflag:s5] =	ssyncadd.s32 @!p0 $0xFFFFFFFF  }
0xb3: {  	s25 =	simm.s32 $0x1B8E;
	s24 =	sld [smem:$0x3FFE];
	[sflag:s4] =	ssyncadd.remote.s32 @!p0 $0x1  }
0xb4: {  	s26 =	simm.s32 $execute0_lowered;
	[smem:$0x3FD2] =	sst s25  }
0xb5: {  	s5 =	sshll.u32 s26, $0x1;
	_ =	strace $0x80000049;
	[dreg:$0x1] =	wrdreg $0xFFFFFFFF  }
0xb6: {  	s28 =	simm.s32 $_size_execute0_lowered;
	s3 =	sadd.s32 s3, s5;
	[dreg:$0x0] =	wrdreg $0x0  }
0xb7: {  	s5 =	sshll.u32 s28, $0x1;
	[dreg:$0x2] =	wrdreg s3  }
0xb8: {  	[dreg:$0x3] =	wrdreg s5  }
0xb9: {  	[dreg:$0x4] =	wrdreg $0xC0  }
0xba: {  	_ =	task [dreg:s22], $0x5FFFF  }
0xbb: {  	[dreg:$0x1] =	wrdreg $0xFFFFFFFF  }
0xbc: {  	[dreg:$0x0] =	wrdreg $0x60  }
0xbd: {  	[dreg:$0x2] =	wrdreg s24  }
0xbe: {  	[dreg:$0x3] =	wrdreg $0x140000  }
0xbf: {  	[dreg:$0x4] =	wrdreg $0xA  }
0xc0: {  	_ =	task.clear_ibuf [dreg:s22], $0x5FFFF;
	_ =	strace $0x90000049  }
0xc1: {  	s29 =	simm.s32 $0xA;
	_ =	strace $0x8000004B  }
0xc2: {  	_ =	swait.ge [sflag:s29], $0x1  }
0xc3: {  	[sflag:s29] =	ssyncadd.s32 $0xFFFFFFFF  }
0xc4: {  	_ =	strace $0x9000004B  }
0xc5: {  	_ =	sfence  }
0xc6: {  	s30 =	sld [smem:$0x0];
	_ =	sdelay $0x2  }
0xc7: {  	s31 =	sshll.u32 s1, $0xD;
	s1 =	sshrl.u32 s1, $0x2  }
0xc8: {  	s4 =	sand.u32 $0x4000, s31;
	s1 =	sadd.s32 s1, s30  }
0xc9: {  	s0 =	sor.u32 s4, s0;
	s1 =	sshll.u32 s1, $0x11  }
0xca: {  	s0 =	sor.u32 s1, s0  }
0xcb: {  	s0 =	sadd.s32 $0x8F2B, s0  }
0xcc: {  	[sflag:s0] =	ssyncadd.remote.s32 $0x1  }
0xcd: {  	_ =	sfence.sel $0xFFFF  }
0xce: {  	[dreg:$0x0] =	wrdreg $0xFFFFFFFF;
	(pc) =	sbr.abs _section_cstart, $3  }
0xcf: {  	[dreg:$0x1] =	wrdreg $0xFFFFFFFF  }
0xd0: {  	_ =	task.clear_ibuf [dreg:s22], $0x2FFFF;
	_ =	strace $0x9FFFFFFF  }
0xd1: {  	(tm) =	ssettm $0x7FFFFFFF  }
tec
execute0_lowered:
.L_overlay_start_1:
0x0: {  	(tag) =	ssettag $0x1  }
0x1: {  	s0 =	rddreg [dreg:$0x0]  }
0x2: {  	s2 =	rddreg [dreg:$0x1]  }
0x3: {  	s1 =	srdreg.scid;
	s3 =	simm.s32 $0x0;
	s8 =	stileid.u32  }
0x4: {  	s14 =	simm.s32 $0x9;
	s15 =	simm.s32 $0x1000;
	s16 =	simm.s32 $0x80  }
0x5: {  	s17 =	simm.s32 $0x2000;
	s18 =	simm.s32 $0x6000;
	s20 =	simm.s32 $0xA000  }
0x6: {  	s22 =	simm.s32 $0xE000;
	s29 =	simm.s32 $0x3;
	s19 =	simm.s32 $0x6  }
0x7: {  	s28 =	simm.s32 $0x7;
	s30 =	simm.s32 $0x8;
	s31 =	simm.s32 $0x0  }
0x8: {  	s1 =	sand.u32 $0x1, s1;
	[smem:$0x7FF] =	sst s3;
	s5 =	sshll.u32 s8, $0xA  }
0x9: {  	s4 =	sadd.s32 $0xBC00, s0;
	s23 =	sshll.u32 s8, $0xC;
	s9 =	sadd.s32 $0x36E00, s0  }
0xa: {  	s26 =	sshll.u32 s8, $0xF;
	s6 =	sshll.u32 s1, $0x9;
	_ =	strace $0x8000004A  }
0xb: {  	s7 =	ssub.s32 $0x2, s1;
	[dreg:$0x3] =	wrdreg s9;
	s1 =	sshll.u32 s1, $0x10  }
0xc: {  	s8 =	sadd.s32 s26, s2;
	s26 =	simm.s32 $0x2;
	s5 =	sor.u32 s6, s5  }
0xd: {  	s24 =	sshrl.u32 s7, $0x1;
	s11 =	sadd.s32 $0x2000, s8;
	s12 =	sadd.s32 $0x4000, s8  }
.Ltmp0:
0xe: {  	s13 =	sadd.s32 $0x6000, s8;
	s5 =	sadd.s32 s5, s0;
	(pc) =	sbr.rel .LBB2_1-.Ltmp0, $4  }
0xf: {  	s0 =	sadd.s32 s23, s0;
	s10 =	ssub.s32 s7, s24;
	s23 =	simm.s32 $0x12000  }
0x10: {  	s24 =	simm.s32 $0x5;
	s25 =	sadd.s32 $0x32E00, s5;
	s7 =	sadd.s32 $0x1C00, s5  }
0x11: {  	s0 =	sadd.s32 s1, s0;
	s10 =	smax.u32 s10, $0x1;
	[dreg:$0x4] =	wrdreg s25  }
0x12: {  	s9 =	sadd.s32 $0x37200, s0;
	s25 =	simm.s32 $0x1;
	s0 =	simm.s32 $0x4  }
.LBB2_4:
0x13: {  	_ =	swait.ge [sflag:s0], $0x4000  }
0x14: {  	[sflag:s0] =	ssyncset.done $0x0  }
0x15: {  	[sflag:s0] =	ssyncadd.s32 $0xFFFFC000  }
0x16: {  	[spmem:s2] =	stream.indirect.scatter.add.f32 [tilespmem:s22], [sflag:$0x8], $0x80, s5, s16, $0xb8;
	[tilespmem:$0x1C000] =	vst v63  }
0x17: {  	_ =	swait.ge [sflag:s19], $0x4000  }
0x18: {  	[sflag:s19] =	ssyncset.done $0x0  }
0x19: {  	[sflag:s19] =	ssyncadd.s32 $0xFFFFC000  }
0x1a: {  	_ =	swait.ge [sflag:s28], $0x4000  }
0x1b: {  	[sflag:s28] =	ssyncset.done $0x0  }
0x1c: {  	[sflag:s28] =	ssyncadd.s32 $0xFFFFC000  }
0x1d: {  	s1 =	stileid.u32;
	_ =	swait.ge [sflag:s30], $0x4000  }
0x1e: {  	s21 =	sshrl.u32 s8, $0x3;
	s31 =	sadd.s32 $0x1, s31;
	[sflag:s30] =	ssyncset.done $0x0  }
0x1f: {  	s1 =	sshll.u32 s1, $0x6;
	p0 =	sne.s32 s31, s10;
	[sflag:s30] =	ssyncadd.s32 $0xFFFFC000  }
.Ltmp1:
0x20: {  	s1 =	sor.u32 $0x1C09, s1;
	[bflag:$0x0] =	sbarrier.arrive $0xFFFF;
	(pc) =	sbr.rel @!p0 .LBB2_5-.Ltmp1, $4  }
0x21: {  	[hbm:s9], [sflag:s1] =	dma.local [spmem:s21], $0x1000  }
0x22: {  	_ =	swait.ge [sflag:s14], $0x1000  }
0x23: {  	[sflag:s14] =	ssyncset.done $0x0  }
0x24: {  	[sflag:s14] =	ssyncadd.s32 $0xFFFFF000  }
.LBB2_1:
0x25: {  	s1 =	rddreg [dreg:$0x4]  }
0x26: {  	[tilespmem:s3], [sflag:$0x9] =	stream.linear.gather [hbm4b:s1+s3], $0x1000, $0x38;
	[tilespmem:$0x1C000] =	vst v63  }
0x27: {  	_ =	swait.ge [sflag:s14], $0x1000  }
0x28: {  	[sflag:s14] =	ssyncset.done $0x0  }
0x29: {  	[sflag:s14] =	ssyncadd.s32 $0xFFFFF000  }
0x2a: {  	[tilespmem:s15], [sflag:$0x9] =	stream.linear.gather [hbm4b:s7+s3], $0x1000, $0x38;
	[tilespmem:$0x1C000] =	vst v63  }
0x2b: {  	_ =	swait.ge [sflag:s14], $0x1000  }
0x2c: {  	[sflag:s14] =	ssyncset.done $0x0  }
0x2d: {  	[sflag:s14] =	ssyncadd.s32 $0xFFFFF000  }
0x2e: {  	[tilespmem:s17], [sflag:$0x1] =	stream.indirect.gather [hbm4b:s4+s16], $0x80, s3, s16, $0xb8;
	[tilespmem:$0x1C000] =	vst v63  }
0x2f: {  	_ = 	snop  }
0x30: {  	[tilespmem:s18], [sflag:$0x2] =	stream.indirect.gather [hbm4b:s4+s16], $0x80, s16, s16, $0xb8;
	[tilespmem:$0x1C000] =	vst v63  }
0x31: {  	s6 =	simm.s32 $0x100  }
0x32: {  	[tilespmem:s20], [sflag:$0x3] =	stream.indirect.gather [hbm4b:s4+s16], $0x80, s6, s16, $0xb8;
	[tilespmem:$0x1C000] =	vst v63  }
0x33: {  	s21 =	simm.s32 $0x180  }
0x34: {  	[tilespmem:s22], [sflag:$0x4] =	stream.indirect.gather [hbm4b:s4+s16], $0x80, s21, s16, $0xb8;
	[tilespmem:$0x1C000] =	vst v63  }
0x35: {  	s5 =	rddreg [dreg:$0x3]  }
0x36: {  	[tilespmem:s23], [sflag:$0x9] =	stream.linear.gather [hbm4b:s5+s3], $0x2000, $0x38;
	[tilespmem:$0x1C000] =	vst v63  }
0x37: {  	_ =	swait.ge [sflag:s14], $0x2000  }
0x38: {  	[sflag:s14] =	ssyncset.done $0x0  }
0x39: {  	[sflag:s14] =	ssyncadd.s32 $0xFFFFE000  }
0x3a: {  	[spmem:s8] =	stream.linear.scatter [tilespmem:s23], [sflag:$0x5], $0x2000, $0x38;
	[tilespmem:$0x1C000] =	vst v63  }
0x3b: {  	_ = 	snop  }
0x3c: {  	[spmem:s11] =	stream.linear.scatter [tilespmem:s23], [sflag:$0x5], $0x2000, $0x38;
	[tilespmem:$0x1C000] =	vst v63  }
0x3d: {  	_ = 	snop  }
0x3e: {  	[spmem:s12] =	stream.linear.scatter [tilespmem:s23], [sflag:$0x5], $0x2000, $0x38;
	[tilespmem:$0x1C000] =	vst v63  }
0x3f: {  	_ = 	snop  }
0x40: {  	[spmem:s13] =	stream.linear.scatter [tilespmem:s23], [sflag:$0x5], $0x2000, $0x38;
	[tilespmem:$0x1C000] =	vst v63  }
0x41: {  	_ =	swait.ge [sflag:s24], $0x2000  }
0x42: {  	[sflag:s24] =	ssyncset.done $0x0  }
0x43: {  	[sflag:s24] =	ssyncadd.s32 $0xFFFFE000  }
0x44: {  	_ =	swait.ge [sflag:s24], $0x2000  }
0x45: {  	[sflag:s24] =	ssyncset.done $0x0  }
0x46: {  	[sflag:s24] =	ssyncadd.s32 $0xFFFFE000  }
0x47: {  	_ =	swait.ge [sflag:s24], $0x2000  }
0x48: {  	[sflag:s24] =	ssyncset.done $0x0  }
0x49: {  	[sflag:s24] =	ssyncadd.s32 $0xFFFFE000  }
0x4a: {  	_ =	swait.ge [sflag:s24], $0x2000  }
0x4b: {  	[sflag:s24] =	ssyncset.done $0x0  }
0x4c: {  	[sflag:s24] =	ssyncadd.s32 $0xFFFFE000  }
0x4d: {  	[bflag:$0x0] =	sbarrier.arrive $0xFFFF  }
0x4e: {  	_ =	swait.ge [sflag:s25], $0x4000  }
0x4f: {  	[sflag:s25] =	ssyncset.done $0x0  }
0x50: {  	[sflag:s25] =	ssyncadd.s32 $0xFFFFC000  }
0x51: {  	[spmem:s2] =	stream.indirect.scatter.add.f32 [tilespmem:s17], [sflag:$0x5], $0x80, s15, s16, $0xb8;
	[tilespmem:$0x1C000] =	vst v63  }
0x52: {  	_ =	swait.ge [sflag:s26], $0x4000  }
0x53: {  	[sflag:s26] =	ssyncset.done $0x0  }
0x54: {  	s6 =	simm.s32 $0x1080;
	[sflag:s26] =	ssyncadd.s32 $0xFFFFC000  }
0x55: {  	[spmem:s2] =	stream.indirect.scatter.add.f32 [tilespmem:s18], [sflag:$0x6], $0x80, s6, s16, $0xb8;
	[tilespmem:$0x1C000] =	vst v63  }
0x56: {  	_ =	swait.ge [sflag:s29], $0x4000  }
0x57: {  	[sflag:s29] =	ssyncset.done $0x0  }
0x58: {  	s21 =	simm.s32 $0x1100;
	[sflag:s29] =	ssyncadd.s32 $0xFFFFC000  }
0x59: {  	[spmem:s2] =	stream.indirect.scatter.add.f32 [tilespmem:s20], [sflag:$0x7], $0x80, s21, s16, $0xb8;
	[tilespmem:$0x1C000] =	vst v63  }
0x5a: {  	_ =	swait.ge [sflag:s24], $0x4000  }
0x5b: {  	[sflag:s24] =	ssyncset.done $0x0  }
0x5c: {  	s5 =	simm.s32 $0x200;
	[sflag:s24] =	ssyncadd.s32 $0xFFFFC000  }
0x5d: {  	[tilespmem:s17], [sflag:$0x1] =	stream.indirect.gather [hbm4b:s4+s16], $0x80, s5, s16, $0xb8;
	[tilespmem:$0x1C000] =	vst v63  }
0x5e: {  	_ =	swait.ge [sflag:s0], $0x4000  }
0x5f: {  	[sflag:s0] =	ssyncset.done $0x0  }
0x60: {  	s6 =	simm.s32 $0x1180;
	[sflag:s0] =	ssyncadd.s32 $0xFFFFC000  }
0x61: {  	[spmem:s2] =	stream.indirect.scatter.add.f32 [tilespmem:s22], [sflag:$0x8], $0x80, s6, s16, $0xb8;
	[tilespmem:$0x1C000] =	vst v63  }
0x62: {  	_ =	swait.ge [sflag:s19], $0x4000  }
0x63: {  	[sflag:s19] =	ssyncset.done $0x0  }
0x64: {  	s1 =	simm.s32 $0x0;
	s21 =	simm.s32 $0x280;
	[sflag:s19] =	ssyncadd.s32 $0xFFFFC000  }
0x65: {  	[tilespmem:s18], [sflag:$0x2] =	stream.indirect.gather [hbm4b:s4+s16], $0x80, s21, s16, $0xb8;
	[tilespmem:$0x1C000] =	vst v63  }
.LBB2_2:
0x66: {  	_ =	swait.ge [sflag:s25], $0x4000  }
0x67: {  	s21 =	sshra.s32 s1, $0x2;
	[sflag:s25] =	ssyncset.done $0x0  }
0x68: {  	s5 =	sadd.s32 $0x1200, s21;
	[sflag:s25] =	ssyncadd.s32 $0xFFFFC000  }
0x69: {  	[spmem:s2] =	stream.indirect.scatter.add.f32 [tilespmem:s17], [sflag:$0x5], $0x80, s5, s16, $0xb8;
	[tilespmem:$0x1C000] =	vst v63  }
0x6a: {  	_ =	swait.ge [sflag:s28], $0x4000  }
0x6b: {  	[sflag:s28] =	ssyncset.done $0x0  }
0x6c: {  	s6 =	sadd.s32 $0x300, s21;
	[sflag:s28] =	ssyncadd.s32 $0xFFFFC000  }
0x6d: {  	[tilespmem:s20], [sflag:$0x3] =	stream.indirect.gather [hbm4b:s4+s16], $0x80, s6, s16, $0xb8;
	[tilespmem:$0x1C000] =	vst v63  }
0x6e: {  	_ =	swait.ge [sflag:s26], $0x4000  }
0x6f: {  	[sflag:s26] =	ssyncset.done $0x0  }
0x70: {  	s6 =	sadd.s32 $0x1280, s21;
	[sflag:s26] =	ssyncadd.s32 $0xFFFFC000  }
0x71: {  	[spmem:s2] =	stream.indirect.scatter.add.f32 [tilespmem:s18], [sflag:$0x6], $0x80, s6, s16, $0xb8;
	[tilespmem:$0x1C000] =	vst v63  }
0x72: {  	_ =	swait.ge [sflag:s30], $0x4000  }
0x73: {  	[sflag:s30] =	ssyncset.done $0x0  }
0x74: {  	s6 =	sadd.s32 $0x380, s21;
	[sflag:s30] =	ssyncadd.s32 $0xFFFFC000  }
0x75: {  	[tilespmem:s22], [sflag:$0x4] =	stream.indirect.gather [hbm4b:s4+s16], $0x80, s6, s16, $0xb8;
	[tilespmem:$0x1C000] =	vst v63  }
0x76: {  	_ =	swait.ge [sflag:s29], $0x4000  }
0x77: {  	p0 =	seq.s32 s1, $0x3000;
	[sflag:s29] =	ssyncset.done $0x0  }
.Ltmp2:
0x78: {  	s6 =	sadd.s32 $0x1300, s21;
	[sflag:s29] =	ssyncadd.s32 $0xFFFFC000;
	(pc) =	sbr.rel @p0 .LBB2_4-.Ltmp2, $4  }
0x79: {  	[spmem:s2] =	stream.indirect.scatter.add.f32 [tilespmem:s20], [sflag:$0x7], $0x80, s6, s16, $0xb8;
	[tilespmem:$0x1C000] =	vst v63  }
0x7a: {  	_ =	swait.ge [sflag:s24], $0x4000  }
0x7b: {  	[sflag:s24] =	ssyncset.done $0x0  }
0x7c: {  	s5 =	sadd.s32 $0x1380, s21;
	[sflag:s24] =	ssyncadd.s32 $0xFFFFC000  }
0x7d: {  	s6 =	sadd.s32 $0x400, s21  }
0x7e: {  	[tilespmem:s17], [sflag:$0x1] =	stream.indirect.gather [hbm4b:s4+s16], $0x80, s6, s16, $0xb8;
	[tilespmem:$0x1C000] =	vst v63  }
0x7f: {  	_ =	swait.ge [sflag:s0], $0x4000  }
0x80: {  	[sflag:s0] =	ssyncset.done $0x0  }
0x81: {  	[sflag:s0] =	ssyncadd.s32 $0xFFFFC000  }
0x82: {  	[spmem:s2] =	stream.indirect.scatter.add.f32 [tilespmem:s22], [sflag:$0x8], $0x80, s5, s16, $0xb8;
	[tilespmem:$0x1C000] =	vst v63  }
.Ltmp3:
0x83: {  	_ = 	snop;
	(pc) =	sbr.rel .LBB2_2-.Ltmp3, $4  }
0x84: {  	_ =	swait.ge [sflag:s19], $0x4000  }
0x85: {  	[sflag:s19] =	ssyncset.done $0x0  }
0x86: {  	s21 =	sadd.s32 $0x480, s21;
	s1 =	sadd.s32 $0x800, s1;
	[sflag:s19] =	ssyncadd.s32 $0xFFFFC000  }
0x87: {  	[tilespmem:s18], [sflag:$0x2] =	stream.indirect.gather [hbm4b:s4+s16], $0x80, s21, s16, $0xb8;
	[tilespmem:$0x1C000] =	vst v63  }
.LBB2_5:
0x88: {  	_ =	sfence.sel $0x180000  }
0x89: {  	[bflag:$0x0] =	sbarrier.arrive $0xFFFF  }
0x8a: {  	_ =	strace $0x9000004A  }
0x8b: {  	s0 =	stileid.u32;
	[bflag:$0x2] =	sbarrier.arrive $0xFFFF  }
0x8c: {  	p0 =	sne.s32 s0, $0x0;
	s0 =	rddreg [dreg:$0x2]  }
0x8d: {  	s0 =	sadd.s32 @!p0 $0x100000, s0  }
0x8e: {  	[sflag:s0] =	ssyncadd.tile.s32 @!p0 $0x1;
	_ =	shalt  }
.Lfunc_end2:
_tile_overlayer_lowered:
.L_overlay_start_2:
0x8f: {  	(tag) =	ssettag $0x2  }
0x90: {  	s0 =	rddreg [dreg:$0x0];
	s2 =	stileid.u32  }
0x91: {  	s1 =	rddreg [dreg:$0x1];
	p0 =	sne.s32 s2, $0x0  }
0x92: {  	s3 =	rddreg [dreg:$0x2];
	[bflag:$0x3] =	sbarrier.arrive $0xFFFF;
	s2 =	simm.s32 @!p0 $0x1C09  }
0x93: {  	[timem:s3], [sflag:s2] =	dma.local @!p0 [hbm:s0], s1  }
0x94: {  	s0 =	simm.s32 @!p0 $0x9  }
0x95: {  	_ =	swait.ge @!p0 [sflag:s0], s1  }
0x96: {  	s1 =	ssub.s32 @!p0 $0x0, s1;
	[sflag:s0] =	ssyncset.done @!p0 $0x0  }
0x97: {  	[sflag:s0] =	ssyncadd.s32 @!p0 s1  }
0x98: {  	[bflag:$0x3] =	sbarrier.arrive $0xFFFF  }
0x99: {  	_ =	shalt  }

// kernel: kernel.14.cloned.1.call-start
scs
__scs_entry_jumppad:
0x0: {  	(pc) =	sbr.rel $0x88, $3  }
0x1: {  	(tag) =	ssettag $0x0;
	lr =	simm.s32 $0x1  }
0x2: {  	[smem:$0x3F9A] =	sst lr;
	_ =	strace $0xD0000000  }
0x3: {  	_ = 	snop  }
0x4: {  	_ = 	snop  }
0x5: {  	_ = 	snop  }
0x6: {  	_ = 	snop  }
0x7: {  	_ = 	snop  }
__scs_overlays_trampoline_lowered:
0x8: {  	[smem:$0x3FA9] =	sst s0  }
0x9: {  	[smem:$0x3FAA] =	sst s1  }
0xa: {  	[smem:$0x3FAB] =	sst s2  }
0xb: {  	[smem:$0x3FAC] =	sst s3  }
0xc: {  	[smem:$0x3FAD] =	sst s4  }
0xd: {  	[smem:$0x3FAE] =	sst s5  }
0xe: {  	[smem:$0x3FAF] =	sst s6  }
0xf: {  	[smem:$0x3FB0] =	sst s7  }
0x10: {  	[smem:$0x3FB1] =	sst s8  }
0x11: {  	[smem:$0x3FB2] =	sst s9;
	s0 =	simm.s32 @!p0 $0x0  }
0x12: {  	s1 =	sld [smem:$0x3F98];
	s0 =	simm.s32 @p0 $0x1  }
0x13: {  	[smem:$0x3FB3] =	sst s0;
	s0 =	simm.s32 @!p1 $0x0  }
0x14: {  	s2 =	sld [smem:$0x3F97];
	s0 =	simm.s32 @p1 $0x1  }
0x15: {  	[smem:$0x3FB4] =	sst s0;
	s0 =	simm.s32 @!p2 $0x0  }
0x16: {  	s3 =	sld [smem:$0x3FDB];
	s0 =	simm.s32 @p2 $0x1  }
0x17: {  	s4 =	simm.s32 $0x1BF5;
	[smem:$0x3FB6] =	sst s0  }
0x18: {  	s0 =	sld [smem:$0x3F99];
	_ =	swait.ge [sflag:s4], $0x0  }
0x19: {  	s7 =	sld [smem:$0x3F9A]  }
0x1a: {  	s8 =	sadd.s32 $0xFFFFE003, lr  }
0x1b: {  	s9 =	sadd.s32 $0xFFFFFEF7, lr;
	s5 =	simm.s32 $0xFFFFFFFF;
	p2 =	slt.u32 s8, $0xFFFFF086  }
0x1c: {  	p1 =	slt.u32 s9, $0xF7A;
	s5 =	simm.s32 @!p2 $0x0  }
0x1d: {  	s5 =	simm.s32 @p1 $0x1;
	p0 =	seq.s32 s7, s2  }
0x1e: {  	s7 =	smul.u32 @!p0 $0xF7A, s2;
	p2 =	seq.s32 @!p0 s5, $0x0  }
0x1f: {  	s9 =	smul.u32 $0xF7A, s1;
	s8 =	simm.s32 @!p0 $0x1BF5;
	p2 =	por !p2, p0  }
0x20: {  	[sflag:s8] =	ssyncset.s32 @!p0 $0xFFFFF086;
	s6 =	sadd.s32 @!p0 s3, s7;
	s7 =	simm.s32 @!p0 $0x108  }
0x21: {  	s3 =	sadd.s32 s3, s9;
	s6 =	sadd.s32 @!p0 $0x88, s6;
	s7 =	simm.s32 @p2 $0x1082  }
0x22: {  	[simem:s7], [sflag:s8] =	dma.local @!p0 [hbm:s6], $0xF7A  }
0x23: {  	s9 =	sor.u32 $0xD0000000, s2;
	s6 =	simm.s32 $0x108;
	_ =	swait.ge @!p0 [sflag:s8], $0x0  }
0x24: {  	s3 =	sadd.s32 $0x88, s3;
	s6 =	simm.s32 @!p1 $0x1082;
	[sflag:s4] =	ssyncset.s32 $0xFFFFF086  }
0x25: {  	[simem:s6], [sflag:s4] =	dma.local [hbm:s3], $0xF7A  }
0x26: {  	[smem:$0x3F9A] =	sst s1;
	(tag) =	ssettag s2;
	_ =	strace s9  }
0x27: {  	s1 =	sld [smem:$0x3FAA]  }
0x28: {  	s2 =	sld [smem:$0x3FAB]  }
0x29: {  	s4 =	sld [smem:$0x3FAD]  }
0x2a: {  	p0 =	seq.s32 s5, $0x0;
	s5 =	sld [smem:$0x3FAE]  }
0x2b: {  	s6 =	sld [smem:$0x3FAF]  }
0x2c: {  	s7 =	sld [smem:$0x3FB0]  }
0x2d: {  	s3 =	simm.s32 $0x108;
	s8 =	sld [smem:$0x3FB1]  }
0x2e: {  	s3 =	simm.s32 @!p0 $0x1082;
	s9 =	sld [smem:$0x3FB2]  }
0x2f: {  	lr =	sadd.s32 s0, s3;
	s0 =	sld [smem:$0x3FA9]  }
0x30: {  	s3 =	sld [smem:$0x3FAC]  }
0x31: {  	[smem:$0x3FB5] =	sst s10  }
0x32: {  	s10 =	sld [smem:$0x3FB3];
	_ =	sdelay $0x3  }
0x33: {  	p0 =	seq.s32 s10, $0x1;
	s10 =	sld [smem:$0x3FB5];
	_ =	sdelay $0x3  }
0x34: {  	[smem:$0x3FB5] =	sst s10  }
0x35: {  	s10 =	sld [smem:$0x3FB4];
	_ =	sdelay $0x3  }
0x36: {  	p1 =	seq.s32 s10, $0x1;
	s10 =	sld [smem:$0x3FB5];
	_ =	sdelay $0x3  }
0x37: {  	[smem:$0x3FB5] =	sst s10  }
0x38: {  	s10 =	sld [smem:$0x3FB6]  }
0x39: {  	_ = 	snop;
	(pc) =	sbr.ind lr, $3  }
0x3a: {  	_ = 	snop  }
0x3b: {  	_ = 	snop  }
0x3c: {  	p2 =	seq.s32 s10, $0x1;
	s10 =	sld [smem:$0x3FB5]  }
0x3d: {  	_ =	shalt  }
0x3e: {  	_ =	shalt  }
0x3f: {  	_ =	shalt  }
0x40: {  	_ =	shalt  }
0x41: {  	_ =	shalt  }
0x42: {  	_ =	shalt  }
0x43: {  	_ =	shalt  }
0x44: {  	_ =	shalt  }
0x45: {  	_ =	shalt  }
0x46: {  	_ =	shalt  }
0x47: {  	_ =	shalt  }
0x48: {  	_ =	shalt  }
0x49: {  	_ =	shalt  }
0x4a: {  	_ =	shalt  }
0x4b: {  	_ =	shalt  }
0x4c: {  	_ =	shalt  }
0x4d: {  	_ =	shalt  }
0x4e: {  	_ =	shalt  }
0x4f: {  	_ =	shalt  }
0x50: {  	_ =	shalt  }
0x51: {  	_ =	shalt  }
0x52: {  	_ =	shalt  }
0x53: {  	_ =	shalt  }
0x54: {  	_ =	shalt  }
0x55: {  	_ =	shalt  }
0x56: {  	_ =	shalt  }
0x57: {  	_ =	shalt  }
0x58: {  	_ =	shalt  }
0x59: {  	_ =	shalt  }
0x5a: {  	_ =	shalt  }
0x5b: {  	_ =	shalt  }
0x5c: {  	_ =	shalt  }
0x5d: {  	_ =	shalt  }
0x5e: {  	_ =	shalt  }
0x5f: {  	_ =	shalt  }
0x60: {  	_ =	shalt  }
0x61: {  	_ =	shalt  }
0x62: {  	_ =	shalt  }
0x63: {  	_ =	shalt  }
0x64: {  	_ =	shalt  }
0x65: {  	_ =	shalt  }
0x66: {  	_ =	shalt  }
0x67: {  	_ =	shalt  }
0x68: {  	_ =	shalt  }
0x69: {  	_ =	shalt  }
0x6a: {  	_ =	shalt  }
0x6b: {  	_ =	shalt  }
0x6c: {  	_ =	shalt  }
0x6d: {  	_ =	shalt  }
0x6e: {  	_ =	shalt  }
0x6f: {  	_ =	shalt  }
0x70: {  	_ =	shalt  }
0x71: {  	_ =	shalt  }
0x72: {  	_ =	shalt  }
0x73: {  	_ =	shalt  }
0x74: {  	_ =	shalt  }
0x75: {  	_ =	shalt  }
0x76: {  	_ =	shalt  }
0x77: {  	_ =	shalt  }
0x78: {  	_ =	shalt  }
0x79: {  	_ =	shalt  }
0x7a: {  	_ =	shalt  }
0x7b: {  	_ =	shalt  }
0x7c: {  	_ =	shalt  }
0x7d: {  	_ =	shalt  }
0x7e: {  	_ =	shalt  }
0x7f: {  	_ =	shalt  }
0x80: {  	_ =	shalt  }
0x81: {  	_ =	shalt  }
0x82: {  	_ =	shalt  }
0x83: {  	_ =	shalt  }
0x84: {  	_ =	shalt  }
0x85: {  	_ =	shalt  }
0x86: {  	_ =	shalt  }
0x87: {  	_ =	shalt  }
.Lfunc_end0:
.L_simem_size_0:
called_computation.2_lowered:
.L_overlay_start_0:
0x88: {  	s2 =	sld [smem:$0x3FD9]  }
0x89: {  	s3 =	sld [smem:$0x3FFE];
	_ =	sdelay $0x1  }
0x8a: {  	s1 =	srdreg.scid  }
0x8b: {  	s0 =	sand.u32 $0x1, s1  }
0x8c: {  	s17 =	sshll.u32 s0, $0xA;
	s2 =	sadd.s32 s3, s2  }
0x8d: {  	s2 =	sadd.s32 s2, s17  }
0x8e: {  	[smem:$0x3FC1] =	sst s2  }
0x8f: {  	_ = 	snop  }
0x90: {  	s2 =	sld [smem:$0x3FD0];
	(tm) =	ssettm $0x1  }
0x91: {  	s18 =	sld [smem:$0x3FFB];
	_ =	sdelay $0x3  }
0x92: {  	_ =	strace s18  }
0x93: {  	s3 =	sld [smem:$0x3FFC];
	_ =	sdelay $0x3  }
0x94: {  	_ =	strace s3  }
0x95: {  	s3 =	sld [smem:$0x3FFD];
	_ =	sdelay $0x3  }
0x96: {  	_ =	strace s3  }
0x97: {  	_ =	strace $0x8FFFFFFF  }
0x98: {  	s19 =	sld [smem:$0x3FDB];
	_ =	sdelay $0x1  }
0x99: {  	s4 =	simm.s32 $_scs_section_size  }
0x9a: {  	s5 =	simm.s32 $_size__tile_overlayer_lowered;
	s6 =	simm.s32 $_tile_overlayer_lowered  }
0x9b: {  	s22 =	simm.s32 $0x1BFF;
	s21 =	sshll.u32 s6, $0x1;
	s3 =	sadd.s32 s4, s19  }
0x9c: {  	s7 =	simm.s32 $0x0;
	s20 =	sshll.u32 s5, $0x1;
	s5 =	sadd.s32 s21, s3  }
0x9d: {  	[timem:s7], [sflag:s22] =	dma.local [hbm:s5], s20  }
0x9e: {  	_ =	swait.ge [sflag:s22], s20  }
0x9f: {  	s4 =	ssub.s32 $0x0, s20;
	[sflag:s22] =	ssyncset.done $0x0  }
0xa0: {  	[sflag:s22] =	ssyncadd.s32 s4;
	_ =	sdelay $0x1  }
0xa1: {  	s23 =	simm.s32 $0x1B8B  }
0xa2: {  	_ =	swait.ge [sflag:s23], $0x1  }
0xa3: {  	[sflag:s23] =	ssyncset.done $0x0  }
0xa4: {  	s25 =	simm.s32 $0x1B8E;
	s24 =	sld [smem:$0x3FFE];
	[sflag:s23] =	ssyncadd.s32 $0xFFFFFFFF  }
0xa5: {  	s26 =	simm.s32 $execute0_lowered;
	[smem:$0x3FD2] =	sst s25  }
0xa6: {  	s5 =	sshll.u32 s26, $0x1;
	_ =	strace $0x8000004C;
	[dreg:$0x1] =	wrdreg $0xFFFFFFFF  }
0xa7: {  	s28 =	simm.s32 $_size_execute0_lowered;
	s3 =	sadd.s32 s3, s5;
	[dreg:$0x0] =	wrdreg $0x0  }
0xa8: {  	s5 =	sshll.u32 s28, $0x1;
	[dreg:$0x2] =	wrdreg s3  }
0xa9: {  	[dreg:$0x3] =	wrdreg s5  }
0xaa: {  	[dreg:$0x4] =	wrdreg $0xC0  }
0xab: {  	_ =	task [dreg:s7], $0x5FFFF  }
0xac: {  	[dreg:$0x1] =	wrdreg $0xFFFFFFFF  }
0xad: {  	[dreg:$0x0] =	wrdreg $0x60  }
0xae: {  	[dreg:$0x2] =	wrdreg s24  }
0xaf: {  	[dreg:$0x3] =	wrdreg s2  }
0xb0: {  	[dreg:$0x4] =	wrdreg $0x74000  }
0xb1: {  	[dreg:$0x5] =	wrdreg $0x9  }
0xb2: {  	_ =	task.clear_ibuf [dreg:s7], $0x6FFFF;
	_ =	strace $0x9000004C  }
0xb3: {  	s29 =	simm.s32 $0x9;
	_ =	strace $0x8000004E  }
0xb4: {  	_ =	swait.ge [sflag:s29], $0x1  }
0xb5: {  	[sflag:s29] =	ssyncadd.s32 $0xFFFFFFFF  }
0xb6: {  	_ =	strace $0x9000004E  }
0xb7: {  	_ =	sfence  }
0xb8: {  	s30 =	sld [smem:$0x0];
	_ =	sdelay $0x2  }
0xb9: {  	s31 =	sshll.u32 s1, $0xD;
	s1 =	sshrl.u32 s1, $0x2  }
0xba: {  	s3 =	sand.u32 $0x4000, s31;
	s1 =	sadd.s32 s1, s30  }
0xbb: {  	s0 =	sor.u32 s3, s0;
	s1 =	sshll.u32 s1, $0x11  }
0xbc: {  	s0 =	sor.u32 s1, s0  }
0xbd: {  	s0 =	sadd.s32 $0x8F2B, s0  }
0xbe: {  	[sflag:s0] =	ssyncadd.remote.s32 $0x1  }
0xbf: {  	_ =	sfence.sel $0xFFFF  }
0xc0: {  	[dreg:$0x0] =	wrdreg $0xFFFFFFFF;
	(pc) =	sbr.abs _section_cstart, $3  }
0xc1: {  	[dreg:$0x1] =	wrdreg $0xFFFFFFFF  }
0xc2: {  	_ =	task.clear_ibuf [dreg:s7], $0x2FFFF;
	_ =	strace $0x9FFFFFFF  }
0xc3: {  	(tm) =	ssettm $0x7FFFFFFF  }
tec
execute0_lowered:
.L_overlay_start_1:
0x0: {  	(tag) =	ssettag $0x1  }
0x1: {  	s3 =	rddreg [dreg:$0x0]  }
0x2: {  	s4 =	rddreg [dreg:$0x1]  }
0x3: {  	s2 =	rddreg [dreg:$0x2]  }
0x4: {  	s29 =	rddreg [dreg:$0x3]  }
0x5: {  	s5 =	srdreg.scid;
	s1 =	stileid.u32  }
0x6: {  	s18 =	simm.s32 $0x0;
	s25 =	simm.s32 $0x400;
	s17 =	simm.s32 $0x100  }
0x7: {  	s19 =	simm.s32 $0x180;
	s26 =	simm.s32 $0x6800;
	s21 =	simm.s32 $0x480  }
0x8: {  	s22 =	simm.s32 $0x500;
	[smem:$0x7FF] =	sst s18;
	s11 =	sadd.s32 $0x1C00, s3  }
0x9: {  	s23 =	simm.s32 $0x200;
	_ =	strace $0x8000004D;
	[dreg:$0x4] =	wrdreg s11  }
0xa: {  	s24 =	simm.s32 $0x580;
	s12 =	simm.s32 $0x4;
	[dreg:$0x8] =	wrdreg s17  }
0xb: {  	s13 =	simm.s32 $0x280;
	s28 =	simm.s32 $0x600;
	[dreg:$0x9] =	wrdreg s19  }
0xc: {  	s14 =	simm.s32 $0x8;
	p0 =	por $0x0, $0x0;
	[dreg:$0xa] =	wrdreg s21  }
0xd: {  	s6 =	sand.u32 $0x1, s5;
	s7 =	smul.u32 $0xC00, s1;
	[dreg:$0xb] =	wrdreg s22  }
0xe: {  	s9 =	sshll.u32 s1, $0x8;
	s5 =	sadd.s32 $0xBC00, s3;
	[dreg:$0xc] =	wrdreg s23  }
0xf: {  	s8 =	smul.u32 $0xC000, s6;
	s10 =	sshll.u32 s6, $0x7;
	[dreg:$0xd] =	wrdreg s24  }
0x10: {  	s6 =	ssub.s32 $0x2, s6;
	s19 =	simm.s32 $0x1;
	[dreg:$0xe] =	wrdreg s13  }
0x11: {  	s17 =	simm.s32 $0x2;
	s11 =	simm.s32 $0x6;
	[dreg:$0xf] =	wrdreg s28  }
0x12: {  	s13 =	simm.s32 $0x7;
	s24 =	simm.s32 $0x300;
	s23 =	simm.s32 $0x680  }
0x13: {  	s21 =	simm.s32 $0x380;
	s22 =	simm.s32 $0x700;
	s9 =	sor.u32 s10, s9  }
0x14: {  	s16 =	sshrl.u32 s6, $0x1;
	s8 =	sadd.s32 s7, s8;
	s10 =	sadd.s32 s9, s3  }
0x15: {  	s4 =	sadd.s32 s4, s9;
	s6 =	ssub.s32 s6, s16;
	s9 =	simm.s32 $0x5  }
0x16: {  	s16 =	simm.s32 $0x3;
	s8 =	sshrl.u32 s8, $0x3;
	s20 =	smax.u32 s6, $0x1  }
0x17: {  	s15 =	sadd.s32 $0x5C00, s10;
	[dreg:$0x6] =	wrdreg s4;
	p1 =	sne.s32 s20, $0x1  }
.Ltmp0:
0x18: {  	s4 =	sadd.s32 s7, s2;
	s6 =	simm.s32 $0x80;
	(pc) =	sbr.rel @!p1 .LBB2_5-.Ltmp0, $4  }
0x19: {  	s10 =	simm.s32 $0x2000;
	s7 =	simm.s32 $0x5000;
	s3 =	sadd.s32 s8, s3  }
0x1a: {  	[dreg:$0x5] =	wrdreg s15;
	s15 =	simm.s32 $0x800;
	s8 =	simm.s32 $0x3800  }
0x1b: {  	s30 =	sadd.s32 $0xFFFFFFFF, s20;
	s3 =	sadd.s32 $0x1E00, s3;
	s31 =	rddreg [dreg:$0x5]  }
0x1c: {  	s20 =	simm.s32 $0x780;
	[dreg:$0x7] =	wrdreg s3;
	s3 =	simm.s32 $0x9  }
0x1d: {  	[tilespmem:s18], [sflag:$0x9] =	stream.linear.gather [hbm4b:s31+s18], $0x400, $0x38;
	[tilespmem:$0x8000] =	vst v63  }
0x1e: {  	_ =	swait.ge [sflag:s3], $0x400  }
0x1f: {  	[sflag:s3] =	ssyncset.done $0x0  }
0x20: {  	s28 =	rddreg [dreg:$0x6];
	[sflag:s3] =	ssyncadd.s32 $0xFFFFFC00  }
0x21: {  	[tilespmem:s25], [sflag:$0x9] =	stream.linear.gather [hbm4b:s28+s18], $0x400, $0x38;
	[tilespmem:$0x8000] =	vst v63  }
0x22: {  	_ =	swait.ge [sflag:s3], $0x400  }
0x23: {  	[sflag:s3] =	ssyncset.done $0x0  }
0x24: {  	[sflag:s3] =	ssyncadd.s32 $0xFFFFFC00  }
0x25: {  	[tilespmem:s15], [sflag:$0x1] =	stream.indirect.gather [hbm4b:s5+s6], $0x30, s18, s6, $0xb8;
	[tilespmem:$0x8000] =	vst v63  }
0x26: {  	_ = 	snop  }
0x27: {  	[tilespmem:s10], [sflag:$0x2] =	stream.indirect.gather [hbm4b:s5+s6], $0x30, s6, s6, $0xb8;
	[tilespmem:$0x8000] =	vst v63  }
0x28: {  	s28 =	rddreg [dreg:$0x8]  }
0x29: {  	[tilespmem:s8], [sflag:$0x3] =	stream.indirect.gather [hbm4b:s5+s6], $0x30, s28, s6, $0xb8;
	[tilespmem:$0x8000] =	vst v63  }
0x2a: {  	s29 =	rddreg [dreg:$0x9]  }
0x2b: {  	[tilespmem:s7], [sflag:$0x4] =	stream.indirect.gather [hbm4b:s5+s6], $0x30, s29, s6, $0xb8;
	[tilespmem:$0x8000] =	vst v63  }
0x2c: {  	s28 =	rddreg [dreg:$0x4]  }
0x2d: {  	[tilespmem:s26], [sflag:$0x9] =	stream.linear.gather [hbm4b:s28+s18], $0xC00, $0x38;
	[tilespmem:$0x8000] =	vst v63  }
0x2e: {  	_ =	swait.ge [sflag:s3], $0xC00  }
0x2f: {  	[sflag:s3] =	ssyncset.done $0x0  }
0x30: {  	[sflag:s3] =	ssyncadd.s32 $0xFFFFF400  }
0x31: {  	[spmem:s4] =	stream.linear.scatter [tilespmem:s26], [sflag:$0x5], $0xC00, $0x38;
	[tilespmem:$0x8000] =	vst v63  }
0x32: {  	_ =	swait.ge [sflag:s9], $0xC00  }
0x33: {  	[sflag:s9] =	ssyncset.done $0x0  }
0x34: {  	[sflag:s9] =	ssyncadd.s32 $0xFFFFF400  }
0x35: {  	[bflag:$0x0] =	sbarrier.arrive $0xFFFF  }
0x36: {  	_ =	swait.ge [sflag:s19], $0x1800  }
0x37: {  	[sflag:s19] =	ssyncset.done $0x0  }
0x38: {  	[sflag:s19] =	ssyncadd.s32 $0xFFFFE800  }
0x39: {  	[spmem:s2] =	stream.indirect.scatter.add.f32 [tilespmem:s15], [sflag:$0x5], $0x30, s25, s6, $0xb8;
	[tilespmem:$0x8000] =	vst v63  }
0x3a: {  	_ =	swait.ge [sflag:s17], $0x1800  }
0x3b: {  	[sflag:s17] =	ssyncset.done $0x0  }
0x3c: {  	s28 =	rddreg [dreg:$0xa];
	[sflag:s17] =	ssyncadd.s32 $0xFFFFE800  }
0x3d: {  	[spmem:s2] =	stream.indirect.scatter.add.f32 [tilespmem:s10], [sflag:$0x6], $0x30, s28, s6, $0xb8;
	[tilespmem:$0x8000] =	vst v63  }
0x3e: {  	_ =	swait.ge [sflag:s16], $0x1800  }
0x3f: {  	[sflag:s16] =	ssyncset.done $0x0  }
0x40: {  	s28 =	rddreg [dreg:$0xb];
	[sflag:s16] =	ssyncadd.s32 $0xFFFFE800  }
0x41: {  	[spmem:s2] =	stream.indirect.scatter.add.f32 [tilespmem:s8], [sflag:$0x7], $0x30, s28, s6, $0xb8;
	[tilespmem:$0x8000] =	vst v63  }
0x42: {  	_ =	swait.ge [sflag:s9], $0x1800  }
0x43: {  	[sflag:s9] =	ssyncset.done $0x0  }
0x44: {  	s28 =	rddreg [dreg:$0xc];
	[sflag:s9] =	ssyncadd.s32 $0xFFFFE800  }
0x45: {  	[tilespmem:s15], [sflag:$0x1] =	stream.indirect.gather [hbm4b:s5+s6], $0x30, s28, s6, $0xb8;
	[tilespmem:$0x8000] =	vst v63  }
0x46: {  	_ =	swait.ge [sflag:s12], $0x1800  }
0x47: {  	[sflag:s12] =	ssyncset.done $0x0  }
0x48: {  	s28 =	rddreg [dreg:$0xd];
	[sflag:s12] =	ssyncadd.s32 $0xFFFFE800  }
0x49: {  	[spmem:s2] =	stream.indirect.scatter.add.f32 [tilespmem:s7], [sflag:$0x8], $0x30, s28, s6, $0xb8;
	[tilespmem:$0x8000] =	vst v63  }
0x4a: {  	_ =	swait.ge [sflag:s11], $0x1800  }
0x4b: {  	[sflag:s11] =	ssyncset.done $0x0  }
0x4c: {  	s28 =	rddreg [dreg:$0xe];
	[sflag:s11] =	ssyncadd.s32 $0xFFFFE800  }
0x4d: {  	[tilespmem:s10], [sflag:$0x2] =	stream.indirect.gather [hbm4b:s5+s6], $0x30, s28, s6, $0xb8;
	[tilespmem:$0x8000] =	vst v63  }
0x4e: {  	_ =	swait.ge [sflag:s19], $0x1800  }
0x4f: {  	[sflag:s19] =	ssyncset.done $0x0  }
0x50: {  	s28 =	rddreg [dreg:$0xf];
	[sflag:s19] =	ssyncadd.s32 $0xFFFFE800  }
0x51: {  	[spmem:s2] =	stream.indirect.scatter.add.f32 [tilespmem:s15], [sflag:$0x5], $0x30, s28, s6, $0xb8;
	[tilespmem:$0x8000] =	vst v63  }
0x52: {  	_ =	swait.ge [sflag:s13], $0x1800  }
0x53: {  	[sflag:s13] =	ssyncset.done $0x0  }
0x54: {  	[sflag:s13] =	ssyncadd.s32 $0xFFFFE800  }
0x55: {  	[tilespmem:s8], [sflag:$0x3] =	stream.indirect.gather [hbm4b:s5+s6], $0x30, s24, s6, $0xb8;
	[tilespmem:$0x8000] =	vst v63  }
0x56: {  	_ =	swait.ge [sflag:s17], $0x1800  }
0x57: {  	[sflag:s17] =	ssyncset.done $0x0  }
0x58: {  	[sflag:s17] =	ssyncadd.s32 $0xFFFFE800  }
0x59: {  	[spmem:s2] =	stream.indirect.scatter.add.f32 [tilespmem:s10], [sflag:$0x6], $0x30, s23, s6, $0xb8;
	[tilespmem:$0x8000] =	vst v63  }
0x5a: {  	_ =	swait.ge [sflag:s14], $0x1800  }
0x5b: {  	[sflag:s14] =	ssyncset.done $0x0  }
0x5c: {  	[sflag:s14] =	ssyncadd.s32 $0xFFFFE800  }
0x5d: {  	[tilespmem:s7], [sflag:$0x4] =	stream.indirect.gather [hbm4b:s5+s6], $0x30, s21, s6, $0xb8;
	[tilespmem:$0x8000] =	vst v63  }
0x5e: {  	_ =	swait.ge [sflag:s16], $0x1800  }
0x5f: {  	[sflag:s16] =	ssyncset.done $0x0  }
0x60: {  	[sflag:s16] =	ssyncadd.s32 $0xFFFFE800  }
0x61: {  	[spmem:s2] =	stream.indirect.scatter.add.f32 [tilespmem:s8], [sflag:$0x7], $0x30, s22, s6, $0xb8;
	[tilespmem:$0x8000] =	vst v63  }
0x62: {  	_ =	swait.ge [sflag:s9], $0x1800  }
0x63: {  	[sflag:s9] =	ssyncset.done $0x0  }
0x64: {  	[sflag:s9] =	ssyncadd.s32 $0xFFFFE800  }
0x65: {  	_ =	swait.ge [sflag:s12], $0x1800  }
0x66: {  	[sflag:s12] =	ssyncset.done $0x0  }
0x67: {  	[sflag:s12] =	ssyncadd.s32 $0xFFFFE800  }
0x68: {  	[spmem:s2] =	stream.indirect.scatter.add.f32 [tilespmem:s7], [sflag:$0x8], $0x30, s20, s6, $0xb8;
	[tilespmem:$0x8000] =	vst v63  }
0x69: {  	_ =	swait.ge [sflag:s11], $0x1800  }
0x6a: {  	[sflag:s11] =	ssyncset.done $0x0  }
0x6b: {  	[sflag:s11] =	ssyncadd.s32 $0xFFFFE800  }
0x6c: {  	_ =	swait.ge [sflag:s13], $0x1800  }
0x6d: {  	[sflag:s13] =	ssyncset.done $0x0  }
0x6e: {  	[sflag:s13] =	ssyncadd.s32 $0xFFFFE800  }
0x6f: {  	_ =	swait.ge [sflag:s14], $0x1800  }
0x70: {  	[sflag:s14] =	ssyncset.done $0x0  }
0x71: {  	p1 =	sne.s32 s30, $0x1;
	[sflag:s14] =	ssyncadd.s32 $0xFFFFE800  }
.Ltmp1:
0x72: {  	s28 =	sshll.u32 s1, $0x6;
	[bflag:$0x0] =	sbarrier.arrive $0xFFFF;
	(pc) =	sbr.rel @!p1 .LBB2_2-.Ltmp1, $4  }
0x73: {  	s29 =	sshrl.u32 s4, $0x3;
	s28 =	sor.u32 $0x1C09, s28;
	s31 =	rddreg [dreg:$0x7]  }
0x74: {  	[hbm:s31], [sflag:s28] =	dma.local [spmem:s29], $0x180  }
0x75: {  	s30 =	sadd.s32 $0xFFFFFFFF, s30;
	_ =	swait.ge [sflag:s3], $0x180  }
0x76: {  	p0 =	por $0x1, $0x1;
	s31 =	rddreg [dreg:$0x5];
	[sflag:s3] =	ssyncset.done $0x0  }
.LBB2_3:
0x77: {  	[sflag:s3] =	ssyncadd.s32 $0xFFFFFE80  }
0x78: {  	[tilespmem:s18], [sflag:$0x9] =	stream.linear.gather [hbm4b:s31+s18], $0x400, $0x38;
	[tilespmem:$0x8000] =	vst v63  }
0x79: {  	_ =	swait.ge [sflag:s3], $0x400  }
0x7a: {  	[sflag:s3] =	ssyncset.done $0x0  }
0x7b: {  	s31 =	rddreg [dreg:$0x6];
	[sflag:s3] =	ssyncadd.s32 $0xFFFFFC00  }
0x7c: {  	[tilespmem:s25], [sflag:$0x9] =	stream.linear.gather [hbm4b:s31+s18], $0x400, $0x38;
	[tilespmem:$0x8000] =	vst v63  }
0x7d: {  	_ =	swait.ge [sflag:s3], $0x400  }
0x7e: {  	[sflag:s3] =	ssyncset.done $0x0  }
0x7f: {  	[sflag:s3] =	ssyncadd.s32 $0xFFFFFC00  }
0x80: {  	[tilespmem:s15], [sflag:$0x1] =	stream.indirect.gather [hbm4b:s5+s6], $0x30, s18, s6, $0xb8;
	[tilespmem:$0x8000] =	vst v63  }
0x81: {  	_ = 	snop  }
0x82: {  	[tilespmem:s10], [sflag:$0x2] =	stream.indirect.gather [hbm4b:s5+s6], $0x30, s6, s6, $0xb8;
	[tilespmem:$0x8000] =	vst v63  }
0x83: {  	s31 =	rddreg [dreg:$0x8]  }
0x84: {  	[tilespmem:s8], [sflag:$0x3] =	stream.indirect.gather [hbm4b:s5+s6], $0x30, s31, s6, $0xb8;
	[tilespmem:$0x8000] =	vst v63  }
0x85: {  	s0 =	rddreg [dreg:$0x9]  }
0x86: {  	[tilespmem:s7], [sflag:$0x4] =	stream.indirect.gather [hbm4b:s5+s6], $0x30, s0, s6, $0xb8;
	[tilespmem:$0x8000] =	vst v63  }
0x87: {  	s31 =	rddreg [dreg:$0x4]  }
0x88: {  	[tilespmem:s26], [sflag:$0x9] =	stream.linear.gather [hbm4b:s31+s18], $0xC00, $0x38;
	[tilespmem:$0x8000] =	vst v63  }
0x89: {  	_ =	swait.ge [sflag:s3], $0xC00  }
0x8a: {  	[sflag:s3] =	ssyncset.done $0x0  }
0x8b: {  	[sflag:s3] =	ssyncadd.s32 $0xFFFFF400  }
0x8c: {  	[spmem:s4] =	stream.linear.scatter [tilespmem:s26], [sflag:$0x5], $0xC00, $0x38;
	[tilespmem:$0x8000] =	vst v63  }
0x8d: {  	_ =	swait.ge [sflag:s9], $0xC00  }
0x8e: {  	[sflag:s9] =	ssyncset.done $0x0  }
0x8f: {  	[sflag:s9] =	ssyncadd.s32 $0xFFFFF400  }
0x90: {  	[bflag:$0x0] =	sbarrier.arrive $0xFFFF  }
0x91: {  	_ =	swait.ge [sflag:s19], $0x1800  }
0x92: {  	[sflag:s19] =	ssyncset.done $0x0  }
0x93: {  	[sflag:s19] =	ssyncadd.s32 $0xFFFFE800  }
0x94: {  	[spmem:s2] =	stream.indirect.scatter.add.f32 [tilespmem:s15], [sflag:$0x5], $0x30, s25, s6, $0xb8;
	[tilespmem:$0x8000] =	vst v63  }
0x95: {  	_ =	swait.ge [sflag:s17], $0x1800  }
0x96: {  	[sflag:s17] =	ssyncset.done $0x0  }
0x97: {  	s0 =	rddreg [dreg:$0xa];
	[sflag:s17] =	ssyncadd.s32 $0xFFFFE800  }
0x98: {  	[spmem:s2] =	stream.indirect.scatter.add.f32 [tilespmem:s10], [sflag:$0x6], $0x30, s0, s6, $0xb8;
	[tilespmem:$0x8000] =	vst v63  }
0x99: {  	_ =	swait.ge [sflag:s16], $0x1800  }
0x9a: {  	[sflag:s16] =	ssyncset.done $0x0  }
0x9b: {  	s0 =	rddreg [dreg:$0xb];
	[sflag:s16] =	ssyncadd.s32 $0xFFFFE800  }
0x9c: {  	[spmem:s2] =	stream.indirect.scatter.add.f32 [tilespmem:s8], [sflag:$0x7], $0x30, s0, s6, $0xb8;
	[tilespmem:$0x8000] =	vst v63  }
0x9d: {  	_ =	swait.ge [sflag:s9], $0x1800  }
0x9e: {  	[sflag:s9] =	ssyncset.done $0x0  }
0x9f: {  	s0 =	rddreg [dreg:$0xc];
	[sflag:s9] =	ssyncadd.s32 $0xFFFFE800  }
0xa0: {  	[tilespmem:s15], [sflag:$0x1] =	stream.indirect.gather [hbm4b:s5+s6], $0x30, s0, s6, $0xb8;
	[tilespmem:$0x8000] =	vst v63  }
0xa1: {  	_ =	swait.ge [sflag:s12], $0x1800  }
0xa2: {  	[sflag:s12] =	ssyncset.done $0x0  }
0xa3: {  	s0 =	rddreg [dreg:$0xd];
	[sflag:s12] =	ssyncadd.s32 $0xFFFFE800  }
0xa4: {  	[spmem:s2] =	stream.indirect.scatter.add.f32 [tilespmem:s7], [sflag:$0x8], $0x30, s0, s6, $0xb8;
	[tilespmem:$0x8000] =	vst v63  }
0xa5: {  	_ =	swait.ge [sflag:s11], $0x1800  }
0xa6: {  	[sflag:s11] =	ssyncset.done $0x0  }
0xa7: {  	s0 =	rddreg [dreg:$0xe];
	[sflag:s11] =	ssyncadd.s32 $0xFFFFE800  }
0xa8: {  	[tilespmem:s10], [sflag:$0x2] =	stream.indirect.gather [hbm4b:s5+s6], $0x30, s0, s6, $0xb8;
	[tilespmem:$0x8000] =	vst v63  }
0xa9: {  	_ =	swait.ge [sflag:s19], $0x1800  }
0xaa: {  	[sflag:s19] =	ssyncset.done $0x0  }
0xab: {  	s0 =	rddreg [dreg:$0xf];
	[sflag:s19] =	ssyncadd.s32 $0xFFFFE800  }
0xac: {  	[spmem:s2] =	stream.indirect.scatter.add.f32 [tilespmem:s15], [sflag:$0x5], $0x30, s0, s6, $0xb8;
	[tilespmem:$0x8000] =	vst v63  }
0xad: {  	_ =	swait.ge [sflag:s13], $0x1800  }
0xae: {  	[sflag:s13] =	ssyncset.done $0x0  }
0xaf: {  	[sflag:s13] =	ssyncadd.s32 $0xFFFFE800  }
0xb0: {  	[tilespmem:s8], [sflag:$0x3] =	stream.indirect.gather [hbm4b:s5+s6], $0x30, s24, s6, $0xb8;
	[tilespmem:$0x8000] =	vst v63  }
0xb1: {  	_ =	swait.ge [sflag:s17], $0x1800  }
0xb2: {  	[sflag:s17] =	ssyncset.done $0x0  }
0xb3: {  	[sflag:s17] =	ssyncadd.s32 $0xFFFFE800  }
0xb4: {  	[spmem:s2] =	stream.indirect.scatter.add.f32 [tilespmem:s10], [sflag:$0x6], $0x30, s23, s6, $0xb8;
	[tilespmem:$0x8000] =	vst v63  }
0xb5: {  	_ =	swait.ge [sflag:s14], $0x1800  }
0xb6: {  	[sflag:s14] =	ssyncset.done $0x0  }
0xb7: {  	[sflag:s14] =	ssyncadd.s32 $0xFFFFE800  }
0xb8: {  	[tilespmem:s7], [sflag:$0x4] =	stream.indirect.gather [hbm4b:s5+s6], $0x30, s21, s6, $0xb8;
	[tilespmem:$0x8000] =	vst v63  }
0xb9: {  	_ =	swait.ge [sflag:s16], $0x1800  }
0xba: {  	[sflag:s16] =	ssyncset.done $0x0  }
0xbb: {  	[sflag:s16] =	ssyncadd.s32 $0xFFFFE800  }
0xbc: {  	[spmem:s2] =	stream.indirect.scatter.add.f32 [tilespmem:s8], [sflag:$0x7], $0x30, s22, s6, $0xb8;
	[tilespmem:$0x8000] =	vst v63  }
0xbd: {  	_ =	swait.ge [sflag:s9], $0x1800  }
0xbe: {  	[sflag:s9] =	ssyncset.done $0x0  }
0xbf: {  	[sflag:s9] =	ssyncadd.s32 $0xFFFFE800  }
0xc0: {  	_ =	swait.ge [sflag:s12], $0x1800  }
0xc1: {  	[sflag:s12] =	ssyncset.done $0x0  }
0xc2: {  	[sflag:s12] =	ssyncadd.s32 $0xFFFFE800  }
0xc3: {  	[spmem:s2] =	stream.indirect.scatter.add.f32 [tilespmem:s7], [sflag:$0x8], $0x30, s20, s6, $0xb8;
	[tilespmem:$0x8000] =	vst v63  }
0xc4: {  	_ =	swait.ge [sflag:s11], $0x1800  }
0xc5: {  	[sflag:s11] =	ssyncset.done $0x0  }
0xc6: {  	[sflag:s11] =	ssyncadd.s32 $0xFFFFE800  }
0xc7: {  	_ =	swait.ge [sflag:s13], $0x1800  }
0xc8: {  	[sflag:s13] =	ssyncset.done $0x0  }
0xc9: {  	[sflag:s13] =	ssyncadd.s32 $0xFFFFE800  }
0xca: {  	_ =	swait.ge [sflag:s14], $0x1800  }
0xcb: {  	[sflag:s14] =	ssyncset.done $0x0  }
0xcc: {  	p1 =	sne.s32 s30, $0x1;
	[sflag:s14] =	ssyncadd.s32 $0xFFFFE800  }
.Ltmp2:
0xcd: {  	[bflag:$0x0] =	sbarrier.arrive $0xFFFF;
	(pc) =	sbr.rel @p1 .LBB2_3-.Ltmp2, $4  }
0xce: {  	s0 =	rddreg [dreg:$0x7]  }
0xcf: {  	[hbm:s0], [sflag:s28] =	dma.local [spmem:s29], $0x180  }
0xd0: {  	_ =	swait.ge [sflag:s3], $0x180  }
0xd1: {  	s30 =	sadd.s32 $0xFFFFFFFF, s30;
	s31 =	rddreg [dreg:$0x5];
	[sflag:s3] =	ssyncset.done $0x0  }
0xd2: {  	s29 =	rddreg [dreg:$0x3]  }
.LBB2_5:
0xd3: {  	[sflag:s3] =	ssyncadd.s32 @p0 $0xFFFFFE80  }
0xd4: {  	[tilespmem:s18], [sflag:$0x9] =	stream.linear.gather [hbm4b:s31+s18], $0x400, $0x38;
	[tilespmem:$0x8000] =	vst v63  }
0xd5: {  	_ =	swait.ge [sflag:s3], $0x400  }
0xd6: {  	[sflag:s3] =	ssyncset.done $0x0  }
0xd7: {  	s0 =	rddreg [dreg:$0x6];
	[sflag:s3] =	ssyncadd.s32 $0xFFFFFC00  }
0xd8: {  	[tilespmem:s25], [sflag:$0x9] =	stream.linear.gather [hbm4b:s0+s18], $0x400, $0x38;
	[tilespmem:$0x8000] =	vst v63  }
0xd9: {  	_ =	swait.ge [sflag:s3], $0x400  }
0xda: {  	[sflag:s3] =	ssyncset.done $0x0  }
0xdb: {  	[sflag:s3] =	ssyncadd.s32 $0xFFFFFC00  }
0xdc: {  	[tilespmem:s15], [sflag:$0x1] =	stream.indirect.gather [hbm4b:s5+s6], $0x30, s18, s6, $0xb8;
	[tilespmem:$0x8000] =	vst v63  }
0xdd: {  	_ = 	snop  }
0xde: {  	[tilespmem:s10], [sflag:$0x2] =	stream.indirect.gather [hbm4b:s5+s6], $0x30, s6, s6, $0xb8;
	[tilespmem:$0x8000] =	vst v63  }
0xdf: {  	s30 =	rddreg [dreg:$0x8]  }
0xe0: {  	[tilespmem:s8], [sflag:$0x3] =	stream.indirect.gather [hbm4b:s5+s6], $0x30, s30, s6, $0xb8;
	[tilespmem:$0x8000] =	vst v63  }
0xe1: {  	s28 =	rddreg [dreg:$0x9]  }
0xe2: {  	[tilespmem:s7], [sflag:$0x4] =	stream.indirect.gather [hbm4b:s5+s6], $0x30, s28, s6, $0xb8;
	[tilespmem:$0x8000] =	vst v63  }
0xe3: {  	s31 =	rddreg [dreg:$0x4]  }
0xe4: {  	[tilespmem:s26], [sflag:$0x9] =	stream.linear.gather [hbm4b:s31+s18], $0xC00, $0x38;
	[tilespmem:$0x8000] =	vst v63  }
0xe5: {  	_ =	swait.ge [sflag:s3], $0xC00  }
0xe6: {  	[sflag:s3] =	ssyncset.done $0x0  }
0xe7: {  	[sflag:s3] =	ssyncadd.s32 $0xFFFFF400  }
0xe8: {  	[spmem:s4] =	stream.linear.scatter [tilespmem:s26], [sflag:$0x5], $0xC00, $0x38;
	[tilespmem:$0x8000] =	vst v63  }
0xe9: {  	_ =	swait.ge [sflag:s9], $0xC00  }
0xea: {  	[sflag:s9] =	ssyncset.done $0x0  }
0xeb: {  	[sflag:s9] =	ssyncadd.s32 $0xFFFFF400  }
0xec: {  	[bflag:$0x0] =	sbarrier.arrive $0xFFFF  }
0xed: {  	_ =	swait.ge [sflag:s19], $0x1800  }
0xee: {  	[sflag:s19] =	ssyncset.done $0x0  }
0xef: {  	[sflag:s19] =	ssyncadd.s32 $0xFFFFE800  }
0xf0: {  	[spmem:s2] =	stream.indirect.scatter.add.f32 [tilespmem:s15], [sflag:$0x5], $0x30, s25, s6, $0xb8;
	[tilespmem:$0x8000] =	vst v63  }
0xf1: {  	_ =	swait.ge [sflag:s17], $0x1800  }
0xf2: {  	[sflag:s17] =	ssyncset.done $0x0  }
0xf3: {  	s28 =	rddreg [dreg:$0xa];
	[sflag:s17] =	ssyncadd.s32 $0xFFFFE800  }
0xf4: {  	[spmem:s2] =	stream.indirect.scatter.add.f32 [tilespmem:s10], [sflag:$0x6], $0x30, s28, s6, $0xb8;
	[tilespmem:$0x8000] =	vst v63  }
0xf5: {  	_ =	swait.ge [sflag:s16], $0x1800  }
0xf6: {  	[sflag:s16] =	ssyncset.done $0x0  }
0xf7: {  	s30 =	rddreg [dreg:$0xb];
	[sflag:s16] =	ssyncadd.s32 $0xFFFFE800  }
0xf8: {  	[spmem:s2] =	stream.indirect.scatter.add.f32 [tilespmem:s8], [sflag:$0x7], $0x30, s30, s6, $0xb8;
	[tilespmem:$0x8000] =	vst v63  }
0xf9: {  	_ =	swait.ge [sflag:s9], $0x1800  }
0xfa: {  	[sflag:s9] =	ssyncset.done $0x0  }
0xfb: {  	s31 =	rddreg [dreg:$0xc];
	[sflag:s9] =	ssyncadd.s32 $0xFFFFE800  }
0xfc: {  	[tilespmem:s15], [sflag:$0x1] =	stream.indirect.gather [hbm4b:s5+s6], $0x30, s31, s6, $0xb8;
	[tilespmem:$0x8000] =	vst v63  }
0xfd: {  	_ =	swait.ge [sflag:s12], $0x1800  }
0xfe: {  	[sflag:s12] =	ssyncset.done $0x0  }
0xff: {  	s18 =	rddreg [dreg:$0xd];
	[sflag:s12] =	ssyncadd.s32 $0xFFFFE800  }
0x100: {  	[spmem:s2] =	stream.indirect.scatter.add.f32 [tilespmem:s7], [sflag:$0x8], $0x30, s18, s6, $0xb8;
	[tilespmem:$0x8000] =	vst v63  }
0x101: {  	_ =	swait.ge [sflag:s11], $0x1800  }
0x102: {  	[sflag:s11] =	ssyncset.done $0x0  }
0x103: {  	s25 =	rddreg [dreg:$0xe];
	[sflag:s11] =	ssyncadd.s32 $0xFFFFE800  }
0x104: {  	[tilespmem:s10], [sflag:$0x2] =	stream.indirect.gather [hbm4b:s5+s6], $0x30, s25, s6, $0xb8;
	[tilespmem:$0x8000] =	vst v63  }
0x105: {  	_ =	swait.ge [sflag:s19], $0x1800  }
0x106: {  	[sflag:s19] =	ssyncset.done $0x0  }
0x107: {  	s26 =	rddreg [dreg:$0xf];
	[sflag:s19] =	ssyncadd.s32 $0xFFFFE800  }
0x108: {  	[spmem:s2] =	stream.indirect.scatter.add.f32 [tilespmem:s15], [sflag:$0x5], $0x30, s26, s6, $0xb8;
	[tilespmem:$0x8000] =	vst v63  }
0x109: {  	_ =	swait.ge [sflag:s13], $0x1800  }
0x10a: {  	[sflag:s13] =	ssyncset.done $0x0  }
0x10b: {  	[sflag:s13] =	ssyncadd.s32 $0xFFFFE800  }
0x10c: {  	[tilespmem:s8], [sflag:$0x3] =	stream.indirect.gather [hbm4b:s5+s6], $0x30, s24, s6, $0xb8;
	[tilespmem:$0x8000] =	vst v63  }
0x10d: {  	_ =	swait.ge [sflag:s17], $0x1800  }
0x10e: {  	[sflag:s17] =	ssyncset.done $0x0  }
0x10f: {  	[sflag:s17] =	ssyncadd.s32 $0xFFFFE800  }
0x110: {  	[spmem:s2] =	stream.indirect.scatter.add.f32 [tilespmem:s10], [sflag:$0x6], $0x30, s23, s6, $0xb8;
	[tilespmem:$0x8000] =	vst v63  }
0x111: {  	_ =	swait.ge [sflag:s14], $0x1800  }
0x112: {  	[sflag:s14] =	ssyncset.done $0x0  }
0x113: {  	[sflag:s14] =	ssyncadd.s32 $0xFFFFE800  }
0x114: {  	[tilespmem:s7], [sflag:$0x4] =	stream.indirect.gather [hbm4b:s5+s6], $0x30, s21, s6, $0xb8;
	[tilespmem:$0x8000] =	vst v63  }
0x115: {  	_ =	swait.ge [sflag:s16], $0x1800  }
0x116: {  	[sflag:s16] =	ssyncset.done $0x0  }
0x117: {  	[sflag:s16] =	ssyncadd.s32 $0xFFFFE800  }
0x118: {  	[spmem:s2] =	stream.indirect.scatter.add.f32 [tilespmem:s8], [sflag:$0x7], $0x30, s22, s6, $0xb8;
	[tilespmem:$0x8000] =	vst v63  }
0x119: {  	_ =	swait.ge [sflag:s9], $0x1800  }
0x11a: {  	[sflag:s9] =	ssyncset.done $0x0  }
0x11b: {  	[sflag:s9] =	ssyncadd.s32 $0xFFFFE800  }
0x11c: {  	_ =	swait.ge [sflag:s12], $0x1800  }
0x11d: {  	[sflag:s12] =	ssyncset.done $0x0  }
0x11e: {  	[sflag:s12] =	ssyncadd.s32 $0xFFFFE800  }
0x11f: {  	[spmem:s2] =	stream.indirect.scatter.add.f32 [tilespmem:s7], [sflag:$0x8], $0x30, s20, s6, $0xb8;
	[tilespmem:$0x8000] =	vst v63  }
0x120: {  	_ =	swait.ge [sflag:s11], $0x1800  }
0x121: {  	[sflag:s11] =	ssyncset.done $0x0  }
0x122: {  	[sflag:s11] =	ssyncadd.s32 $0xFFFFE800  }
0x123: {  	_ =	swait.ge [sflag:s13], $0x1800  }
0x124: {  	[sflag:s13] =	ssyncset.done $0x0  }
0x125: {  	[sflag:s13] =	ssyncadd.s32 $0xFFFFE800  }
0x126: {  	_ =	swait.ge [sflag:s14], $0x1800  }
0x127: {  	[sflag:s14] =	ssyncset.done $0x0  }
0x128: {  	[sflag:s14] =	ssyncadd.s32 $0xFFFFE800  }
0x129: {  	s30 =	sshll.u32 s1, $0x6;
	[bflag:$0x0] =	sbarrier.arrive $0xFFFF  }
0x12a: {  	s31 =	sshrl.u32 s4, $0x3;
	s2 =	sor.u32 $0x1C09, s30;
	s28 =	rddreg [dreg:$0x7]  }
0x12b: {  	[hbm:s28], [sflag:s2] =	dma.local [spmem:s31], $0x180  }
0x12c: {  	_ =	swait.ge [sflag:s3], $0x180  }
0x12d: {  	[sflag:s3] =	ssyncset.done $0x0  }
0x12e: {  	[sflag:s3] =	ssyncadd.s32 $0xFFFFFE80  }
0x12f: {  	_ =	sfence.sel $0x180000  }
0x130: {  	[bflag:$0x0] =	sbarrier.arrive $0xFFFF  }
0x131: {  	p0 =	sne.s32 s1, $0x0;
	_ =	strace $0x9000004D  }
0x132: {  	s0 =	sadd.s32 @!p0 $0x100000, s29;
	[bflag:$0x2] =	sbarrier.arrive $0xFFFF  }
0x133: {  	[sflag:s0] =	ssyncadd.tile.s32 @!p0 $0x1;
	_ =	shalt  }
.LBB2_2:
.Ltmp3:
0x134: {  	(pc) =	sbr.rel .LBB2_5-.Ltmp3, $2  }
0x135: {  	_ =	sdelay $0x2  }
0x136: {  	s29 =	rddreg [dreg:$0x3]  }
.Lfunc_end2:
_tile_overlayer_lowered:
.L_overlay_start_2:
0x137: {  	(tag) =	ssettag $0x2  }
0x138: {  	s0 =	rddreg [dreg:$0x0];
	s2 =	stileid.u32  }
0x139: {  	s1 =	rddreg [dreg:$0x1];
	p0 =	sne.s32 s2, $0x0  }
0x13a: {  	s3 =	rddreg [dreg:$0x2];
	[bflag:$0x3] =	sbarrier.arrive $0xFFFF;
	s2 =	simm.s32 @!p0 $0x1C09  }
0x13b: {  	[timem:s3], [sflag:s2] =	dma.local @!p0 [hbm:s0], s1  }
0x13c: {  	s0 =	simm.s32 @!p0 $0x9  }
0x13d: {  	_ =	swait.ge @!p0 [sflag:s0], s1  }
0x13e: {  	s1 =	ssub.s32 @!p0 $0x0, s1;
	[sflag:s0] =	ssyncset.done @!p0 $0x0  }
0x13f: {  	[sflag:s0] =	ssyncadd.s32 @!p0 s1  }
0x140: {  	[bflag:$0x3] =	sbarrier.arrive $0xFFFF  }
0x141: {  	_ =	shalt  }

// kernel: kernel.8.cloned.1.call-start
scs
__scs_entry_jumppad:
0x0: {  	(pc) =	sbr.rel $0x88, $3  }
0x1: {  	(tag) =	ssettag $0x0;
	lr =	simm.s32 $0x1  }
0x2: {  	[smem:$0x3F9A] =	sst lr;
	_ =	strace $0xD0000000  }
0x3: {  	_ = 	snop  }
0x4: {  	_ = 	snop  }
0x5: {  	_ = 	snop  }
0x6: {  	_ = 	snop  }
0x7: {  	_ = 	snop  }
__scs_overlays_trampoline_lowered:
0x8: {  	[smem:$0x3FA9] =	sst s0  }
0x9: {  	[smem:$0x3FAA] =	sst s1  }
0xa: {  	[smem:$0x3FAB] =	sst s2  }
0xb: {  	[smem:$0x3FAC] =	sst s3  }
0xc: {  	[smem:$0x3FAD] =	sst s4  }
0xd: {  	[smem:$0x3FAE] =	sst s5  }
0xe: {  	[smem:$0x3FAF] =	sst s6  }
0xf: {  	[smem:$0x3FB0] =	sst s7  }
0x10: {  	[smem:$0x3FB1] =	sst s8  }
0x11: {  	[smem:$0x3FB2] =	sst s9;
	s0 =	simm.s32 @!p0 $0x0  }
0x12: {  	s1 =	sld [smem:$0x3F98];
	s0 =	simm.s32 @p0 $0x1  }
0x13: {  	[smem:$0x3FB3] =	sst s0;
	s0 =	simm.s32 @!p1 $0x0  }
0x14: {  	s2 =	sld [smem:$0x3F97];
	s0 =	simm.s32 @p1 $0x1  }
0x15: {  	[smem:$0x3FB4] =	sst s0;
	s0 =	simm.s32 @!p2 $0x0  }
0x16: {  	s3 =	sld [smem:$0x3FDB];
	s0 =	simm.s32 @p2 $0x1  }
0x17: {  	s4 =	simm.s32 $0x1BF5;
	[smem:$0x3FB6] =	sst s0  }
0x18: {  	s0 =	sld [smem:$0x3F99];
	_ =	swait.ge [sflag:s4], $0x0  }
0x19: {  	s7 =	sld [smem:$0x3F9A]  }
0x1a: {  	s8 =	sadd.s32 $0xFFFFE003, lr  }
0x1b: {  	s9 =	sadd.s32 $0xFFFFFEF7, lr;
	s5 =	simm.s32 $0xFFFFFFFF;
	p2 =	slt.u32 s8, $0xFFFFF086  }
0x1c: {  	p1 =	slt.u32 s9, $0xF7A;
	s5 =	simm.s32 @!p2 $0x0  }
0x1d: {  	s5 =	simm.s32 @p1 $0x1;
	p0 =	seq.s32 s7, s2  }
0x1e: {  	s7 =	smul.u32 @!p0 $0xF7A, s2;
	p2 =	seq.s32 @!p0 s5, $0x0  }
0x1f: {  	s9 =	smul.u32 $0xF7A, s1;
	s8 =	simm.s32 @!p0 $0x1BF5;
	p2 =	por !p2, p0  }
0x20: {  	[sflag:s8] =	ssyncset.s32 @!p0 $0xFFFFF086;
	s6 =	sadd.s32 @!p0 s3, s7;
	s7 =	simm.s32 @!p0 $0x108  }
0x21: {  	s3 =	sadd.s32 s3, s9;
	s6 =	sadd.s32 @!p0 $0x88, s6;
	s7 =	simm.s32 @p2 $0x1082  }
0x22: {  	[simem:s7], [sflag:s8] =	dma.local @!p0 [hbm:s6], $0xF7A  }
0x23: {  	s9 =	sor.u32 $0xD0000000, s2;
	s6 =	simm.s32 $0x108;
	_ =	swait.ge @!p0 [sflag:s8], $0x0  }
0x24: {  	s3 =	sadd.s32 $0x88, s3;
	s6 =	simm.s32 @!p1 $0x1082;
	[sflag:s4] =	ssyncset.s32 $0xFFFFF086  }
0x25: {  	[simem:s6], [sflag:s4] =	dma.local [hbm:s3], $0xF7A  }
0x26: {  	[smem:$0x3F9A] =	sst s1;
	(tag) =	ssettag s2;
	_ =	strace s9  }
0x27: {  	s1 =	sld [smem:$0x3FAA]  }
0x28: {  	s2 =	sld [smem:$0x3FAB]  }
0x29: {  	s4 =	sld [smem:$0x3FAD]  }
0x2a: {  	p0 =	seq.s32 s5, $0x0;
	s5 =	sld [smem:$0x3FAE]  }
0x2b: {  	s6 =	sld [smem:$0x3FAF]  }
0x2c: {  	s7 =	sld [smem:$0x3FB0]  }
0x2d: {  	s3 =	simm.s32 $0x108;
	s8 =	sld [smem:$0x3FB1]  }
0x2e: {  	s3 =	simm.s32 @!p0 $0x1082;
	s9 =	sld [smem:$0x3FB2]  }
0x2f: {  	lr =	sadd.s32 s0, s3;
	s0 =	sld [smem:$0x3FA9]  }
0x30: {  	s3 =	sld [smem:$0x3FAC]  }
0x31: {  	[smem:$0x3FB5] =	sst s10  }
0x32: {  	s10 =	sld [smem:$0x3FB3];
	_ =	sdelay $0x3  }
0x33: {  	p0 =	seq.s32 s10, $0x1;
	s10 =	sld [smem:$0x3FB5];
	_ =	sdelay $0x3  }
0x34: {  	[smem:$0x3FB5] =	sst s10  }
0x35: {  	s10 =	sld [smem:$0x3FB4];
	_ =	sdelay $0x3  }
0x36: {  	p1 =	seq.s32 s10, $0x1;
	s10 =	sld [smem:$0x3FB5];
	_ =	sdelay $0x3  }
0x37: {  	[smem:$0x3FB5] =	sst s10  }
0x38: {  	s10 =	sld [smem:$0x3FB6]  }
0x39: {  	_ = 	snop;
	(pc) =	sbr.ind lr, $3  }
0x3a: {  	_ = 	snop  }
0x3b: {  	_ = 	snop  }
0x3c: {  	p2 =	seq.s32 s10, $0x1;
	s10 =	sld [smem:$0x3FB5]  }
0x3d: {  	_ =	shalt  }
0x3e: {  	_ =	shalt  }
0x3f: {  	_ =	shalt  }
0x40: {  	_ =	shalt  }
0x41: {  	_ =	shalt  }
0x42: {  	_ =	shalt  }
0x43: {  	_ =	shalt  }
0x44: {  	_ =	shalt  }
0x45: {  	_ =	shalt  }
0x46: {  	_ =	shalt  }
0x47: {  	_ =	shalt  }
0x48: {  	_ =	shalt  }
0x49: {  	_ =	shalt  }
0x4a: {  	_ =	shalt  }
0x4b: {  	_ =	shalt  }
0x4c: {  	_ =	shalt  }
0x4d: {  	_ =	shalt  }
0x4e: {  	_ =	shalt  }
0x4f: {  	_ =	shalt  }
0x50: {  	_ =	shalt  }
0x51: {  	_ =	shalt  }
0x52: {  	_ =	shalt  }
0x53: {  	_ =	shalt  }
0x54: {  	_ =	shalt  }
0x55: {  	_ =	shalt  }
0x56: {  	_ =	shalt  }
0x57: {  	_ =	shalt  }
0x58: {  	_ =	shalt  }
0x59: {  	_ =	shalt  }
0x5a: {  	_ =	shalt  }
0x5b: {  	_ =	shalt  }
0x5c: {  	_ =	shalt  }
0x5d: {  	_ =	shalt  }
0x5e: {  	_ =	shalt  }
0x5f: {  	_ =	shalt  }
0x60: {  	_ =	shalt  }
0x61: {  	_ =	shalt  }
0x62: {  	_ =	shalt  }
0x63: {  	_ =	shalt  }
0x64: {  	_ =	shalt  }
0x65: {  	_ =	shalt  }
0x66: {  	_ =	shalt  }
0x67: {  	_ =	shalt  }
0x68: {  	_ =	shalt  }
0x69: {  	_ =	shalt  }
0x6a: {  	_ =	shalt  }
0x6b: {  	_ =	shalt  }
0x6c: {  	_ =	shalt  }
0x6d: {  	_ =	shalt  }
0x6e: {  	_ =	shalt  }
0x6f: {  	_ =	shalt  }
0x70: {  	_ =	shalt  }
0x71: {  	_ =	shalt  }
0x72: {  	_ =	shalt  }
0x73: {  	_ =	shalt  }
0x74: {  	_ =	shalt  }
0x75: {  	_ =	shalt  }
0x76: {  	_ =	shalt  }
0x77: {  	_ =	shalt  }
0x78: {  	_ =	shalt  }
0x79: {  	_ =	shalt  }
0x7a: {  	_ =	shalt  }
0x7b: {  	_ =	shalt  }
0x7c: {  	_ =	shalt  }
0x7d: {  	_ =	shalt  }
0x7e: {  	_ =	shalt  }
0x7f: {  	_ =	shalt  }
0x80: {  	_ =	shalt  }
0x81: {  	_ =	shalt  }
0x82: {  	_ =	shalt  }
0x83: {  	_ =	shalt  }
0x84: {  	_ =	shalt  }
0x85: {  	_ =	shalt  }
0x86: {  	_ =	shalt  }
0x87: {  	_ =	shalt  }
.Lfunc_end0:
.L_simem_size_0:
called_computation_lowered:
.L_overlay_start_0:
0x88: {  	s2 =	sld [smem:$0x3FD9]  }
0x89: {  	s3 =	sld [smem:$0x3FFE];
	_ =	sdelay $0x1  }
0x8a: {  	s1 =	srdreg.scid  }
0x8b: {  	s0 =	sand.u32 $0x1, s1  }
0x8c: {  	s17 =	sshll.u32 s0, $0xA;
	s2 =	sadd.s32 s3, s2  }
0x8d: {  	s2 =	sadd.s32 s2, s17  }
0x8e: {  	[smem:$0x3FC1] =	sst s2  }
0x8f: {  	_ = 	snop  }
0x90: {  	s2 =	sld [smem:$0x3FD0];
	(tm) =	ssettm $0x1  }
0x91: {  	s18 =	sld [smem:$0x3FFB];
	_ =	sdelay $0x3  }
0x92: {  	_ =	strace s18  }
0x93: {  	s3 =	sld [smem:$0x3FFC];
	_ =	sdelay $0x3  }
0x94: {  	_ =	strace s3  }
0x95: {  	s3 =	sld [smem:$0x3FFD];
	_ =	sdelay $0x3  }
0x96: {  	_ =	strace s3  }
0x97: {  	_ =	strace $0x8FFFFFFF  }
0x98: {  	s19 =	sld [smem:$0x3FDB];
	_ =	sdelay $0x1  }
0x99: {  	s4 =	simm.s32 $_scs_section_size  }
0x9a: {  	s5 =	simm.s32 $_size__tile_overlayer_lowered;
	s6 =	simm.s32 $_tile_overlayer_lowered  }
0x9b: {  	s22 =	simm.s32 $0x1BFF;
	s21 =	sshll.u32 s6, $0x1;
	s3 =	sadd.s32 s4, s19  }
0x9c: {  	s7 =	simm.s32 $0x0;
	s20 =	sshll.u32 s5, $0x1;
	s5 =	sadd.s32 s21, s3  }
0x9d: {  	[timem:s7], [sflag:s22] =	dma.local [hbm:s5], s20  }
0x9e: {  	_ =	swait.ge [sflag:s22], s20  }
0x9f: {  	s4 =	ssub.s32 $0x0, s20;
	[sflag:s22] =	ssyncset.done $0x0  }
0xa0: {  	[sflag:s22] =	ssyncadd.s32 s4;
	_ =	sdelay $0x1  }
0xa1: {  	s23 =	simm.s32 $0x1B8B  }
0xa2: {  	_ =	swait.ge [sflag:s23], $0x1  }
0xa3: {  	[sflag:s23] =	ssyncset.done $0x0  }
0xa4: {  	s25 =	simm.s32 $0x1B8E;
	s24 =	sld [smem:$0x3FFE];
	[sflag:s23] =	ssyncadd.s32 $0xFFFFFFFF  }
0xa5: {  	s26 =	simm.s32 $execute0_lowered;
	[smem:$0x3FD2] =	sst s25  }
0xa6: {  	s5 =	sshll.u32 s26, $0x1;
	_ =	strace $0x80000046;
	[dreg:$0x1] =	wrdreg $0xFFFFFFFF  }
0xa7: {  	s28 =	simm.s32 $_size_execute0_lowered;
	s3 =	sadd.s32 s3, s5;
	[dreg:$0x0] =	wrdreg $0x0  }
0xa8: {  	s5 =	sshll.u32 s28, $0x1;
	[dreg:$0x2] =	wrdreg s3  }
0xa9: {  	[dreg:$0x3] =	wrdreg s5  }
0xaa: {  	[dreg:$0x4] =	wrdreg $0xC0  }
0xab: {  	_ =	task [dreg:s7], $0x5FFFF  }
0xac: {  	[dreg:$0x1] =	wrdreg $0xFFFFFFFF  }
0xad: {  	[dreg:$0x0] =	wrdreg $0x60  }
0xae: {  	[dreg:$0x2] =	wrdreg s24  }
0xaf: {  	[dreg:$0x3] =	wrdreg s2  }
0xb0: {  	[dreg:$0x4] =	wrdreg $0x20000  }
0xb1: {  	[dreg:$0x5] =	wrdreg $0x30000  }
0xb2: {  	[dreg:$0x6] =	wrdreg $0x9  }
0xb3: {  	_ =	task.clear_ibuf [dreg:s7], $0x7FFFF;
	_ =	strace $0x90000046  }
0xb4: {  	s29 =	simm.s32 $0x9;
	_ =	strace $0x80000048  }
0xb5: {  	_ =	swait.ge [sflag:s29], $0x1  }
0xb6: {  	[sflag:s29] =	ssyncadd.s32 $0xFFFFFFFF  }
0xb7: {  	_ =	strace $0x90000048  }
0xb8: {  	_ =	sfence  }
0xb9: {  	s30 =	sld [smem:$0x0];
	_ =	sdelay $0x2  }
0xba: {  	s31 =	sshll.u32 s1, $0xD;
	s1 =	sshrl.u32 s1, $0x2  }
0xbb: {  	s3 =	sand.u32 $0x4000, s31;
	s1 =	sadd.s32 s1, s30  }
0xbc: {  	s0 =	sor.u32 s3, s0;
	s1 =	sshll.u32 s1, $0x11  }
0xbd: {  	s0 =	sor.u32 s1, s0  }
0xbe: {  	s0 =	sadd.s32 $0x8F2B, s0  }
0xbf: {  	[sflag:s0] =	ssyncadd.remote.s32 $0x1  }
0xc0: {  	_ =	sfence.sel $0xFFFF  }
0xc1: {  	[dreg:$0x0] =	wrdreg $0xFFFFFFFF;
	(pc) =	sbr.abs _section_cstart, $3  }
0xc2: {  	[dreg:$0x1] =	wrdreg $0xFFFFFFFF  }
0xc3: {  	_ =	task.clear_ibuf [dreg:s7], $0x2FFFF;
	_ =	strace $0x9FFFFFFF  }
0xc4: {  	(tm) =	ssettm $0x7FFFFFFF  }
0xc5: {  	_ =	shalt  }
tec
execute0_lowered:
.L_overlay_start_1:
0x0: {  	(tag) =	ssettag $0x1  }
0x1: {  	s0 =	rddreg [dreg:$0x0]  }
0x2: {  	s1 =	rddreg [dreg:$0x1]  }
0x3: {  	s2 =	rddreg [dreg:$0x2]  }
0x4: {  	s3 =	rddreg [dreg:$0x3]  }
0x5: {  	s5 =	srdreg.scid;
	s10 =	stileid.u32  }
0x6: {  	s4 =	simm.s32 $0x0;
	s15 =	simm.s32 $0x1C00;
	s16 =	simm.s32 $0x2  }
0x7: {  	s17 =	simm.s32 $0x1000;
	s18 =	simm.s32 $0x80;
	s19 =	simm.s32 $0x1400  }
0x8: {  	s22 =	simm.s32 $0xF00;
	s23 =	simm.s32 $0xF80;
	s28 =	simm.s32 $0x1200  }
0x9: {  	s29 =	simm.s32 $0x1280;
	s30 =	simm.s32 $0x1300;
	s31 =	simm.s32 $0x1380  }
0xa: {  	s5 =	sand.u32 $0x1, s5;
	s6 =	sshll.u32 s10, $0x1;
	[smem:$0x7FF] =	sst s4  }
0xb: {  	s9 =	sshll.u32 s10, $0xC;
	s10 =	sshll.u32 s10, $0xA;
	s8 =	sor.u32 s5, s6  }
0xc: {  	_ =	strace $0x80000047;
	s24 =	sshll.u32 s5, $0x10;
	s11 =	sshll.u32 s5, $0xE  }
0xd: {  	s5 =	ssub.s32 $0x2, s5;
	s6 =	sshll.u32 s8, $0x9;
	s11 =	sor.u32 s10, s11  }
0xe: {  	s26 =	sshrl.u32 s5, $0x1;
	s8 =	sshll.u32 s8, $0x7;
	s7 =	sadd.s32 s6, s0  }
0xf: {  	s6 =	sor.u32 s9, s24;
	s25 =	sshrl.u32 s11, $0x3;
	s11 =	ssub.s32 s5, s26  }
0x10: {  	s5 =	sadd.s32 s9, s2;
	s8 =	sadd.s32 s1, s8;
	s24 =	simm.s32 $0x1080  }
0x11: {  	s26 =	simm.s32 $0x1180;
	s1 =	simm.s32 $0x0;
	s6 =	sshrl.u32 s6, $0x3  }
0x12: {  	s7 =	sadd.s32 $0x1C00, s7;
	s11 =	smax.u32 s11, $0x1;
	s13 =	sadd.s32 $0x800, s5  }
0x13: {  	s14 =	sadd.s32 $0xC00, s5;
	s12 =	sadd.s32 s6, s0;
	s0 =	sadd.s32 s25, s0  }
0x14: {  	s6 =	sadd.s32 s10, s3;
	s25 =	simm.s32 $0x1100;
	s9 =	sadd.s32 $0x6C00, s12  }
0x15: {  	v0 =	vimm.f32 $0.0e+00;
	v1 =	vimm.f32 $1.000000000e+00;
	s10 =	sadd.s32 $0xAC00, s0;
	s12 =	sadd.s32 $0x400, s5;
	s0 =	simm.s32 $0x1  }
.LBB2_1:
0x16: {  	s20 =	simm.s32 $0x0  }
.LBB2_2:
0x17: {  	p0 =	sne.s32 s20, $0xFC0  }
.Ltmp0:
0x18: {  	_ = 	snop;
	(pc) =	sbr.rel @p0 .LBB2_2-.Ltmp0, $3  }
0x19: {  	_ =	sdelay $0x1  }
0x1a: {  	s21 =	sshra.s32 s20, $0x2  }
0x1b: {  	s20 =	sadd.s32 $0x40, s20;
	[tilespmem:s21+$0x1C00] =	vst v0  }
0x1c: {  	s20 =	simm.s32 $0x40;
	s21 =	simm.s32 $0x0  }
.LBB2_4:
0x1d: {  	p0 =	sne.s32 s20, $0x1FC0;
	[tilespmem:s21+$0x1400] =	vst v1;
	s21 =	smov.u32 s20;
	s20 =	sadd.s32 $0x40, s20  }
.Ltmp1:
0x1e: {  	(pc) =	sbr.rel @p0 .LBB2_4-.Ltmp1, $2  }
0x1f: {  	_ =	sdelay $0x2  }
0x20: {  	s21 =	sshra.s32 s21, $0x2  }
0x21: {  	[tilespmem:s21+$0x1400] =	vst v1  }
0x22: {  	[spmem:s5] =	stream.linear.scatter [tilespmem:s15], [sflag:$0x2], $0x400, $0x38;
	[tilespmem:$0x3400] =	vst v63  }
0x23: {  	_ =	swait.ge [sflag:s16], $0x400  }
0x24: {  	[sflag:s16] =	ssyncset.done $0x0  }
0x25: {  	[sflag:s16] =	ssyncadd.s32 $0xFFFFFC00  }
0x26: {  	[spmem:s12] =	stream.linear.scatter [tilespmem:s15], [sflag:$0x2], $0x400, $0x38;
	[tilespmem:$0x3400] =	vst v63  }
0x27: {  	_ =	swait.ge [sflag:s16], $0x400  }
0x28: {  	[sflag:s16] =	ssyncset.done $0x0  }
0x29: {  	[sflag:s16] =	ssyncadd.s32 $0xFFFFFC00  }
0x2a: {  	[spmem:s13] =	stream.linear.scatter [tilespmem:s15], [sflag:$0x2], $0x400, $0x38;
	[tilespmem:$0x3400] =	vst v63  }
0x2b: {  	_ =	swait.ge [sflag:s16], $0x400  }
0x2c: {  	[sflag:s16] =	ssyncset.done $0x0  }
0x2d: {  	[sflag:s16] =	ssyncadd.s32 $0xFFFFFC00  }
0x2e: {  	[spmem:s14] =	stream.linear.scatter [tilespmem:s15], [sflag:$0x2], $0x400, $0x38;
	[tilespmem:$0x3400] =	vst v63  }
0x2f: {  	_ =	swait.ge [sflag:s16], $0x400  }
0x30: {  	[sflag:s16] =	ssyncset.done $0x0  }
0x31: {  	[sflag:s16] =	ssyncadd.s32 $0xFFFFFC00  }
0x32: {  	[spmem:s6] =	stream.linear.scatter [tilespmem:s15], [sflag:$0x2], $0x400, $0x38;
	[tilespmem:$0x3400] =	vst v63  }
0x33: {  	_ =	swait.ge [sflag:s16], $0x400  }
0x34: {  	[sflag:s16] =	ssyncset.done $0x0  }
0x35: {  	[sflag:s16] =	ssyncadd.s32 $0xFFFFFC00  }
0x36: {  	[tilespmem:s4], [sflag:$0x2] =	stream.linear.gather [hbm4b:s7+s4], $0x1000, $0x38;
	[tilespmem:$0x3400] =	vst v63  }
0x37: {  	_ =	swait.ge [sflag:s16], $0x1000  }
0x38: {  	[sflag:s16] =	ssyncset.done $0x0  }
0x39: {  	[sflag:s16] =	ssyncadd.s32 $0xFFFFF000  }
0x3a: {  	[tilespmem:s17], [sflag:$0x2] =	stream.linear.gather [hbm4b:s8+s4], $0x400, $0x38;
	[tilespmem:$0x3400] =	vst v63  }
0x3b: {  	_ =	swait.ge [sflag:s16], $0x400  }
0x3c: {  	[sflag:s16] =	ssyncset.done $0x0  }
0x3d: {  	[sflag:s16] =	ssyncadd.s32 $0xFFFFFC00  }
0x3e: {  	[bflag:$0x0] =	sbarrier.arrive $0xFFFF  }
0x3f: {  	[spmem:s2] =	stream.indirect.scatter.add.f32 [tilespmem:s19], [sflag:$0x1], $0x10, s4, s18, $0xb8;
	[tilespmem:$0x3400] =	vst v63  }
0x40: {  	_ = 	snop  }
0x41: {  	[spmem:s2] =	stream.indirect.scatter.add.f32 [tilespmem:s19], [sflag:$0x1], $0x10, s18, s18, $0xb8;
	[tilespmem:$0x3400] =	vst v63  }
0x42: {  	s20 =	simm.s32 $0x100  }
0x43: {  	[spmem:s2] =	stream.indirect.scatter.add.f32 [tilespmem:s19], [sflag:$0x1], $0x10, s20, s18, $0xb8;
	[tilespmem:$0x3400] =	vst v63  }
0x44: {  	s21 =	simm.s32 $0x180  }
0x45: {  	[spmem:s2] =	stream.indirect.scatter.add.f32 [tilespmem:s19], [sflag:$0x1], $0x10, s21, s18, $0xb8;
	[tilespmem:$0x3400] =	vst v63  }
0x46: {  	s21 =	simm.s32 $0x200  }
0x47: {  	[spmem:s2] =	stream.indirect.scatter.add.f32 [tilespmem:s19], [sflag:$0x1], $0x10, s21, s18, $0xb8;
	[tilespmem:$0x3400] =	vst v63  }
0x48: {  	s21 =	simm.s32 $0x280  }
0x49: {  	[spmem:s2] =	stream.indirect.scatter.add.f32 [tilespmem:s19], [sflag:$0x1], $0x10, s21, s18, $0xb8;
	[tilespmem:$0x3400] =	vst v63  }
0x4a: {  	s21 =	simm.s32 $0x300  }
0x4b: {  	[spmem:s2] =	stream.indirect.scatter.add.f32 [tilespmem:s19], [sflag:$0x1], $0x10, s21, s18, $0xb8;
	[tilespmem:$0x3400] =	vst v63  }
0x4c: {  	s21 =	simm.s32 $0x380  }
0x4d: {  	[spmem:s2] =	stream.indirect.scatter.add.f32 [tilespmem:s19], [sflag:$0x1], $0x10, s21, s18, $0xb8;
	[tilespmem:$0x3400] =	vst v63  }
0x4e: {  	s21 =	simm.s32 $0x400  }
0x4f: {  	[spmem:s2] =	stream.indirect.scatter.add.f32 [tilespmem:s19], [sflag:$0x1], $0x10, s21, s18, $0xb8;
	[tilespmem:$0x3400] =	vst v63  }
0x50: {  	s21 =	simm.s32 $0x480  }
0x51: {  	[spmem:s2] =	stream.indirect.scatter.add.f32 [tilespmem:s19], [sflag:$0x1], $0x10, s21, s18, $0xb8;
	[tilespmem:$0x3400] =	vst v63  }
0x52: {  	s21 =	simm.s32 $0x500  }
0x53: {  	[spmem:s2] =	stream.indirect.scatter.add.f32 [tilespmem:s19], [sflag:$0x1], $0x10, s21, s18, $0xb8;
	[tilespmem:$0x3400] =	vst v63  }
0x54: {  	s21 =	simm.s32 $0x580  }
0x55: {  	[spmem:s2] =	stream.indirect.scatter.add.f32 [tilespmem:s19], [sflag:$0x1], $0x10, s21, s18, $0xb8;
	[tilespmem:$0x3400] =	vst v63  }
0x56: {  	s21 =	simm.s32 $0x600  }
0x57: {  	[spmem:s2] =	stream.indirect.scatter.add.f32 [tilespmem:s19], [sflag:$0x1], $0x10, s21, s18, $0xb8;
	[tilespmem:$0x3400] =	vst v63  }
0x58: {  	s21 =	simm.s32 $0x680  }
0x59: {  	[spmem:s2] =	stream.indirect.scatter.add.f32 [tilespmem:s19], [sflag:$0x1], $0x10, s21, s18, $0xb8;
	[tilespmem:$0x3400] =	vst v63  }
0x5a: {  	s21 =	simm.s32 $0x700  }
0x5b: {  	[spmem:s2] =	stream.indirect.scatter.add.f32 [tilespmem:s19], [sflag:$0x1], $0x10, s21, s18, $0xb8;
	[tilespmem:$0x3400] =	vst v63  }
0x5c: {  	s21 =	simm.s32 $0x780  }
0x5d: {  	[spmem:s2] =	stream.indirect.scatter.add.f32 [tilespmem:s19], [sflag:$0x1], $0x10, s21, s18, $0xb8;
	[tilespmem:$0x3400] =	vst v63  }
0x5e: {  	s21 =	simm.s32 $0x800  }
0x5f: {  	[spmem:s2] =	stream.indirect.scatter.add.f32 [tilespmem:s19], [sflag:$0x1], $0x10, s21, s18, $0xb8;
	[tilespmem:$0x3400] =	vst v63  }
0x60: {  	s21 =	simm.s32 $0x880  }
0x61: {  	[spmem:s2] =	stream.indirect.scatter.add.f32 [tilespmem:s19], [sflag:$0x1], $0x10, s21, s18, $0xb8;
	[tilespmem:$0x3400] =	vst v63  }
0x62: {  	s21 =	simm.s32 $0x900  }
0x63: {  	[spmem:s2] =	stream.indirect.scatter.add.f32 [tilespmem:s19], [sflag:$0x1], $0x10, s21, s18, $0xb8;
	[tilespmem:$0x3400] =	vst v63  }
0x64: {  	s21 =	simm.s32 $0x980  }
0x65: {  	[spmem:s2] =	stream.indirect.scatter.add.f32 [tilespmem:s19], [sflag:$0x1], $0x10, s21, s18, $0xb8;
	[tilespmem:$0x3400] =	vst v63  }
0x66: {  	s21 =	simm.s32 $0xA00  }
0x67: {  	[spmem:s2] =	stream.indirect.scatter.add.f32 [tilespmem:s19], [sflag:$0x1], $0x10, s21, s18, $0xb8;
	[tilespmem:$0x3400] =	vst v63  }
0x68: {  	s21 =	simm.s32 $0xA80  }
0x69: {  	[spmem:s2] =	stream.indirect.scatter.add.f32 [tilespmem:s19], [sflag:$0x1], $0x10, s21, s18, $0xb8;
	[tilespmem:$0x3400] =	vst v63  }
0x6a: {  	s21 =	simm.s32 $0xB00  }
0x6b: {  	[spmem:s2] =	stream.indirect.scatter.add.f32 [tilespmem:s19], [sflag:$0x1], $0x10, s21, s18, $0xb8;
	[tilespmem:$0x3400] =	vst v63  }
0x6c: {  	s21 =	simm.s32 $0xB80  }
0x6d: {  	[spmem:s2] =	stream.indirect.scatter.add.f32 [tilespmem:s19], [sflag:$0x1], $0x10, s21, s18, $0xb8;
	[tilespmem:$0x3400] =	vst v63  }
0x6e: {  	s21 =	simm.s32 $0xC00  }
0x6f: {  	[spmem:s2] =	stream.indirect.scatter.add.f32 [tilespmem:s19], [sflag:$0x1], $0x10, s21, s18, $0xb8;
	[tilespmem:$0x3400] =	vst v63  }
0x70: {  	s21 =	simm.s32 $0xC80  }
0x71: {  	[spmem:s2] =	stream.indirect.scatter.add.f32 [tilespmem:s19], [sflag:$0x1], $0x10, s21, s18, $0xb8;
	[tilespmem:$0x3400] =	vst v63  }
0x72: {  	s21 =	simm.s32 $0xD00  }
0x73: {  	[spmem:s2] =	stream.indirect.scatter.add.f32 [tilespmem:s19], [sflag:$0x1], $0x10, s21, s18, $0xb8;
	[tilespmem:$0x3400] =	vst v63  }
0x74: {  	s21 =	simm.s32 $0xD80  }
0x75: {  	[spmem:s2] =	stream.indirect.scatter.add.f32 [tilespmem:s19], [sflag:$0x1], $0x10, s21, s18, $0xb8;
	[tilespmem:$0x3400] =	vst v63  }
0x76: {  	s21 =	simm.s32 $0xE00  }
0x77: {  	[spmem:s2] =	stream.indirect.scatter.add.f32 [tilespmem:s19], [sflag:$0x1], $0x10, s21, s18, $0xb8;
	[tilespmem:$0x3400] =	vst v63  }
0x78: {  	s21 =	simm.s32 $0xE80  }
0x79: {  	[spmem:s2] =	stream.indirect.scatter.add.f32 [tilespmem:s19], [sflag:$0x1], $0x10, s21, s18, $0xb8;
	[tilespmem:$0x3400] =	vst v63  }
0x7a: {  	_ = 	snop  }
0x7b: {  	[spmem:s2] =	stream.indirect.scatter.add.f32 [tilespmem:s19], [sflag:$0x1], $0x10, s22, s18, $0xb8;
	[tilespmem:$0x3400] =	vst v63  }
0x7c: {  	_ = 	snop  }
0x7d: {  	[spmem:s2] =	stream.indirect.scatter.add.f32 [tilespmem:s19], [sflag:$0x1], $0x10, s23, s18, $0xb8;
	[tilespmem:$0x3400] =	vst v63  }
0x7e: {  	_ = 	snop  }
0x7f: {  	[spmem:s3] =	stream.indirect.scatter.add.f32 [tilespmem:s19], [sflag:$0x1], $0x10, s17, s18, $0xb8;
	[tilespmem:$0x3400] =	vst v63  }
0x80: {  	_ = 	snop  }
0x81: {  	[spmem:s3] =	stream.indirect.scatter.add.f32 [tilespmem:s19], [sflag:$0x1], $0x10, s24, s18, $0xb8;
	[tilespmem:$0x3400] =	vst v63  }
0x82: {  	_ = 	snop  }
0x83: {  	[spmem:s3] =	stream.indirect.scatter.add.f32 [tilespmem:s19], [sflag:$0x1], $0x10, s25, s18, $0xb8;
	[tilespmem:$0x3400] =	vst v63  }
0x84: {  	_ = 	snop  }
0x85: {  	[spmem:s3] =	stream.indirect.scatter.add.f32 [tilespmem:s19], [sflag:$0x1], $0x10, s26, s18, $0xb8;
	[tilespmem:$0x3400] =	vst v63  }
0x86: {  	_ = 	snop  }
0x87: {  	[spmem:s3] =	stream.indirect.scatter.add.f32 [tilespmem:s19], [sflag:$0x1], $0x10, s28, s18, $0xb8;
	[tilespmem:$0x3400] =	vst v63  }
0x88: {  	_ = 	snop  }
0x89: {  	[spmem:s3] =	stream.indirect.scatter.add.f32 [tilespmem:s19], [sflag:$0x1], $0x10, s29, s18, $0xb8;
	[tilespmem:$0x3400] =	vst v63  }
0x8a: {  	_ = 	snop  }
0x8b: {  	[spmem:s3] =	stream.indirect.scatter.add.f32 [tilespmem:s19], [sflag:$0x1], $0x10, s30, s18, $0xb8;
	[tilespmem:$0x3400] =	vst v63  }
0x8c: {  	_ = 	snop  }
0x8d: {  	[spmem:s3] =	stream.indirect.scatter.add.f32 [tilespmem:s19], [sflag:$0x1], $0x10, s31, s18, $0xb8;
	[tilespmem:$0x3400] =	vst v63  }
0x8e: {  	_ =	swait.ge [sflag:s0], $0x800  }
0x8f: {  	s20 =	simm.s32 $0x27;
	[sflag:s0] =	ssyncset.done $0x0  }
.LBB2_6:
0x90: {  	p0 =	sne.s32 s20, $0x1;
	s20 =	sadd.s32 $0xFFFFFFFF, s20;
	[sflag:s0] =	ssyncadd.s32 $0xFFFFF800  }
.Ltmp2:
0x91: {  	(pc) =	sbr.rel @p0 .LBB2_6-.Ltmp2, $3  }
0x92: {  	_ =	sdelay $0x1  }
0x93: {  	_ =	swait.ge [sflag:s0], $0x800  }
0x94: {  	[sflag:s0] =	ssyncset.done $0x0  }
0x95: {  	s20 =	stileid.u32  }
0x96: {  	[sflag:s0] =	ssyncadd.s32 $0xFFFFF800;
	s20 =	sshll.u32 s20, $0x6  }
0x97: {  	s21 =	sshrl.u32 s5, $0x3;
	[bflag:$0x0] =	sbarrier.arrive $0xFFFF;
	s20 =	sor.u32 $0x1C02, s20  }
0x98: {  	[hbm:s9], [sflag:s20] =	dma.local [spmem:s21], $0x200  }
0x99: {  	s1 =	sadd.s32 $0x1, s1;
	_ =	swait.ge [sflag:s16], $0x200  }
0x9a: {  	p0 =	sne.s32 s1, s11;
	[sflag:s16] =	ssyncset.done $0x0  }
.Ltmp3:
0x9b: {  	s21 =	sshrl.u32 s6, $0x3;
	[sflag:s16] =	ssyncadd.s32 $0xFFFFFE00;
	(pc) =	sbr.rel @p0 .LBB2_1-.Ltmp3, $4  }
0x9c: {  	[hbm:s10], [sflag:s20] =	dma.local [spmem:s21], $0x80  }
0x9d: {  	_ =	swait.ge [sflag:s16], $0x80  }
0x9e: {  	[sflag:s16] =	ssyncset.done $0x0  }
0x9f: {  	[sflag:s16] =	ssyncadd.s32 $0xFFFFFF80  }
0xa0: {  	_ =	sfence.sel $0x180000  }
0xa1: {  	[bflag:$0x0] =	sbarrier.arrive $0xFFFF  }
0xa2: {  	_ =	strace $0x90000047  }
0xa3: {  	s0 =	stileid.u32;
	[bflag:$0x2] =	sbarrier.arrive $0xFFFF  }
0xa4: {  	p0 =	sne.s32 s0, $0x0;
	s0 =	rddreg [dreg:$0x4]  }
0xa5: {  	s0 =	sadd.s32 @!p0 $0x100000, s0  }
0xa6: {  	[sflag:s0] =	ssyncadd.tile.s32 @!p0 $0x1;
	_ =	shalt  }
.Lfunc_end2:
_tile_overlayer_lowered:
.L_overlay_start_2:
0xa7: {  	(tag) =	ssettag $0x2  }
0xa8: {  	s0 =	rddreg [dreg:$0x0];
	s2 =	stileid.u32  }
0xa9: {  	s1 =	rddreg [dreg:$0x1];
	p0 =	sne.s32 s2, $0x0  }
0xaa: {  	s3 =	rddreg [dreg:$0x2];
	[bflag:$0x3] =	sbarrier.arrive $0xFFFF;
	s2 =	simm.s32 @!p0 $0x1C02  }
0xab: {  	[timem:s3], [sflag:s2] =	dma.local @!p0 [hbm:s0], s1  }
0xac: {  	s0 =	simm.s32 @!p0 $0x2  }
0xad: {  	_ =	swait.ge @!p0 [sflag:s0], s1  }
0xae: {  	s1 =	ssub.s32 @!p0 $0x0, s1;
	[sflag:s0] =	ssyncset.done @!p0 $0x0  }
0xaf: {  	[sflag:s0] =	ssyncadd.s32 @!p0 s1  }
0xb0: {  	[bflag:$0x3] =	sbarrier.arrive $0xFFFF  }
0xb1: {  	_ =	shalt  }

</sc_bundles>
